<compile_context>
chip_gen: v7x
topology: tpu7x:2x2x1
jax: 0.10.2.dev20260603
libtpu: 0.0.44.dev20260713+nightly
codegen_flags: <defaults>
</compile_context>

<pallas_src>
import functools

import jax
import jax.numpy as jnp
from jax import lax
from jax.experimental import pallas as pl
from jax.experimental.pallas import tpu as pltpu
from jax.experimental.pallas import tpu_sc as plsc

N_NODES = 10000
N_EDGES = 320000
D_FEAT = 128
N_CLASSES = 16

NC = 2
NS = 16
NW = NC * NS
GS = 1024
G = 10
E_PAD = 327680
W_CNT = 8
N_SP = 10112
ROWS_PER_TILE = N_SP // NS
BLK = 2000
BLK_F = 2048
EB = E_PAD // (N_NODES // BLK)


def _proj_body(x_ref, ei_ref, w2_ref, y_ref, r_ref, src_ref, dst_ref):
    y2 = jnp.dot(x_ref[...], w2_ref[...], preferred_element_type=jnp.float32)
    y_ref[:, :N_CLASSES] = y2[:, :N_CLASSES]
    r_ref[...] = y2[:, N_CLASSES:]
    i = pl.program_id(0)
    col = lax.broadcasted_iota(jnp.int32, (2, EB), 1)
    valid = col + i * EB < N_EDGES
    row = lax.broadcasted_iota(jnp.int32, (2, EB), 0)
    fill = jnp.where(row == 0, 0, N_NODES)
    sane = jnp.where(valid, ei_ref[...], fill)
    src_ref[...] = sane[0]
    dst_ref[...] = sane[1]


def _fin_body(p0_ref, p1_ref, r_ref, b_ref, out_ref):
    psum = p0_ref[0] + p1_ref[0]
    agg = psum[:, :N_CLASSES]
    cnt = psum[:, N_CLASSES:N_CLASSES + 1]
    mean = agg / jnp.maximum(cnt, 1.0)
    z = jnp.maximum(mean + b_ref[...] + r_ref[...], 0.0)
    m = jnp.max(z, axis=1, keepdims=True)
    lse = m + jnp.log(jnp.sum(jnp.exp(z - m), axis=1, keepdims=True))
    out_ref[...] = (z - lse).T


def _make_sc_kernel():
    mesh = plsc.VectorSubcoreMesh(core_axis_name="c", subcore_axis_name="s",
                                  num_cores=NC, num_subcores=NS)

    @functools.partial(
        pl.kernel,
        out_type=jax.ShapeDtypeStruct((NC, N_SP, D_FEAT), jnp.float32),
        mesh=mesh,
        scratch_types=[
            pltpu.VMEM((G, GS), jnp.int32),
            pltpu.VMEM((G, GS), jnp.int32),
            pltpu.VMEM((2, GS, N_CLASSES), jnp.float32),
            pltpu.VMEM((GS, W_CNT), jnp.float32),
            pltpu.VMEM((ROWS_PER_TILE, N_CLASSES), jnp.float32),
            pltpu.VMEM((ROWS_PER_TILE, W_CNT), jnp.float32),
            pltpu.VMEM_SHARED((N_SP, N_CLASSES), jnp.float32),
            pltpu.VMEM_SHARED((N_SP, N_CLASSES), jnp.float32),
            pltpu.VMEM_SHARED((N_SP, W_CNT), jnp.float32),
            pltpu.SemaphoreType.DMA((2,)),
        ],
        compiler_params=pltpu.CompilerParams(use_tc_tiling_on_sc=False),
    )
    def sc_aggregate(src_hbm, dst_hbm, y_hbm, zf_hbm, ones_hbm, out_hbm,
                     src_v, dst_v, rows_v, ones_v, fslab_v, cslab_v,
                     y_sh, agg_sh, cnt_sh, sems):
        c = lax.axis_index("c")
        s = lax.axis_index("s")
        wid = s * NC + c
        row0 = s * ROWS_PER_TILE
        e0 = wid * (G * GS)

        pltpu.sync_copy(
            y_hbm.at[pl.ds(row0, ROWS_PER_TILE), pl.ds(0, N_CLASSES)], fslab_v)
        pltpu.sync_copy(fslab_v, y_sh.at[pl.ds(row0, ROWS_PER_TILE)])
        pltpu.sync_copy(zf_hbm.at[pl.ds(row0, ROWS_PER_TILE)], fslab_v)
        pltpu.sync_copy(fslab_v, agg_sh.at[pl.ds(row0, ROWS_PER_TILE)])
        pltpu.sync_copy(
            zf_hbm.at[pl.ds(row0, ROWS_PER_TILE), pl.ds(0, W_CNT)], cslab_v)
        pltpu.sync_copy(cslab_v, cnt_sh.at[pl.ds(row0, ROWS_PER_TILE)])
        pltpu.sync_copy(ones_hbm, ones_v)
        for g in range(G):
            pltpu.sync_copy(src_hbm.at[pl.ds(e0 + g * GS, GS)], src_v.at[g])
            pltpu.sync_copy(dst_hbm.at[pl.ds(e0 + g * GS, GS)], dst_v.at[g])
        plsc.subcore_barrier()

        descs = [None] * G
        descs[0] = pltpu.async_copy(y_sh.at[src_v.at[0]], rows_v.at[0],
                                    sems.at[0])
        for g in range(G):
            if g + 1 < G:
                descs[g + 1] = pltpu.async_copy(
                    y_sh.at[src_v.at[g + 1]], rows_v.at[(g + 1) % 2],
                    sems.at[(g + 1) % 2])
            descs[g].wait()
            pltpu.sync_copy(rows_v.at[g % 2], agg_sh.at[dst_v.at[g]], add=True)
            pltpu.sync_copy(ones_v, cnt_sh.at[dst_v.at[g]], add=True)
        plsc.subcore_barrier()

        pltpu.sync_copy(agg_sh.at[pl.ds(row0, ROWS_PER_TILE)], fslab_v)
        pltpu.sync_copy(cnt_sh.at[pl.ds(row0, ROWS_PER_TILE)], cslab_v)
        pltpu.sync_copy(fslab_v, out_hbm.at[c, pl.ds(row0, ROWS_PER_TILE),
                                            pl.ds(0, N_CLASSES)])
        pltpu.sync_copy(cslab_v, out_hbm.at[c, pl.ds(row0, ROWS_PER_TILE),
                                            pl.ds(N_CLASSES, W_CNT)])

    return sc_aggregate


_SC_AGGREGATE = _make_sc_kernel()


def kernel(x, edge_index, W_l, b_l, W_r):
    ei = edge_index.astype(jnp.int32)
    w2 = jnp.concatenate([W_l.T, W_r.T], axis=1)

    y, r, src, dst = pl.pallas_call(
        _proj_body,
        grid=(N_NODES // BLK,),
        in_specs=[
            pl.BlockSpec((BLK, D_FEAT), lambda i: (i, 0)),
            pl.BlockSpec((2, EB), lambda i: (0, i)),
            pl.BlockSpec((D_FEAT, 2 * N_CLASSES), lambda i: (0, 0)),
        ],
        out_specs=[
            pl.BlockSpec((BLK, D_FEAT), lambda i: (i, 0)),
            pl.BlockSpec((BLK, N_CLASSES), lambda i: (i, 0)),
            pl.BlockSpec((EB,), lambda i: (i,)),
            pl.BlockSpec((EB,), lambda i: (i,)),
        ],
        out_shape=[
            jax.ShapeDtypeStruct((N_SP, D_FEAT), jnp.float32),
            jax.ShapeDtypeStruct((N_NODES, N_CLASSES), jnp.float32),
            jax.ShapeDtypeStruct((E_PAD,), jnp.int32),
            jax.ShapeDtypeStruct((E_PAD,), jnp.int32),
        ],
    )(x, ei, w2)

    zf = jnp.zeros((N_SP, N_CLASSES), jnp.float32)
    ones = jnp.ones((GS, W_CNT), jnp.float32)
    parts = _SC_AGGREGATE(src, dst, y, zf, ones)

    out_t = pl.pallas_call(
        _fin_body,
        grid=(5,),
        in_specs=[
            pl.BlockSpec((1, BLK_F, D_FEAT), lambda i: (0, i, 0)),
            pl.BlockSpec((1, BLK_F, D_FEAT), lambda i: (1, i, 0)),
            pl.BlockSpec((BLK_F, N_CLASSES), lambda i: (i, 0)),
            pl.BlockSpec((1, N_CLASSES), lambda i: (0, 0)),
        ],
        out_specs=pl.BlockSpec((N_CLASSES, BLK_F), lambda i: (0, i)),
        out_shape=jax.ShapeDtypeStruct((N_CLASSES, 5 * BLK_F), jnp.float32),
    )(parts, parts, r, b_l.reshape(1, N_CLASSES))
    return out_t[:, :N_NODES].T

# --- scband reference (transcript-rebuilt; emitter-appended) ---
"""Pipeline reference for scband-gnn-56693568307575 (READ-ONLY COPY).

The authoritative reference and input builder live on the scoring server;
editing this copy changes nothing except your own understanding.
"""

import jax, jax.numpy as jnp
import numpy as np

N_NODES = 10000
N_EDGES = 320000
D_FEAT = 128
N_CLASSES = 16


def setup_inputs(seed: int = 0) -> dict:
    key = jax.random.key(seed)
    k_x, k_ei, k_wl, k_bl, k_wr = jax.random.split(key, 5)
    x = jax.random.normal(k_x, (N_NODES, D_FEAT), dtype=jnp.float32)
    edge_index = jax.random.randint(k_ei, (2, N_EDGES), 0, N_NODES, dtype=jnp.int64)
    # SAGEConv parameters: lin_l (applied to aggregated neighbors, has bias),
    # lin_r (applied to root features, no bias) -- matching PyG SAGEConv defaults.
    scale = 1.0 / np.sqrt(D_FEAT)
    W_l = jax.random.uniform(k_wl, (N_CLASSES, D_FEAT), dtype=jnp.float32, minval=-scale, maxval=scale)
    b_l = jax.random.uniform(k_bl, (N_CLASSES,), dtype=jnp.float32, minval=-scale, maxval=scale)
    W_r = jax.random.uniform(k_wr, (N_CLASSES, D_FEAT), dtype=jnp.float32, minval=-scale, maxval=scale)
    return {"x": x, "edge_index": edge_index, "W_l": W_l, "b_l": b_l, "W_r": W_r}


def reference(x, edge_index, W_l, b_l, W_r):
    # SAGEConv with mean aggregation (PyG default):
    #   out_i = W_l @ mean_{j in N(i)} x_j + b_l + W_r @ x_i
    src = edge_index[0]
    dst = edge_index[1]
    msgs = jnp.take(x, src, axis=0)                       # gather: [E, d]
    agg = jax.ops.segment_sum(msgs, dst, num_segments=N_NODES)  # scatter-add
    cnt = jax.ops.segment_sum(jnp.ones((msgs.shape[0],), dtype=x.dtype), dst, num_segments=N_NODES)
    mean = agg / jnp.clip(cnt, 1.0, None)[:, None]
    out = mean @ W_l.T + b_l + x @ W_r.T                  # conv1
    out = jax.nn.relu(out)                                # F.relu
    return jax.nn.log_softmax(out, axis=1)                # F.log_softmax(dim=1)

if __name__ == "__main__":
    import jax
    _d = setup_inputs()
    print(jax.jit(kernel)(*tuple(_d.values())))

</pallas_src>

<mosaic_0001>
#map = affine_map<(d0, d1) -> (0)>
#map1 = affine_map<(d0, d1) -> (0, 0)>
#map2 = affine_map<(d0, d1) -> (0, 0, 0)>
module attributes {stable_mosaic.version = 14 : i64} {
  func.func @sc_aggregate(%arg0: i32, %arg1: i32, %arg2: memref<327680xi32, #tpu.memory_space<hbm>>, %arg3: memref<327680xi32, #tpu.memory_space<hbm>>, %arg4: memref<10112x128xf32, #tpu.memory_space<hbm>>, %arg5: memref<10112x16xf32, #tpu.memory_space<hbm>>, %arg6: memref<1024x8xf32, #tpu.memory_space<hbm>>, %arg7: memref<2x10112x128xf32, #tpu.memory_space<hbm>>, %arg8: memref<10x1024xi32, #tpu.memory_space<vmem>>, %arg9: memref<10x1024xi32, #tpu.memory_space<vmem>>, %arg10: memref<2x1024x16xf32, #tpu.memory_space<vmem>>, %arg11: memref<1024x8xf32, #tpu.memory_space<vmem>>, %arg12: memref<632x16xf32, #tpu.memory_space<vmem>>, %arg13: memref<632x8xf32, #tpu.memory_space<vmem>>, %arg14: memref<10112x16xf32, #tpu.memory_space<vmem_shared>>, %arg15: memref<10112x16xf32, #tpu.memory_space<vmem_shared>>, %arg16: memref<10112x8xf32, #tpu.memory_space<vmem_shared>>, %arg17: memref<2x!tpu.dma_semaphore, #tpu.memory_space<semaphore_mem>>) attributes {dimension_semantics = [#tpu.dimension_semantics<core_parallel>, #tpu.dimension_semantics<subcore_parallel>], iteration_bounds = array<i64: 2, 16>, scalar_prefetch = 0 : i64, scratch_operands = 10 : i64, tpu.core_type = #tpu.core_type<sc_vector_subcore>, window_params = [{transform_indices = #map}, {transform_indices = #map}, {transform_indices = #map1}, {transform_indices = #map1}, {transform_indices = #map1}, {transform_indices = #map2}]} {
    %mul3A = arith.constant 2 : i32
    %mul3A_0 = arith.muli %arg1, %mul3A : i32
    %add3A = arith.addi %mul3A_0, %arg0 : i32
    %mul3A_1 = arith.constant 632 : i32
    %mul3A_2 = arith.muli %arg1, %mul3A_1 : i32
    %mul3A_3 = arith.constant 10240 : i32
    %mul3A_4 = arith.muli %add3A, %mul3A_3 : i32
    "tpu.region"() ({
      %run_scoped3A_393 = tpu.sem_alloc : memref<!tpu.dma_semaphore, #tpu.memory_space<semaphore_mem>>
      %dma_start3A_394 = arith.constant 0 : i32
      %dma_start3A_395 = tpu.memref_slice %arg4[%mul3A_2, %dma_start3A_394] : memref<10112x128xf32, #tpu.memory_space<hbm>> -> memref<632x16xf32, #tpu.memory_space<hbm>>
      %dma_start3A_396 = arith.constant 0 : i32
      %dma_start3A_397 = tpu.memref_slice %arg4[%mul3A_2, %dma_start3A_396] : memref<10112x128xf32, #tpu.memory_space<hbm>> -> memref<632x16xf32, #tpu.memory_space<hbm>>
      tpu.enqueue_dma source(%dma_start3A_397 : memref<632x16xf32, #tpu.memory_space<hbm>>) target(%arg12 : memref<632x16xf32, #tpu.memory_space<vmem>>) target_semaphore(%run_scoped3A_393 : memref<!tpu.dma_semaphore, #tpu.memory_space<semaphore_mem>>)
      %dma_wait3A_398 = arith.constant 0 : i32
      %dma_wait3A_399 = tpu.memref_slice %arg4[%mul3A_2, %dma_wait3A_398] : memref<10112x128xf32, #tpu.memory_space<hbm>> -> memref<632x16xf32, #tpu.memory_space<hbm>>
      %dma_wait3A_400 = arith.constant 0 : i32
      %dma_wait3A_401 = tpu.memref_slice %arg4[%mul3A_2, %dma_wait3A_400] : memref<10112x128xf32, #tpu.memory_space<hbm>> -> memref<632x16xf32, #tpu.memory_space<hbm>>
      tpu.wait_dma2 semaphore(%run_scoped3A_393 : memref<!tpu.dma_semaphore, #tpu.memory_space<semaphore_mem>>) src(%dma_wait3A_401 : memref<632x16xf32, #tpu.memory_space<hbm>>) dst(%arg12 : memref<632x16xf32, #tpu.memory_space<vmem>>)
      tpu.yield
    }) : () -> ()
    "tpu.region"() ({
      %run_scoped3A_393 = tpu.sem_alloc : memref<!tpu.dma_semaphore, #tpu.memory_space<semaphore_mem>>
      %dma_start3A_394 = arith.constant 0 : i32
      %dma_start3A_395 = tpu.memref_slice %arg14[%mul3A_2, %dma_start3A_394] : memref<10112x16xf32, #tpu.memory_space<vmem_shared>> -> memref<632x16xf32, #tpu.memory_space<vmem_shared>>
      %dma_start3A_396 = arith.constant 0 : i32
      %dma_start3A_397 = tpu.memref_slice %arg14[%mul3A_2, %dma_start3A_396] : memref<10112x16xf32, #tpu.memory_space<vmem_shared>> -> memref<632x16xf32, #tpu.memory_space<vmem_shared>>
      tpu.enqueue_dma source(%arg12 : memref<632x16xf32, #tpu.memory_space<vmem>>) target(%dma_start3A_397 : memref<632x16xf32, #tpu.memory_space<vmem_shared>>) target_semaphore(%run_scoped3A_393 : memref<!tpu.dma_semaphore, #tpu.memory_space<semaphore_mem>>)
      %dma_wait3A_398 = arith.constant 0 : i32
      %dma_wait3A_399 = tpu.memref_slice %arg14[%mul3A_2, %dma_wait3A_398] : memref<10112x16xf32, #tpu.memory_space<vmem_shared>> -> memref<632x16xf32, #tpu.memory_space<vmem_shared>>
      %dma_wait3A_400 = arith.constant 0 : i32
      %dma_wait3A_401 = tpu.memref_slice %arg14[%mul3A_2, %dma_wait3A_400] : memref<10112x16xf32, #tpu.memory_space<vmem_shared>> -> memref<632x16xf32, #tpu.memory_space<vmem_shared>>
      tpu.wait_dma2 semaphore(%run_scoped3A_393 : memref<!tpu.dma_semaphore, #tpu.memory_space<semaphore_mem>>) src(%arg12 : memref<632x16xf32, #tpu.memory_space<vmem>>) dst(%dma_wait3A_401 : memref<632x16xf32, #tpu.memory_space<vmem_shared>>)
      tpu.yield
    }) : () -> ()
    "tpu.region"() ({
      %run_scoped3A_393 = tpu.sem_alloc : memref<!tpu.dma_semaphore, #tpu.memory_space<semaphore_mem>>
      %dma_start3A_394 = arith.constant 0 : i32
      %dma_start3A_395 = tpu.memref_slice %arg5[%mul3A_2, %dma_start3A_394] : memref<10112x16xf32, #tpu.memory_space<hbm>> -> memref<632x16xf32, #tpu.memory_space<hbm>>
      %dma_start3A_396 = arith.constant 0 : i32
      %dma_start3A_397 = tpu.memref_slice %arg5[%mul3A_2, %dma_start3A_396] : memref<10112x16xf32, #tpu.memory_space<hbm>> -> memref<632x16xf32, #tpu.memory_space<hbm>>
      tpu.enqueue_dma source(%dma_start3A_397 : memref<632x16xf32, #tpu.memory_space<hbm>>) target(%arg12 : memref<632x16xf32, #tpu.memory_space<vmem>>) target_semaphore(%run_scoped3A_393 : memref<!tpu.dma_semaphore, #tpu.memory_space<semaphore_mem>>)
      %dma_wait3A_398 = arith.constant 0 : i32
      %dma_wait3A_399 = tpu.memref_slice %arg5[%mul3A_2, %dma_wait3A_398] : memref<10112x16xf32, #tpu.memory_space<hbm>> -> memref<632x16xf32, #tpu.memory_space<hbm>>
      %dma_wait3A_400 = arith.constant 0 : i32
      %dma_wait3A_401 = tpu.memref_slice %arg5[%mul3A_2, %dma_wait3A_400] : memref<10112x16xf32, #tpu.memory_space<hbm>> -> memref<632x16xf32, #tpu.memory_space<hbm>>
      tpu.wait_dma2 semaphore(%run_scoped3A_393 : memref<!tpu.dma_semaphore, #tpu.memory_space<semaphore_mem>>) src(%dma_wait3A_401 : memref<632x16xf32, #tpu.memory_space<hbm>>) dst(%arg12 : memref<632x16xf32, #tpu.memory_space<vmem>>)
      tpu.yield
    }) : () -> ()
    "tpu.region"() ({
      %run_scoped3A_393 = tpu.sem_alloc : memref<!tpu.dma_semaphore, #tpu.memory_space<semaphore_mem>>
      %dma_start3A_394 = arith.constant 0 : i32
      %dma_start3A_395 = tpu.memref_slice %arg15[%mul3A_2, %dma_start3A_394] : memref<10112x16xf32, #tpu.memory_space<vmem_shared>> -> memref<632x16xf32, #tpu.memory_space<vmem_shared>>
      %dma_start3A_396 = arith.constant 0 : i32
      %dma_start3A_397 = tpu.memref_slice %arg15[%mul3A_2, %dma_start3A_396] : memref<10112x16xf32, #tpu.memory_space<vmem_shared>> -> memref<632x16xf32, #tpu.memory_space<vmem_shared>>
      tpu.enqueue_dma source(%arg12 : memref<632x16xf32, #tpu.memory_space<vmem>>) target(%dma_start3A_397 : memref<632x16xf32, #tpu.memory_space<vmem_shared>>) target_semaphore(%run_scoped3A_393 : memref<!tpu.dma_semaphore, #tpu.memory_space<semaphore_mem>>)
      %dma_wait3A_398 = arith.constant 0 : i32
      %dma_wait3A_399 = tpu.memref_slice %arg15[%mul3A_2, %dma_wait3A_398] : memref<10112x16xf32, #tpu.memory_space<vmem_shared>> -> memref<632x16xf32, #tpu.memory_space<vmem_shared>>
      %dma_wait3A_400 = arith.constant 0 : i32
      %dma_wait3A_401 = tpu.memref_slice %arg15[%mul3A_2, %dma_wait3A_400] : memref<10112x16xf32, #tpu.memory_space<vmem_shared>> -> memref<632x16xf32, #tpu.memory_space<vmem_shared>>
      tpu.wait_dma2 semaphore(%run_scoped3A_393 : memref<!tpu.dma_semaphore, #tpu.memory_space<semaphore_mem>>) src(%arg12 : memref<632x16xf32, #tpu.memory_space<vmem>>) dst(%dma_wait3A_401 : memref<632x16xf32, #tpu.memory_space<vmem_shared>>)
      tpu.yield
    }) : () -> ()
    "tpu.region"() ({
      %run_scoped3A_393 = tpu.sem_alloc : memref<!tpu.dma_semaphore, #tpu.memory_space<semaphore_mem>>
      %dma_start3A_394 = arith.constant 0 : i32
      %dma_start3A_395 = tpu.memref_slice %arg5[%mul3A_2, %dma_start3A_394] : memref<10112x16xf32, #tpu.memory_space<hbm>> -> memref<632x8xf32, #tpu.memory_space<hbm>>
      %dma_start3A_396 = arith.constant 0 : i32
      %dma_start3A_397 = tpu.memref_slice %arg5[%mul3A_2, %dma_start3A_396] : memref<10112x16xf32, #tpu.memory_space<hbm>> -> memref<632x8xf32, #tpu.memory_space<hbm>>
      tpu.enqueue_dma source(%dma_start3A_397 : memref<632x8xf32, #tpu.memory_space<hbm>>) target(%arg13 : memref<632x8xf32, #tpu.memory_space<vmem>>) target_semaphore(%run_scoped3A_393 : memref<!tpu.dma_semaphore, #tpu.memory_space<semaphore_mem>>)
      %dma_wait3A_398 = arith.constant 0 : i32
      %dma_wait3A_399 = tpu.memref_slice %arg5[%mul3A_2, %dma_wait3A_398] : memref<10112x16xf32, #tpu.memory_space<hbm>> -> memref<632x8xf32, #tpu.memory_space<hbm>>
      %dma_wait3A_400 = arith.constant 0 : i32
      %dma_wait3A_401 = tpu.memref_slice %arg5[%mul3A_2, %dma_wait3A_400] : memref<10112x16xf32, #tpu.memory_space<hbm>> -> memref<632x8xf32, #tpu.memory_space<hbm>>
      tpu.wait_dma2 semaphore(%run_scoped3A_393 : memref<!tpu.dma_semaphore, #tpu.memory_space<semaphore_mem>>) src(%dma_wait3A_401 : memref<632x8xf32, #tpu.memory_space<hbm>>) dst(%arg13 : memref<632x8xf32, #tpu.memory_space<vmem>>)
      tpu.yield
    }) : () -> ()
    "tpu.region"() ({
      %run_scoped3A_393 = tpu.sem_alloc : memref<!tpu.dma_semaphore, #tpu.memory_space<semaphore_mem>>
      %dma_start3A_394 = arith.constant 0 : i32
      %dma_start3A_395 = tpu.memref_slice %arg16[%mul3A_2, %dma_start3A_394] : memref<10112x8xf32, #tpu.memory_space<vmem_shared>> -> memref<632x8xf32, #tpu.memory_space<vmem_shared>>
      %dma_start3A_396 = arith.constant 0 : i32
      %dma_start3A_397 = tpu.memref_slice %arg16[%mul3A_2, %dma_start3A_396] : memref<10112x8xf32, #tpu.memory_space<vmem_shared>> -> memref<632x8xf32, #tpu.memory_space<vmem_shared>>
      tpu.enqueue_dma source(%arg13 : memref<632x8xf32, #tpu.memory_space<vmem>>) target(%dma_start3A_397 : memref<632x8xf32, #tpu.memory_space<vmem_shared>>) target_semaphore(%run_scoped3A_393 : memref<!tpu.dma_semaphore, #tpu.memory_space<semaphore_mem>>)
      %dma_wait3A_398 = arith.constant 0 : i32
      %dma_wait3A_399 = tpu.memref_slice %arg16[%mul3A_2, %dma_wait3A_398] : memref<10112x8xf32, #tpu.memory_space<vmem_shared>> -> memref<632x8xf32, #tpu.memory_space<vmem_shared>>
      %dma_wait3A_400 = arith.constant 0 : i32
      %dma_wait3A_401 = tpu.memref_slice %arg16[%mul3A_2, %dma_wait3A_400] : memref<10112x8xf32, #tpu.memory_space<vmem_shared>> -> memref<632x8xf32, #tpu.memory_space<vmem_shared>>
      tpu.wait_dma2 semaphore(%run_scoped3A_393 : memref<!tpu.dma_semaphore, #tpu.memory_space<semaphore_mem>>) src(%arg13 : memref<632x8xf32, #tpu.memory_space<vmem>>) dst(%dma_wait3A_401 : memref<632x8xf32, #tpu.memory_space<vmem_shared>>)
      tpu.yield
    }) : () -> ()
    "tpu.region"() ({
      %run_scoped3A_393 = tpu.sem_alloc : memref<!tpu.dma_semaphore, #tpu.memory_space<semaphore_mem>>
      tpu.enqueue_dma source(%arg6 : memref<1024x8xf32, #tpu.memory_space<hbm>>) target(%arg11 : memref<1024x8xf32, #tpu.memory_space<vmem>>) target_semaphore(%run_scoped3A_393 : memref<!tpu.dma_semaphore, #tpu.memory_space<semaphore_mem>>)
      tpu.wait_dma2 semaphore(%run_scoped3A_393 : memref<!tpu.dma_semaphore, #tpu.memory_space<semaphore_mem>>) src(%arg6 : memref<1024x8xf32, #tpu.memory_space<hbm>>) dst(%arg11 : memref<1024x8xf32, #tpu.memory_space<vmem>>)
      tpu.yield
    }) : () -> ()
    %add3A_5 = arith.constant 0 : i32
    %add3A_6 = arith.addi %mul3A_4, %add3A_5 : i32
    %run_scoped3A = arith.constant 0 : i32
    "tpu.region"() ({
      %run_scoped3A_393 = tpu.sem_alloc : memref<!tpu.dma_semaphore, #tpu.memory_space<semaphore_mem>>
      %dma_start3A_394 = arith.constant 0 : i32
      %dma_start3A_395 = tpu.memref_slice %arg8[%run_scoped3A, %dma_start3A_394] : memref<10x1024xi32, #tpu.memory_space<vmem>> -> memref<1x1024xi32, #tpu.memory_space<vmem>>
      %dma_start3A_396 = tpu.memref_squeeze %dma_start3A_395 : memref<1x1024xi32, #tpu.memory_space<vmem>> -> memref<1024xi32, #tpu.memory_space<vmem>>
      %dma_start3A_397 = tpu.memref_slice %arg2[%add3A_6] : memref<327680xi32, #tpu.memory_space<hbm>> -> memref<1024xi32, #tpu.memory_space<hbm>>
      %dma_start3A_398 = arith.constant 0 : i32
      %dma_start3A_399 = tpu.memref_slice %arg8[%run_scoped3A, %dma_start3A_398] : memref<10x1024xi32, #tpu.memory_space<vmem>> -> memref<1x1024xi32, #tpu.memory_space<vmem>>
      %dma_start3A_400 = tpu.memref_squeeze %dma_start3A_399 : memref<1x1024xi32, #tpu.memory_space<vmem>> -> memref<1024xi32, #tpu.memory_space<vmem>>
      %dma_start3A_401 = tpu.memref_slice %arg2[%add3A_6] : memref<327680xi32, #tpu.memory_space<hbm>> -> memref<1024xi32, #tpu.memory_space<hbm>>
      tpu.enqueue_dma source(%dma_start3A_401 : memref<1024xi32, #tpu.memory_space<hbm>>) target(%dma_start3A_400 : memref<1024xi32, #tpu.memory_space<vmem>>) target_semaphore(%run_scoped3A_393 : memref<!tpu.dma_semaphore, #tpu.memory_space<semaphore_mem>>)
      %dma_wait3A_402 = arith.constant 0 : i32
      %dma_wait3A_403 = tpu.memref_slice %arg8[%run_scoped3A, %dma_wait3A_402] : memref<10x1024xi32, #tpu.memory_space<vmem>> -> memref<1x1024xi32, #tpu.memory_space<vmem>>
      %dma_wait3A_404 = tpu.memref_squeeze %dma_wait3A_403 : memref<1x1024xi32, #tpu.memory_space<vmem>> -> memref<1024xi32, #tpu.memory_space<vmem>>
      %dma_wait3A_405 = tpu.memref_slice %arg2[%add3A_6] : memref<327680xi32, #tpu.memory_space<hbm>> -> memref<1024xi32, #tpu.memory_space<hbm>>
      %dma_wait3A_406 = arith.constant 0 : i32
      %dma_wait3A_407 = tpu.memref_slice %arg8[%run_scoped3A, %dma_wait3A_406] : memref<10x1024xi32, #tpu.memory_space<vmem>> -> memref<1x1024xi32, #tpu.memory_space<vmem>>
      %dma_wait3A_408 = tpu.memref_squeeze %dma_wait3A_407 : memref<1x1024xi32, #tpu.memory_space<vmem>> -> memref<1024xi32, #tpu.memory_space<vmem>>
      %dma_wait3A_409 = tpu.memref_slice %arg2[%add3A_6] : memref<327680xi32, #tpu.memory_space<hbm>> -> memref<1024xi32, #tpu.memory_space<hbm>>
      tpu.wait_dma2 semaphore(%run_scoped3A_393 : memref<!tpu.dma_semaphore, #tpu.memory_space<semaphore_mem>>) src(%dma_wait3A_409 : memref<1024xi32, #tpu.memory_space<hbm>>) dst(%dma_wait3A_408 : memref<1024xi32, #tpu.memory_space<vmem>>)
      tpu.yield
    }) : () -> ()
    %add3A_7 = arith.constant 0 : i32
    %add3A_8 = arith.addi %mul3A_4, %add3A_7 : i32
    %run_scoped3A_9 = arith.constant 0 : i32
    "tpu.region"() ({
      %run_scoped3A_393 = tpu.sem_alloc : memref<!tpu.dma_semaphore, #tpu.memory_space<semaphore_mem>>
      %dma_start3A_394 = arith.constant 0 : i32
      %dma_start3A_395 = tpu.memref_slice %arg9[%run_scoped3A_9, %dma_start3A_394] : memref<10x1024xi32, #tpu.memory_space<vmem>> -> memref<1x1024xi32, #tpu.memory_space<vmem>>
      %dma_start3A_396 = tpu.memref_squeeze %dma_start3A_395 : memref<1x1024xi32, #tpu.memory_space<vmem>> -> memref<1024xi32, #tpu.memory_space<vmem>>
      %dma_start3A_397 = tpu.memref_slice %arg3[%add3A_8] : memref<327680xi32, #tpu.memory_space<hbm>> -> memref<1024xi32, #tpu.memory_space<hbm>>
      %dma_start3A_398 = arith.constant 0 : i32
      %dma_start3A_399 = tpu.memref_slice %arg9[%run_scoped3A_9, %dma_start3A_398] : memref<10x1024xi32, #tpu.memory_space<vmem>> -> memref<1x1024xi32, #tpu.memory_space<vmem>>
      %dma_start3A_400 = tpu.memref_squeeze %dma_start3A_399 : memref<1x1024xi32, #tpu.memory_space<vmem>> -> memref<1024xi32, #tpu.memory_space<vmem>>
      %dma_start3A_401 = tpu.memref_slice %arg3[%add3A_8] : memref<327680xi32, #tpu.memory_space<hbm>> -> memref<1024xi32, #tpu.memory_space<hbm>>
      tpu.enqueue_dma source(%dma_start3A_401 : memref<1024xi32, #tpu.memory_space<hbm>>) target(%dma_start3A_400 : memref<1024xi32, #tpu.memory_space<vmem>>) target_semaphore(%run_scoped3A_393 : memref<!tpu.dma_semaphore, #tpu.memory_space<semaphore_mem>>)
      %dma_wait3A_402 = arith.constant 0 : i32
      %dma_wait3A_403 = tpu.memref_slice %arg9[%run_scoped3A_9, %dma_wait3A_402] : memref<10x1024xi32, #tpu.memory_space<vmem>> -> memref<1x1024xi32, #tpu.memory_space<vmem>>
      %dma_wait3A_404 = tpu.memref_squeeze %dma_wait3A_403 : memref<1x1024xi32, #tpu.memory_space<vmem>> -> memref<1024xi32, #tpu.memory_space<vmem>>
      %dma_wait3A_405 = tpu.memref_slice %arg3[%add3A_8] : memref<327680xi32, #tpu.memory_space<hbm>> -> memref<1024xi32, #tpu.memory_space<hbm>>
      %dma_wait3A_406 = arith.constant 0 : i32
      %dma_wait3A_407 = tpu.memref_slice %arg9[%run_scoped3A_9, %dma_wait3A_406] : memref<10x1024xi32, #tpu.memory_space<vmem>> -> memref<1x1024xi32, #tpu.memory_space<vmem>>
      %dma_wait3A_408 = tpu.memref_squeeze %dma_wait3A_407 : memref<1x1024xi32, #tpu.memory_space<vmem>> -> memref<1024xi32, #tpu.memory_space<vmem>>
      %dma_wait3A_409 = tpu.memref_slice %arg3[%add3A_8] : memref<327680xi32, #tpu.memory_space<hbm>> -> memref<1024xi32, #tpu.memory_space<hbm>>
      tpu.wait_dma2 semaphore(%run_scoped3A_393 : memref<!tpu.dma_semaphore, #tpu.memory_space<semaphore_mem>>) src(%dma_wait3A_409 : memref<1024xi32, #tpu.memory_space<hbm>>) dst(%dma_wait3A_408 : memref<1024xi32, #tpu.memory_space<vmem>>)
      tpu.yield
    }) : () -> ()
    %add3A_10 = arith.constant 1024 : i32
    %add3A_11 = arith.addi %mul3A_4, %add3A_10 : i32
    %run_scoped3A_12 = arith.constant 1 : i32
    "tpu.region"() ({
      %run_scoped3A_393 = tpu.sem_alloc : memref<!tpu.dma_semaphore, #tpu.memory_space<semaphore_mem>>
      %dma_start3A_394 = arith.constant 0 : i32
      %dma_start3A_395 = tpu.memref_slice %arg8[%run_scoped3A_12, %dma_start3A_394] : memref<10x1024xi32, #tpu.memory_space<vmem>> -> memref<1x1024xi32, #tpu.memory_space<vmem>>
      %dma_start3A_396 = tpu.memref_squeeze %dma_start3A_395 : memref<1x1024xi32, #tpu.memory_space<vmem>> -> memref<1024xi32, #tpu.memory_space<vmem>>
      %dma_start3A_397 = tpu.memref_slice %arg2[%add3A_11] : memref<327680xi32, #tpu.memory_space<hbm>> -> memref<1024xi32, #tpu.memory_space<hbm>>
      %dma_start3A_398 = arith.constant 0 : i32
      %dma_start3A_399 = tpu.memref_slice %arg8[%run_scoped3A_12, %dma_start3A_398] : memref<10x1024xi32, #tpu.memory_space<vmem>> -> memref<1x1024xi32, #tpu.memory_space<vmem>>
      %dma_start3A_400 = tpu.memref_squeeze %dma_start3A_399 : memref<1x1024xi32, #tpu.memory_space<vmem>> -> memref<1024xi32, #tpu.memory_space<vmem>>
      %dma_start3A_401 = tpu.memref_slice %arg2[%add3A_11] : memref<327680xi32, #tpu.memory_space<hbm>> -> memref<1024xi32, #tpu.memory_space<hbm>>
      tpu.enqueue_dma source(%dma_start3A_401 : memref<1024xi32, #tpu.memory_space<hbm>>) target(%dma_start3A_400 : memref<1024xi32, #tpu.memory_space<vmem>>) target_semaphore(%run_scoped3A_393 : memref<!tpu.dma_semaphore, #tpu.memory_space<semaphore_mem>>)
      %dma_wait3A_402 = arith.constant 0 : i32
      %dma_wait3A_403 = tpu.memref_slice %arg8[%run_scoped3A_12, %dma_wait3A_402] : memref<10x1024xi32, #tpu.memory_space<vmem>> -> memref<1x1024xi32, #tpu.memory_space<vmem>>
      %dma_wait3A_404 = tpu.memref_squeeze %dma_wait3A_403 : memref<1x1024xi32, #tpu.memory_space<vmem>> -> memref<1024xi32, #tpu.memory_space<vmem>>
      %dma_wait3A_405 = tpu.memref_slice %arg2[%add3A_11] : memref<327680xi32, #tpu.memory_space<hbm>> -> memref<1024xi32, #tpu.memory_space<hbm>>
      %dma_wait3A_406 = arith.constant 0 : i32
      %dma_wait3A_407 = tpu.memref_slice %arg8[%run_scoped3A_12, %dma_wait3A_406] : memref<10x1024xi32, #tpu.memory_space<vmem>> -> memref<1x1024xi32, #tpu.memory_space<vmem>>
      %dma_wait3A_408 = tpu.memref_squeeze %dma_wait3A_407 : memref<1x1024xi32, #tpu.memory_space<vmem>> -> memref<1024xi32, #tpu.memory_space<vmem>>
      %dma_wait3A_409 = tpu.memref_slice %arg2[%add3A_11] : memref<327680xi32, #tpu.memory_space<hbm>> -> memref<1024xi32, #tpu.memory_space<hbm>>
      tpu.wait_dma2 semaphore(%run_scoped3A_393 : memref<!tpu.dma_semaphore, #tpu.memory_space<semaphore_mem>>) src(%dma_wait3A_409 : memref<1024xi32, #tpu.memory_space<hbm>>) dst(%dma_wait3A_408 : memref<1024xi32, #tpu.memory_space<vmem>>)
      tpu.yield
    }) : () -> ()
    %add3A_13 = arith.constant 1024 : i32
    %add3A_14 = arith.addi %mul3A_4, %add3A_13 : i32
    %run_scoped3A_15 = arith.constant 1 : i32
    "tpu.region"() ({
      %run_scoped3A_393 = tpu.sem_alloc : memref<!tpu.dma_semaphore, #tpu.memory_space<semaphore_mem>>
      %dma_start3A_394 = arith.constant 0 : i32
      %dma_start3A_395 = tpu.memref_slice %arg9[%run_scoped3A_15, %dma_start3A_394] : memref<10x1024xi32, #tpu.memory_space<vmem>> -> memref<1x1024xi32, #tpu.memory_space<vmem>>
      %dma_start3A_396 = tpu.memref_squeeze %dma_start3A_395 : memref<1x1024xi32, #tpu.memory_space<vmem>> -> memref<1024xi32, #tpu.memory_space<vmem>>
      %dma_start3A_397 = tpu.memref_slice %arg3[%add3A_14] : memref<327680xi32, #tpu.memory_space<hbm>> -> memref<1024xi32, #tpu.memory_space<hbm>>
      %dma_start3A_398 = arith.constant 0 : i32
      %dma_start3A_399 = tpu.memref_slice %arg9[%run_scoped3A_15, %dma_start3A_398] : memref<10x1024xi32, #tpu.memory_space<vmem>> -> memref<1x1024xi32, #tpu.memory_space<vmem>>
      %dma_start3A_400 = tpu.memref_squeeze %dma_start3A_399 : memref<1x1024xi32, #tpu.memory_space<vmem>> -> memref<1024xi32, #tpu.memory_space<vmem>>
      %dma_start3A_401 = tpu.memref_slice %arg3[%add3A_14] : memref<327680xi32, #tpu.memory_space<hbm>> -> memref<1024xi32, #tpu.memory_space<hbm>>
      tpu.enqueue_dma source(%dma_start3A_401 : memref<1024xi32, #tpu.memory_space<hbm>>) target(%dma_start3A_400 : memref<1024xi32, #tpu.memory_space<vmem>>) target_semaphore(%run_scoped3A_393 : memref<!tpu.dma_semaphore, #tpu.memory_space<semaphore_mem>>)
      %dma_wait3A_402 = arith.constant 0 : i32
      %dma_wait3A_403 = tpu.memref_slice %arg9[%run_scoped3A_15, %dma_wait3A_402] : memref<10x1024xi32, #tpu.memory_space<vmem>> -> memref<1x1024xi32, #tpu.memory_space<vmem>>
      %dma_wait3A_404 = tpu.memref_squeeze %dma_wait3A_403 : memref<1x1024xi32, #tpu.memory_space<vmem>> -> memref<1024xi32, #tpu.memory_space<vmem>>
      %dma_wait3A_405 = tpu.memref_slice %arg3[%add3A_14] : memref<327680xi32, #tpu.memory_space<hbm>> -> memref<1024xi32, #tpu.memory_space<hbm>>
      %dma_wait3A_406 = arith.constant 0 : i32
      %dma_wait3A_407 = tpu.memref_slice %arg9[%run_scoped3A_15, %dma_wait3A_406] : memref<10x1024xi32, #tpu.memory_space<vmem>> -> memref<1x1024xi32, #tpu.memory_space<vmem>>
      %dma_wait3A_408 = tpu.memref_squeeze %dma_wait3A_407 : memref<1x1024xi32, #tpu.memory_space<vmem>> -> memref<1024xi32, #tpu.memory_space<vmem>>
      %dma_wait3A_409 = tpu.memref_slice %arg3[%add3A_14] : memref<327680xi32, #tpu.memory_space<hbm>> -> memref<1024xi32, #tpu.memory_space<hbm>>
      tpu.wait_dma2 semaphore(%run_scoped3A_393 : memref<!tpu.dma_semaphore, #tpu.memory_space<semaphore_mem>>) src(%dma_wait3A_409 : memref<1024xi32, #tpu.memory_space<hbm>>) dst(%dma_wait3A_408 : memref<1024xi32, #tpu.memory_space<vmem>>)
      tpu.yield
    }) : () -> ()
    %add3A_16 = arith.constant 2048 : i32
    %add3A_17 = arith.addi %mul3A_4, %add3A_16 : i32
    %run_scoped3A_18 = arith.constant 2 : i32
    "tpu.region"() ({
      %run_scoped3A_393 = tpu.sem_alloc : memref<!tpu.dma_semaphore, #tpu.memory_space<semaphore_mem>>
      %dma_start3A_394 = arith.constant 0 : i32
      %dma_start3A_395 = tpu.memref_slice %arg8[%run_scoped3A_18, %dma_start3A_394] : memref<10x1024xi32, #tpu.memory_space<vmem>> -> memref<1x1024xi32, #tpu.memory_space<vmem>>
      %dma_start3A_396 = tpu.memref_squeeze %dma_start3A_395 : memref<1x1024xi32, #tpu.memory_space<vmem>> -> memref<1024xi32, #tpu.memory_space<vmem>>
      %dma_start3A_397 = tpu.memref_slice %arg2[%add3A_17] : memref<327680xi32, #tpu.memory_space<hbm>> -> memref<1024xi32, #tpu.memory_space<hbm>>
      %dma_start3A_398 = arith.constant 0 : i32
      %dma_start3A_399 = tpu.memref_slice %arg8[%run_scoped3A_18, %dma_start3A_398] : memref<10x1024xi32, #tpu.memory_space<vmem>> -> memref<1x1024xi32, #tpu.memory_space<vmem>>
      %dma_start3A_400 = tpu.memref_squeeze %dma_start3A_399 : memref<1x1024xi32, #tpu.memory_space<vmem>> -> memref<1024xi32, #tpu.memory_space<vmem>>
      %dma_start3A_401 = tpu.memref_slice %arg2[%add3A_17] : memref<327680xi32, #tpu.memory_space<hbm>> -> memref<1024xi32, #tpu.memory_space<hbm>>
      tpu.enqueue_dma source(%dma_start3A_401 : memref<1024xi32, #tpu.memory_space<hbm>>) target(%dma_start3A_400 : memref<1024xi32, #tpu.memory_space<vmem>>) target_semaphore(%run_scoped3A_393 : memref<!tpu.dma_semaphore, #tpu.memory_space<semaphore_mem>>)
      %dma_wait3A_402 = arith.constant 0 : i32
      %dma_wait3A_403 = tpu.memref_slice %arg8[%run_scoped3A_18, %dma_wait3A_402] : memref<10x1024xi32, #tpu.memory_space<vmem>> -> memref<1x1024xi32, #tpu.memory_space<vmem>>
      %dma_wait3A_404 = tpu.memref_squeeze %dma_wait3A_403 : memref<1x1024xi32, #tpu.memory_space<vmem>> -> memref<1024xi32, #tpu.memory_space<vmem>>
      %dma_wait3A_405 = tpu.memref_slice %arg2[%add3A_17] : memref<327680xi32, #tpu.memory_space<hbm>> -> memref<1024xi32, #tpu.memory_space<hbm>>
      %dma_wait3A_406 = arith.constant 0 : i32
      %dma_wait3A_407 = tpu.memref_slice %arg8[%run_scoped3A_18, %dma_wait3A_406] : memref<10x1024xi32, #tpu.memory_space<vmem>> -> memref<1x1024xi32, #tpu.memory_space<vmem>>
      %dma_wait3A_408 = tpu.memref_squeeze %dma_wait3A_407 : memref<1x1024xi32, #tpu.memory_space<vmem>> -> memref<1024xi32, #tpu.memory_space<vmem>>
      %dma_wait3A_409 = tpu.memref_slice %arg2[%add3A_17] : memref<327680xi32, #tpu.memory_space<hbm>> -> memref<1024xi32, #tpu.memory_space<hbm>>
      tpu.wait_dma2 semaphore(%run_scoped3A_393 : memref<!tpu.dma_semaphore, #tpu.memory_space<semaphore_mem>>) src(%dma_wait3A_409 : memref<1024xi32, #tpu.memory_space<hbm>>) dst(%dma_wait3A_408 : memref<1024xi32, #tpu.memory_space<vmem>>)
      tpu.yield
    }) : () -> ()
    %add3A_19 = arith.constant 2048 : i32
    %add3A_20 = arith.addi %mul3A_4, %add3A_19 : i32
    %run_scoped3A_21 = arith.constant 2 : i32
    "tpu.region"() ({
      %run_scoped3A_393 = tpu.sem_alloc : memref<!tpu.dma_semaphore, #tpu.memory_space<semaphore_mem>>
      %dma_start3A_394 = arith.constant 0 : i32
      %dma_start3A_395 = tpu.memref_slice %arg9[%run_scoped3A_21, %dma_start3A_394] : memref<10x1024xi32, #tpu.memory_space<vmem>> -> memref<1x1024xi32, #tpu.memory_space<vmem>>
      %dma_start3A_396 = tpu.memref_squeeze %dma_start3A_395 : memref<1x1024xi32, #tpu.memory_space<vmem>> -> memref<1024xi32, #tpu.memory_space<vmem>>
      %dma_start3A_397 = tpu.memref_slice %arg3[%add3A_20] : memref<327680xi32, #tpu.memory_space<hbm>> -> memref<1024xi32, #tpu.memory_space<hbm>>
      %dma_start3A_398 = arith.constant 0 : i32
      %dma_start3A_399 = tpu.memref_slice %arg9[%run_scoped3A_21, %dma_start3A_398] : memref<10x1024xi32, #tpu.memory_space<vmem>> -> memref<1x1024xi32, #tpu.memory_space<vmem>>
      %dma_start3A_400 = tpu.memref_squeeze %dma_start3A_399 : memref<1x1024xi32, #tpu.memory_space<vmem>> -> memref<1024xi32, #tpu.memory_space<vmem>>
      %dma_start3A_401 = tpu.memref_slice %arg3[%add3A_20] : memref<327680xi32, #tpu.memory_space<hbm>> -> memref<1024xi32, #tpu.memory_space<hbm>>
      tpu.enqueue_dma source(%dma_start3A_401 : memref<1024xi32, #tpu.memory_space<hbm>>) target(%dma_start3A_400 : memref<1024xi32, #tpu.memory_space<vmem>>) target_semaphore(%run_scoped3A_393 : memref<!tpu.dma_semaphore, #tpu.memory_space<semaphore_mem>>)
      %dma_wait3A_402 = arith.constant 0 : i32
      %dma_wait3A_403 = tpu.memref_slice %arg9[%run_scoped3A_21, %dma_wait3A_402] : memref<10x1024xi32, #tpu.memory_space<vmem>> -> memref<1x1024xi32, #tpu.memory_space<vmem>>
      %dma_wait3A_404 = tpu.memref_squeeze %dma_wait3A_403 : memref<1x1024xi32, #tpu.memory_space<vmem>> -> memref<1024xi32, #tpu.memory_space<vmem>>
      %dma_wait3A_405 = tpu.memref_slice %arg3[%add3A_20] : memref<327680xi32, #tpu.memory_space<hbm>> -> memref<1024xi32, #tpu.memory_space<hbm>>
      %dma_wait3A_406 = arith.constant 0 : i32
      %dma_wait3A_407 = tpu.memref_slice %arg9[%run_scoped3A_21, %dma_wait3A_406] : memref<10x1024xi32, #tpu.memory_space<vmem>> -> memref<1x1024xi32, #tpu.memory_space<vmem>>
      %dma_wait3A_408 = tpu.memref_squeeze %dma_wait3A_407 : memref<1x1024xi32, #tpu.memory_space<vmem>> -> memref<1024xi32, #tpu.memory_space<vmem>>
      %dma_wait3A_409 = tpu.memref_slice %arg3[%add3A_20] : memref<327680xi32, #tpu.memory_space<hbm>> -> memref<1024xi32, #tpu.memory_space<hbm>>
      tpu.wait_dma2 semaphore(%run_scoped3A_393 : memref<!tpu.dma_semaphore, #tpu.memory_space<semaphore_mem>>) src(%dma_wait3A_409 : memref<1024xi32, #tpu.memory_space<hbm>>) dst(%dma_wait3A_408 : memref<1024xi32, #tpu.memory_space<vmem>>)
      tpu.yield
    }) : () -> ()
    %add3A_22 = arith.constant 3072 : i32
    %add3A_23 = arith.addi %mul3A_4, %add3A_22 : i32
    %run_scoped3A_24 = arith.constant 3 : i32
    "tpu.region"() ({
      %run_scoped3A_393 = tpu.sem_alloc : memref<!tpu.dma_semaphore, #tpu.memory_space<semaphore_mem>>
      %dma_start3A_394 = arith.constant 0 : i32
      %dma_start3A_395 = tpu.memref_slice %arg8[%run_scoped3A_24, %dma_start3A_394] : memref<10x1024xi32, #tpu.memory_space<vmem>> -> memref<1x1024xi32, #tpu.memory_space<vmem>>
      %dma_start3A_396 = tpu.memref_squeeze %dma_start3A_395 : memref<1x1024xi32, #tpu.memory_space<vmem>> -> memref<1024xi32, #tpu.memory_space<vmem>>
      %dma_start3A_397 = tpu.memref_slice %arg2[%add3A_23] : memref<327680xi32, #tpu.memory_space<hbm>> -> memref<1024xi32, #tpu.memory_space<hbm>>
      %dma_start3A_398 = arith.constant 0 : i32
      %dma_start3A_399 = tpu.memref_slice %arg8[%run_scoped3A_24, %dma_start3A_398] : memref<10x1024xi32, #tpu.memory_space<vmem>> -> memref<1x1024xi32, #tpu.memory_space<vmem>>
      %dma_start3A_400 = tpu.memref_squeeze %dma_start3A_399 : memref<1x1024xi32, #tpu.memory_space<vmem>> -> memref<1024xi32, #tpu.memory_space<vmem>>
      %dma_start3A_401 = tpu.memref_slice %arg2[%add3A_23] : memref<327680xi32, #tpu.memory_space<hbm>> -> memref<1024xi32, #tpu.memory_space<hbm>>
      tpu.enqueue_dma source(%dma_start3A_401 : memref<1024xi32, #tpu.memory_space<hbm>>) target(%dma_start3A_400 : memref<1024xi32, #tpu.memory_space<vmem>>) target_semaphore(%run_scoped3A_393 : memref<!tpu.dma_semaphore, #tpu.memory_space<semaphore_mem>>)
      %dma_wait3A_402 = arith.constant 0 : i32
      %dma_wait3A_403 = tpu.memref_slice %arg8[%run_scoped3A_24, %dma_wait3A_402] : memref<10x1024xi32, #tpu.memory_space<vmem>> -> memref<1x1024xi32, #tpu.memory_space<vmem>>
      %dma_wait3A_404 = tpu.memref_squeeze %dma_wait3A_403 : memref<1x1024xi32, #tpu.memory_space<vmem>> -> memref<1024xi32, #tpu.memory_space<vmem>>
      %dma_wait3A_405 = tpu.memref_slice %arg2[%add3A_23] : memref<327680xi32, #tpu.memory_space<hbm>> -> memref<1024xi32, #tpu.memory_space<hbm>>
      %dma_wait3A_406 = arith.constant 0 : i32
      %dma_wait3A_407 = tpu.memref_slice %arg8[%run_scoped3A_24, %dma_wait3A_406] : memref<10x1024xi32, #tpu.memory_space<vmem>> -> memref<1x1024xi32, #tpu.memory_space<vmem>>
      %dma_wait3A_408 = tpu.memref_squeeze %dma_wait3A_407 : memref<1x1024xi32, #tpu.memory_space<vmem>> -> memref<1024xi32, #tpu.memory_space<vmem>>
      %dma_wait3A_409 = tpu.memref_slice %arg2[%add3A_23] : memref<327680xi32, #tpu.memory_space<hbm>> -> memref<1024xi32, #tpu.memory_space<hbm>>
      tpu.wait_dma2 semaphore(%run_scoped3A_393 : memref<!tpu.dma_semaphore, #tpu.memory_space<semaphore_mem>>) src(%dma_wait3A_409 : memref<1024xi32, #tpu.memory_space<hbm>>) dst(%dma_wait3A_408 : memref<1024xi32, #tpu.memory_space<vmem>>)
      tpu.yield
    }) : () -> ()
    %add3A_25 = arith.constant 3072 : i32
    %add3A_26 = arith.addi %mul3A_4, %add3A_25 : i32
    %run_scoped3A_27 = arith.constant 3 : i32
    "tpu.region"() ({
      %run_scoped3A_393 = tpu.sem_alloc : memref<!tpu.dma_semaphore, #tpu.memory_space<semaphore_mem>>
      %dma_start3A_394 = arith.constant 0 : i32
      %dma_start3A_395 = tpu.memref_slice %arg9[%run_scoped3A_27, %dma_start3A_394] : memref<10x1024xi32, #tpu.memory_space<vmem>> -> memref<1x1024xi32, #tpu.memory_space<vmem>>
      %dma_start3A_396 = tpu.memref_squeeze %dma_start3A_395 : memref<1x1024xi32, #tpu.memory_space<vmem>> -> memref<1024xi32, #tpu.memory_space<vmem>>
      %dma_start3A_397 = tpu.memref_slice %arg3[%add3A_26] : memref<327680xi32, #tpu.memory_space<hbm>> -> memref<1024xi32, #tpu.memory_space<hbm>>
      %dma_start3A_398 = arith.constant 0 : i32
      %dma_start3A_399 = tpu.memref_slice %arg9[%run_scoped3A_27, %dma_start3A_398] : memref<10x1024xi32, #tpu.memory_space<vmem>> -> memref<1x1024xi32, #tpu.memory_space<vmem>>
      %dma_start3A_400 = tpu.memref_squeeze %dma_start3A_399 : memref<1x1024xi32, #tpu.memory_space<vmem>> -> memref<1024xi32, #tpu.memory_space<vmem>>
      %dma_start3A_401 = tpu.memref_slice %arg3[%add3A_26] : memref<327680xi32, #tpu.memory_space<hbm>> -> memref<1024xi32, #tpu.memory_space<hbm>>
      tpu.enqueue_dma source(%dma_start3A_401 : memref<1024xi32, #tpu.memory_space<hbm>>) target(%dma_start3A_400 : memref<1024xi32, #tpu.memory_space<vmem>>) target_semaphore(%run_scoped3A_393 : memref<!tpu.dma_semaphore, #tpu.memory_space<semaphore_mem>>)
      %dma_wait3A_402 = arith.constant 0 : i32
      %dma_wait3A_403 = tpu.memref_slice %arg9[%run_scoped3A_27, %dma_wait3A_402] : memref<10x1024xi32, #tpu.memory_space<vmem>> -> memref<1x1024xi32, #tpu.memory_space<vmem>>
      %dma_wait3A_404 = tpu.memref_squeeze %dma_wait3A_403 : memref<1x1024xi32, #tpu.memory_space<vmem>> -> memref<1024xi32, #tpu.memory_space<vmem>>
      %dma_wait3A_405 = tpu.memref_slice %arg3[%add3A_26] : memref<327680xi32, #tpu.memory_space<hbm>> -> memref<1024xi32, #tpu.memory_space<hbm>>
      %dma_wait3A_406 = arith.constant 0 : i32
      %dma_wait3A_407 = tpu.memref_slice %arg9[%run_scoped3A_27, %dma_wait3A_406] : memref<10x1024xi32, #tpu.memory_space<vmem>> -> memref<1x1024xi32, #tpu.memory_space<vmem>>
      %dma_wait3A_408 = tpu.memref_squeeze %dma_wait3A_407 : memref<1x1024xi32, #tpu.memory_space<vmem>> -> memref<1024xi32, #tpu.memory_space<vmem>>
      %dma_wait3A_409 = tpu.memref_slice %arg3[%add3A_26] : memref<327680xi32, #tpu.memory_space<hbm>> -> memref<1024xi32, #tpu.memory_space<hbm>>
      tpu.wait_dma2 semaphore(%run_scoped3A_393 : memref<!tpu.dma_semaphore, #tpu.memory_space<semaphore_mem>>) src(%dma_wait3A_409 : memref<1024xi32, #tpu.memory_space<hbm>>) dst(%dma_wait3A_408 : memref<1024xi32, #tpu.memory_space<vmem>>)
      tpu.yield
    }) : () -> ()
    %add3A_28 = arith.constant 4096 : i32
    %add3A_29 = arith.addi %mul3A_4, %add3A_28 : i32
    %run_scoped3A_30 = arith.constant 4 : i32
    "tpu.region"() ({
      %run_scoped3A_393 = tpu.sem_alloc : memref<!tpu.dma_semaphore, #tpu.memory_space<semaphore_mem>>
      %dma_start3A_394 = arith.constant 0 : i32
      %dma_start3A_395 = tpu.memref_slice %arg8[%run_scoped3A_30, %dma_start3A_394] : memref<10x1024xi32, #tpu.memory_space<vmem>> -> memref<1x1024xi32, #tpu.memory_space<vmem>>
      %dma_start3A_396 = tpu.memref_squeeze %dma_start3A_395 : memref<1x1024xi32, #tpu.memory_space<vmem>> -> memref<1024xi32, #tpu.memory_space<vmem>>
      %dma_start3A_397 = tpu.memref_slice %arg2[%add3A_29] : memref<327680xi32, #tpu.memory_space<hbm>> -> memref<1024xi32, #tpu.memory_space<hbm>>
      %dma_start3A_398 = arith.constant 0 : i32
      %dma_start3A_399 = tpu.memref_slice %arg8[%run_scoped3A_30, %dma_start3A_398] : memref<10x1024xi32, #tpu.memory_space<vmem>> -> memref<1x1024xi32, #tpu.memory_space<vmem>>
      %dma_start3A_400 = tpu.memref_squeeze %dma_start3A_399 : memref<1x1024xi32, #tpu.memory_space<vmem>> -> memref<1024xi32, #tpu.memory_space<vmem>>
      %dma_start3A_401 = tpu.memref_slice %arg2[%add3A_29] : memref<327680xi32, #tpu.memory_space<hbm>> -> memref<1024xi32, #tpu.memory_space<hbm>>
      tpu.enqueue_dma source(%dma_start3A_401 : memref<1024xi32, #tpu.memory_space<hbm>>) target(%dma_start3A_400 : memref<1024xi32, #tpu.memory_space<vmem>>) target_semaphore(%run_scoped3A_393 : memref<!tpu.dma_semaphore, #tpu.memory_space<semaphore_mem>>)
      %dma_wait3A_402 = arith.constant 0 : i32
      %dma_wait3A_403 = tpu.memref_slice %arg8[%run_scoped3A_30, %dma_wait3A_402] : memref<10x1024xi32, #tpu.memory_space<vmem>> -> memref<1x1024xi32, #tpu.memory_space<vmem>>
      %dma_wait3A_404 = tpu.memref_squeeze %dma_wait3A_403 : memref<1x1024xi32, #tpu.memory_space<vmem>> -> memref<1024xi32, #tpu.memory_space<vmem>>
      %dma_wait3A_405 = tpu.memref_slice %arg2[%add3A_29] : memref<327680xi32, #tpu.memory_space<hbm>> -> memref<1024xi32, #tpu.memory_space<hbm>>
      %dma_wait3A_406 = arith.constant 0 : i32
      %dma_wait3A_407 = tpu.memref_slice %arg8[%run_scoped3A_30, %dma_wait3A_406] : memref<10x1024xi32, #tpu.memory_space<vmem>> -> memref<1x1024xi32, #tpu.memory_space<vmem>>
      %dma_wait3A_408 = tpu.memref_squeeze %dma_wait3A_407 : memref<1x1024xi32, #tpu.memory_space<vmem>> -> memref<1024xi32, #tpu.memory_space<vmem>>
      %dma_wait3A_409 = tpu.memref_slice %arg2[%add3A_29] : memref<327680xi32, #tpu.memory_space<hbm>> -> memref<1024xi32, #tpu.memory_space<hbm>>
      tpu.wait_dma2 semaphore(%run_scoped3A_393 : memref<!tpu.dma_semaphore, #tpu.memory_space<semaphore_mem>>) src(%dma_wait3A_409 : memref<1024xi32, #tpu.memory_space<hbm>>) dst(%dma_wait3A_408 : memref<1024xi32, #tpu.memory_space<vmem>>)
      tpu.yield
    }) : () -> ()
    %add3A_31 = arith.constant 4096 : i32
    %add3A_32 = arith.addi %mul3A_4, %add3A_31 : i32
    %run_scoped3A_33 = arith.constant 4 : i32
    "tpu.region"() ({
      %run_scoped3A_393 = tpu.sem_alloc : memref<!tpu.dma_semaphore, #tpu.memory_space<semaphore_mem>>
      %dma_start3A_394 = arith.constant 0 : i32
      %dma_start3A_395 = tpu.memref_slice %arg9[%run_scoped3A_33, %dma_start3A_394] : memref<10x1024xi32, #tpu.memory_space<vmem>> -> memref<1x1024xi32, #tpu.memory_space<vmem>>
      %dma_start3A_396 = tpu.memref_squeeze %dma_start3A_395 : memref<1x1024xi32, #tpu.memory_space<vmem>> -> memref<1024xi32, #tpu.memory_space<vmem>>
      %dma_start3A_397 = tpu.memref_slice %arg3[%add3A_32] : memref<327680xi32, #tpu.memory_space<hbm>> -> memref<1024xi32, #tpu.memory_space<hbm>>
      %dma_start3A_398 = arith.constant 0 : i32
      %dma_start3A_399 = tpu.memref_slice %arg9[%run_scoped3A_33, %dma_start3A_398] : memref<10x1024xi32, #tpu.memory_space<vmem>> -> memref<1x1024xi32, #tpu.memory_space<vmem>>
      %dma_start3A_400 = tpu.memref_squeeze %dma_start3A_399 : memref<1x1024xi32, #tpu.memory_space<vmem>> -> memref<1024xi32, #tpu.memory_space<vmem>>
      %dma_start3A_401 = tpu.memref_slice %arg3[%add3A_32] : memref<327680xi32, #tpu.memory_space<hbm>> -> memref<1024xi32, #tpu.memory_space<hbm>>
      tpu.enqueue_dma source(%dma_start3A_401 : memref<1024xi32, #tpu.memory_space<hbm>>) target(%dma_start3A_400 : memref<1024xi32, #tpu.memory_space<vmem>>) target_semaphore(%run_scoped3A_393 : memref<!tpu.dma_semaphore, #tpu.memory_space<semaphore_mem>>)
      %dma_wait3A_402 = arith.constant 0 : i32
      %dma_wait3A_403 = tpu.memref_slice %arg9[%run_scoped3A_33, %dma_wait3A_402] : memref<10x1024xi32, #tpu.memory_space<vmem>> -> memref<1x1024xi32, #tpu.memory_space<vmem>>
      %dma_wait3A_404 = tpu.memref_squeeze %dma_wait3A_403 : memref<1x1024xi32, #tpu.memory_space<vmem>> -> memref<1024xi32, #tpu.memory_space<vmem>>
      %dma_wait3A_405 = tpu.memref_slice %arg3[%add3A_32] : memref<327680xi32, #tpu.memory_space<hbm>> -> memref<1024xi32, #tpu.memory_space<hbm>>
      %dma_wait3A_406 = arith.constant 0 : i32
      %dma_wait3A_407 = tpu.memref_slice %arg9[%run_scoped3A_33, %dma_wait3A_406] : memref<10x1024xi32, #tpu.memory_space<vmem>> -> memref<1x1024xi32, #tpu.memory_space<vmem>>
      %dma_wait3A_408 = tpu.memref_squeeze %dma_wait3A_407 : memref<1x1024xi32, #tpu.memory_space<vmem>> -> memref<1024xi32, #tpu.memory_space<vmem>>
      %dma_wait3A_409 = tpu.memref_slice %arg3[%add3A_32] : memref<327680xi32, #tpu.memory_space<hbm>> -> memref<1024xi32, #tpu.memory_space<hbm>>
      tpu.wait_dma2 semaphore(%run_scoped3A_393 : memref<!tpu.dma_semaphore, #tpu.memory_space<semaphore_mem>>) src(%dma_wait3A_409 : memref<1024xi32, #tpu.memory_space<hbm>>) dst(%dma_wait3A_408 : memref<1024xi32, #tpu.memory_space<vmem>>)
      tpu.yield
    }) : () -> ()
    %add3A_34 = arith.constant 5120 : i32
    %add3A_35 = arith.addi %mul3A_4, %add3A_34 : i32
    %run_scoped3A_36 = arith.constant 5 : i32
    "tpu.region"() ({
      %run_scoped3A_393 = tpu.sem_alloc : memref<!tpu.dma_semaphore, #tpu.memory_space<semaphore_mem>>
      %dma_start3A_394 = arith.constant 0 : i32
      %dma_start3A_395 = tpu.memref_slice %arg8[%run_scoped3A_36, %dma_start3A_394] : memref<10x1024xi32, #tpu.memory_space<vmem>> -> memref<1x1024xi32, #tpu.memory_space<vmem>>
      %dma_start3A_396 = tpu.memref_squeeze %dma_start3A_395 : memref<1x1024xi32, #tpu.memory_space<vmem>> -> memref<1024xi32, #tpu.memory_space<vmem>>
      %dma_start3A_397 = tpu.memref_slice %arg2[%add3A_35] : memref<327680xi32, #tpu.memory_space<hbm>> -> memref<1024xi32, #tpu.memory_space<hbm>>
      %dma_start3A_398 = arith.constant 0 : i32
      %dma_start3A_399 = tpu.memref_slice %arg8[%run_scoped3A_36, %dma_start3A_398] : memref<10x1024xi32, #tpu.memory_space<vmem>> -> memref<1x1024xi32, #tpu.memory_space<vmem>>
      %dma_start3A_400 = tpu.memref_squeeze %dma_start3A_399 : memref<1x1024xi32, #tpu.memory_space<vmem>> -> memref<1024xi32, #tpu.memory_space<vmem>>
      %dma_start3A_401 = tpu.memref_slice %arg2[%add3A_35] : memref<327680xi32, #tpu.memory_space<hbm>> -> memref<1024xi32, #tpu.memory_space<hbm>>
      tpu.enqueue_dma source(%dma_start3A_401 : memref<1024xi32, #tpu.memory_space<hbm>>) target(%dma_start3A_400 : memref<1024xi32, #tpu.memory_space<vmem>>) target_semaphore(%run_scoped3A_393 : memref<!tpu.dma_semaphore, #tpu.memory_space<semaphore_mem>>)
      %dma_wait3A_402 = arith.constant 0 : i32
      %dma_wait3A_403 = tpu.memref_slice %arg8[%run_scoped3A_36, %dma_wait3A_402] : memref<10x1024xi32, #tpu.memory_space<vmem>> -> memref<1x1024xi32, #tpu.memory_space<vmem>>
      %dma_wait3A_404 = tpu.memref_squeeze %dma_wait3A_403 : memref<1x1024xi32, #tpu.memory_space<vmem>> -> memref<1024xi32, #tpu.memory_space<vmem>>
      %dma_wait3A_405 = tpu.memref_slice %arg2[%add3A_35] : memref<327680xi32, #tpu.memory_space<hbm>> -> memref<1024xi32, #tpu.memory_space<hbm>>
      %dma_wait3A_406 = arith.constant 0 : i32
      %dma_wait3A_407 = tpu.memref_slice %arg8[%run_scoped3A_36, %dma_wait3A_406] : memref<10x1024xi32, #tpu.memory_space<vmem>> -> memref<1x1024xi32, #tpu.memory_space<vmem>>
      %dma_wait3A_408 = tpu.memref_squeeze %dma_wait3A_407 : memref<1x1024xi32, #tpu.memory_space<vmem>> -> memref<1024xi32, #tpu.memory_space<vmem>>
      %dma_wait3A_409 = tpu.memref_slice %arg2[%add3A_35] : memref<327680xi32, #tpu.memory_space<hbm>> -> memref<1024xi32, #tpu.memory_space<hbm>>
      tpu.wait_dma2 semaphore(%run_scoped3A_393 : memref<!tpu.dma_semaphore, #tpu.memory_space<semaphore_mem>>) src(%dma_wait3A_409 : memref<1024xi32, #tpu.memory_space<hbm>>) dst(%dma_wait3A_408 : memref<1024xi32, #tpu.memory_space<vmem>>)
      tpu.yield
    }) : () -> ()
    %add3A_37 = arith.constant 5120 : i32
    %add3A_38 = arith.addi %mul3A_4, %add3A_37 : i32
    %run_scoped3A_39 = arith.constant 5 : i32
    "tpu.region"() ({
      %run_scoped3A_393 = tpu.sem_alloc : memref<!tpu.dma_semaphore, #tpu.memory_space<semaphore_mem>>
      %dma_start3A_394 = arith.constant 0 : i32
      %dma_start3A_395 = tpu.memref_slice %arg9[%run_scoped3A_39, %dma_start3A_394] : memref<10x1024xi32, #tpu.memory_space<vmem>> -> memref<1x1024xi32, #tpu.memory_space<vmem>>
      %dma_start3A_396 = tpu.memref_squeeze %dma_start3A_395 : memref<1x1024xi32, #tpu.memory_space<vmem>> -> memref<1024xi32, #tpu.memory_space<vmem>>
      %dma_start3A_397 = tpu.memref_slice %arg3[%add3A_38] : memref<327680xi32, #tpu.memory_space<hbm>> -> memref<1024xi32, #tpu.memory_space<hbm>>
      %dma_start3A_398 = arith.constant 0 : i32
      %dma_start3A_399 = tpu.memref_slice %arg9[%run_scoped3A_39, %dma_start3A_398] : memref<10x1024xi32, #tpu.memory_space<vmem>> -> memref<1x1024xi32, #tpu.memory_space<vmem>>
      %dma_start3A_400 = tpu.memref_squeeze %dma_start3A_399 : memref<1x1024xi32, #tpu.memory_space<vmem>> -> memref<1024xi32, #tpu.memory_space<vmem>>
      %dma_start3A_401 = tpu.memref_slice %arg3[%add3A_38] : memref<327680xi32, #tpu.memory_space<hbm>> -> memref<1024xi32, #tpu.memory_space<hbm>>
      tpu.enqueue_dma source(%dma_start3A_401 : memref<1024xi32, #tpu.memory_space<hbm>>) target(%dma_start3A_400 : memref<1024xi32, #tpu.memory_space<vmem>>) target_semaphore(%run_scoped3A_393 : memref<!tpu.dma_semaphore, #tpu.memory_space<semaphore_mem>>)
      %dma_wait3A_402 = arith.constant 0 : i32
      %dma_wait3A_403 = tpu.memref_slice %arg9[%run_scoped3A_39, %dma_wait3A_402] : memref<10x1024xi32, #tpu.memory_space<vmem>> -> memref<1x1024xi32, #tpu.memory_space<vmem>>
      %dma_wait3A_404 = tpu.memref_squeeze %dma_wait3A_403 : memref<1x1024xi32, #tpu.memory_space<vmem>> -> memref<1024xi32, #tpu.memory_space<vmem>>
      %dma_wait3A_405 = tpu.memref_slice %arg3[%add3A_38] : memref<327680xi32, #tpu.memory_space<hbm>> -> memref<1024xi32, #tpu.memory_space<hbm>>
      %dma_wait3A_406 = arith.constant 0 : i32
      %dma_wait3A_407 = tpu.memref_slice %arg9[%run_scoped3A_39, %dma_wait3A_406] : memref<10x1024xi32, #tpu.memory_space<vmem>> -> memref<1x1024xi32, #tpu.memory_space<vmem>>
      %dma_wait3A_408 = tpu.memref_squeeze %dma_wait3A_407 : memref<1x1024xi32, #tpu.memory_space<vmem>> -> memref<1024xi32, #tpu.memory_space<vmem>>
      %dma_wait3A_409 = tpu.memref_slice %arg3[%add3A_38] : memref<327680xi32, #tpu.memory_space<hbm>> -> memref<1024xi32, #tpu.memory_space<hbm>>
      tpu.wait_dma2 semaphore(%run_scoped3A_393 : memref<!tpu.dma_semaphore, #tpu.memory_space<semaphore_mem>>) src(%dma_wait3A_409 : memref<1024xi32, #tpu.memory_space<hbm>>) dst(%dma_wait3A_408 : memref<1024xi32, #tpu.memory_space<vmem>>)
      tpu.yield
    }) : () -> ()
    %add3A_40 = arith.constant 6144 : i32
    %add3A_41 = arith.addi %mul3A_4, %add3A_40 : i32
    %run_scoped3A_42 = arith.constant 6 : i32
    "tpu.region"() ({
      %run_scoped3A_393 = tpu.sem_alloc : memref<!tpu.dma_semaphore, #tpu.memory_space<semaphore_mem>>
      %dma_start3A_394 = arith.constant 0 : i32
      %dma_start3A_395 = tpu.memref_slice %arg8[%run_scoped3A_42, %dma_start3A_394] : memref<10x1024xi32, #tpu.memory_space<vmem>> -> memref<1x1024xi32, #tpu.memory_space<vmem>>
      %dma_start3A_396 = tpu.memref_squeeze %dma_start3A_395 : memref<1x1024xi32, #tpu.memory_space<vmem>> -> memref<1024xi32, #tpu.memory_space<vmem>>
      %dma_start3A_397 = tpu.memref_slice %arg2[%add3A_41] : memref<327680xi32, #tpu.memory_space<hbm>> -> memref<1024xi32, #tpu.memory_space<hbm>>
      %dma_start3A_398 = arith.constant 0 : i32
      %dma_start3A_399 = tpu.memref_slice %arg8[%run_scoped3A_42, %dma_start3A_398] : memref<10x1024xi32, #tpu.memory_space<vmem>> -> memref<1x1024xi32, #tpu.memory_space<vmem>>
      %dma_start3A_400 = tpu.memref_squeeze %dma_start3A_399 : memref<1x1024xi32, #tpu.memory_space<vmem>> -> memref<1024xi32, #tpu.memory_space<vmem>>
      %dma_start3A_401 = tpu.memref_slice %arg2[%add3A_41] : memref<327680xi32, #tpu.memory_space<hbm>> -> memref<1024xi32, #tpu.memory_space<hbm>>
      tpu.enqueue_dma source(%dma_start3A_401 : memref<1024xi32, #tpu.memory_space<hbm>>) target(%dma_start3A_400 : memref<1024xi32, #tpu.memory_space<vmem>>) target_semaphore(%run_scoped3A_393 : memref<!tpu.dma_semaphore, #tpu.memory_space<semaphore_mem>>)
      %dma_wait3A_402 = arith.constant 0 : i32
      %dma_wait3A_403 = tpu.memref_slice %arg8[%run_scoped3A_42, %dma_wait3A_402] : memref<10x1024xi32, #tpu.memory_space<vmem>> -> memref<1x1024xi32, #tpu.memory_space<vmem>>
      %dma_wait3A_404 = tpu.memref_squeeze %dma_wait3A_403 : memref<1x1024xi32, #tpu.memory_space<vmem>> -> memref<1024xi32, #tpu.memory_space<vmem>>
      %dma_wait3A_405 = tpu.memref_slice %arg2[%add3A_41] : memref<327680xi32, #tpu.memory_space<hbm>> -> memref<1024xi32, #tpu.memory_space<hbm>>
      %dma_wait3A_406 = arith.constant 0 : i32
      %dma_wait3A_407 = tpu.memref_slice %arg8[%run_scoped3A_42, %dma_wait3A_406] : memref<10x1024xi32, #tpu.memory_space<vmem>> -> memref<1x1024xi32, #tpu.memory_space<vmem>>
      %dma_wait3A_408 = tpu.memref_squeeze %dma_wait3A_407 : memref<1x1024xi32, #tpu.memory_space<vmem>> -> memref<1024xi32, #tpu.memory_space<vmem>>
      %dma_wait3A_409 = tpu.memref_slice %arg2[%add3A_41] : memref<327680xi32, #tpu.memory_space<hbm>> -> memref<1024xi32, #tpu.memory_space<hbm>>
      tpu.wait_dma2 semaphore(%run_scoped3A_393 : memref<!tpu.dma_semaphore, #tpu.memory_space<semaphore_mem>>) src(%dma_wait3A_409 : memref<1024xi32, #tpu.memory_space<hbm>>) dst(%dma_wait3A_408 : memref<1024xi32, #tpu.memory_space<vmem>>)
      tpu.yield
    }) : () -> ()
    %add3A_43 = arith.constant 6144 : i32
    %add3A_44 = arith.addi %mul3A_4, %add3A_43 : i32
    %run_scoped3A_45 = arith.constant 6 : i32
    "tpu.region"() ({
      %run_scoped3A_393 = tpu.sem_alloc : memref<!tpu.dma_semaphore, #tpu.memory_space<semaphore_mem>>
      %dma_start3A_394 = arith.constant 0 : i32
      %dma_start3A_395 = tpu.memref_slice %arg9[%run_scoped3A_45, %dma_start3A_394] : memref<10x1024xi32, #tpu.memory_space<vmem>> -> memref<1x1024xi32, #tpu.memory_space<vmem>>
      %dma_start3A_396 = tpu.memref_squeeze %dma_start3A_395 : memref<1x1024xi32, #tpu.memory_space<vmem>> -> memref<1024xi32, #tpu.memory_space<vmem>>
      %dma_start3A_397 = tpu.memref_slice %arg3[%add3A_44] : memref<327680xi32, #tpu.memory_space<hbm>> -> memref<1024xi32, #tpu.memory_space<hbm>>
      %dma_start3A_398 = arith.constant 0 : i32
      %dma_start3A_399 = tpu.memref_slice %arg9[%run_scoped3A_45, %dma_start3A_398] : memref<10x1024xi32, #tpu.memory_space<vmem>> -> memref<1x1024xi32, #tpu.memory_space<vmem>>
      %dma_start3A_400 = tpu.memref_squeeze %dma_start3A_399 : memref<1x1024xi32, #tpu.memory_space<vmem>> -> memref<1024xi32, #tpu.memory_space<vmem>>
      %dma_start3A_401 = tpu.memref_slice %arg3[%add3A_44] : memref<327680xi32, #tpu.memory_space<hbm>> -> memref<1024xi32, #tpu.memory_space<hbm>>
      tpu.enqueue_dma source(%dma_start3A_401 : memref<1024xi32, #tpu.memory_space<hbm>>) target(%dma_start3A_400 : memref<1024xi32, #tpu.memory_space<vmem>>) target_semaphore(%run_scoped3A_393 : memref<!tpu.dma_semaphore, #tpu.memory_space<semaphore_mem>>)
      %dma_wait3A_402 = arith.constant 0 : i32
      %dma_wait3A_403 = tpu.memref_slice %arg9[%run_scoped3A_45, %dma_wait3A_402] : memref<10x1024xi32, #tpu.memory_space<vmem>> -> memref<1x1024xi32, #tpu.memory_space<vmem>>
      %dma_wait3A_404 = tpu.memref_squeeze %dma_wait3A_403 : memref<1x1024xi32, #tpu.memory_space<vmem>> -> memref<1024xi32, #tpu.memory_space<vmem>>
      %dma_wait3A_405 = tpu.memref_slice %arg3[%add3A_44] : memref<327680xi32, #tpu.memory_space<hbm>> -> memref<1024xi32, #tpu.memory_space<hbm>>
      %dma_wait3A_406 = arith.constant 0 : i32
      %dma_wait3A_407 = tpu.memref_slice %arg9[%run_scoped3A_45, %dma_wait3A_406] : memref<10x1024xi32, #tpu.memory_space<vmem>> -> memref<1x1024xi32, #tpu.memory_space<vmem>>
      %dma_wait3A_408 = tpu.memref_squeeze %dma_wait3A_407 : memref<1x1024xi32, #tpu.memory_space<vmem>> -> memref<1024xi32, #tpu.memory_space<vmem>>
      %dma_wait3A_409 = tpu.memref_slice %arg3[%add3A_44] : memref<327680xi32, #tpu.memory_space<hbm>> -> memref<1024xi32, #tpu.memory_space<hbm>>
      tpu.wait_dma2 semaphore(%run_scoped3A_393 : memref<!tpu.dma_semaphore, #tpu.memory_space<semaphore_mem>>) src(%dma_wait3A_409 : memref<1024xi32, #tpu.memory_space<hbm>>) dst(%dma_wait3A_408 : memref<1024xi32, #tpu.memory_space<vmem>>)
      tpu.yield
    }) : () -> ()
    %add3A_46 = arith.constant 7168 : i32
    %add3A_47 = arith.addi %mul3A_4, %add3A_46 : i32
    %run_scoped3A_48 = arith.constant 7 : i32
    "tpu.region"() ({
      %run_scoped3A_393 = tpu.sem_alloc : memref<!tpu.dma_semaphore, #tpu.memory_space<semaphore_mem>>
      %dma_start3A_394 = arith.constant 0 : i32
      %dma_start3A_395 = tpu.memref_slice %arg8[%run_scoped3A_48, %dma_start3A_394] : memref<10x1024xi32, #tpu.memory_space<vmem>> -> memref<1x1024xi32, #tpu.memory_space<vmem>>
      %dma_start3A_396 = tpu.memref_squeeze %dma_start3A_395 : memref<1x1024xi32, #tpu.memory_space<vmem>> -> memref<1024xi32, #tpu.memory_space<vmem>>
      %dma_start3A_397 = tpu.memref_slice %arg2[%add3A_47] : memref<327680xi32, #tpu.memory_space<hbm>> -> memref<1024xi32, #tpu.memory_space<hbm>>
      %dma_start3A_398 = arith.constant 0 : i32
      %dma_start3A_399 = tpu.memref_slice %arg8[%run_scoped3A_48, %dma_start3A_398] : memref<10x1024xi32, #tpu.memory_space<vmem>> -> memref<1x1024xi32, #tpu.memory_space<vmem>>
      %dma_start3A_400 = tpu.memref_squeeze %dma_start3A_399 : memref<1x1024xi32, #tpu.memory_space<vmem>> -> memref<1024xi32, #tpu.memory_space<vmem>>
      %dma_start3A_401 = tpu.memref_slice %arg2[%add3A_47] : memref<327680xi32, #tpu.memory_space<hbm>> -> memref<1024xi32, #tpu.memory_space<hbm>>
      tpu.enqueue_dma source(%dma_start3A_401 : memref<1024xi32, #tpu.memory_space<hbm>>) target(%dma_start3A_400 : memref<1024xi32, #tpu.memory_space<vmem>>) target_semaphore(%run_scoped3A_393 : memref<!tpu.dma_semaphore, #tpu.memory_space<semaphore_mem>>)
      %dma_wait3A_402 = arith.constant 0 : i32
      %dma_wait3A_403 = tpu.memref_slice %arg8[%run_scoped3A_48, %dma_wait3A_402] : memref<10x1024xi32, #tpu.memory_space<vmem>> -> memref<1x1024xi32, #tpu.memory_space<vmem>>
      %dma_wait3A_404 = tpu.memref_squeeze %dma_wait3A_403 : memref<1x1024xi32, #tpu.memory_space<vmem>> -> memref<1024xi32, #tpu.memory_space<vmem>>
      %dma_wait3A_405 = tpu.memref_slice %arg2[%add3A_47] : memref<327680xi32, #tpu.memory_space<hbm>> -> memref<1024xi32, #tpu.memory_space<hbm>>
      %dma_wait3A_406 = arith.constant 0 : i32
      %dma_wait3A_407 = tpu.memref_slice %arg8[%run_scoped3A_48, %dma_wait3A_406] : memref<10x1024xi32, #tpu.memory_space<vmem>> -> memref<1x1024xi32, #tpu.memory_space<vmem>>
      %dma_wait3A_408 = tpu.memref_squeeze %dma_wait3A_407 : memref<1x1024xi32, #tpu.memory_space<vmem>> -> memref<1024xi32, #tpu.memory_space<vmem>>
      %dma_wait3A_409 = tpu.memref_slice %arg2[%add3A_47] : memref<327680xi32, #tpu.memory_space<hbm>> -> memref<1024xi32, #tpu.memory_space<hbm>>
      tpu.wait_dma2 semaphore(%run_scoped3A_393 : memref<!tpu.dma_semaphore, #tpu.memory_space<semaphore_mem>>) src(%dma_wait3A_409 : memref<1024xi32, #tpu.memory_space<hbm>>) dst(%dma_wait3A_408 : memref<1024xi32, #tpu.memory_space<vmem>>)
      tpu.yield
    }) : () -> ()
    %add3A_49 = arith.constant 7168 : i32
    %add3A_50 = arith.addi %mul3A_4, %add3A_49 : i32
    %run_scoped3A_51 = arith.constant 7 : i32
    "tpu.region"() ({
      %run_scoped3A_393 = tpu.sem_alloc : memref<!tpu.dma_semaphore, #tpu.memory_space<semaphore_mem>>
      %dma_start3A_394 = arith.constant 0 : i32
      %dma_start3A_395 = tpu.memref_slice %arg9[%run_scoped3A_51, %dma_start3A_394] : memref<10x1024xi32, #tpu.memory_space<vmem>> -> memref<1x1024xi32, #tpu.memory_space<vmem>>
      %dma_start3A_396 = tpu.memref_squeeze %dma_start3A_395 : memref<1x1024xi32, #tpu.memory_space<vmem>> -> memref<1024xi32, #tpu.memory_space<vmem>>
      %dma_start3A_397 = tpu.memref_slice %arg3[%add3A_50] : memref<327680xi32, #tpu.memory_space<hbm>> -> memref<1024xi32, #tpu.memory_space<hbm>>
      %dma_start3A_398 = arith.constant 0 : i32
      %dma_start3A_399 = tpu.memref_slice %arg9[%run_scoped3A_51, %dma_start3A_398] : memref<10x1024xi32, #tpu.memory_space<vmem>> -> memref<1x1024xi32, #tpu.memory_space<vmem>>
      %dma_start3A_400 = tpu.memref_squeeze %dma_start3A_399 : memref<1x1024xi32, #tpu.memory_space<vmem>> -> memref<1024xi32, #tpu.memory_space<vmem>>
      %dma_start3A_401 = tpu.memref_slice %arg3[%add3A_50] : memref<327680xi32, #tpu.memory_space<hbm>> -> memref<1024xi32, #tpu.memory_space<hbm>>
      tpu.enqueue_dma source(%dma_start3A_401 : memref<1024xi32, #tpu.memory_space<hbm>>) target(%dma_start3A_400 : memref<1024xi32, #tpu.memory_space<vmem>>) target_semaphore(%run_scoped3A_393 : memref<!tpu.dma_semaphore, #tpu.memory_space<semaphore_mem>>)
      %dma_wait3A_402 = arith.constant 0 : i32
      %dma_wait3A_403 = tpu.memref_slice %arg9[%run_scoped3A_51, %dma_wait3A_402] : memref<10x1024xi32, #tpu.memory_space<vmem>> -> memref<1x1024xi32, #tpu.memory_space<vmem>>
      %dma_wait3A_404 = tpu.memref_squeeze %dma_wait3A_403 : memref<1x1024xi32, #tpu.memory_space<vmem>> -> memref<1024xi32, #tpu.memory_space<vmem>>
      %dma_wait3A_405 = tpu.memref_slice %arg3[%add3A_50] : memref<327680xi32, #tpu.memory_space<hbm>> -> memref<1024xi32, #tpu.memory_space<hbm>>
      %dma_wait3A_406 = arith.constant 0 : i32
      %dma_wait3A_407 = tpu.memref_slice %arg9[%run_scoped3A_51, %dma_wait3A_406] : memref<10x1024xi32, #tpu.memory_space<vmem>> -> memref<1x1024xi32, #tpu.memory_space<vmem>>
      %dma_wait3A_408 = tpu.memref_squeeze %dma_wait3A_407 : memref<1x1024xi32, #tpu.memory_space<vmem>> -> memref<1024xi32, #tpu.memory_space<vmem>>
      %dma_wait3A_409 = tpu.memref_slice %arg3[%add3A_50] : memref<327680xi32, #tpu.memory_space<hbm>> -> memref<1024xi32, #tpu.memory_space<hbm>>
      tpu.wait_dma2 semaphore(%run_scoped3A_393 : memref<!tpu.dma_semaphore, #tpu.memory_space<semaphore_mem>>) src(%dma_wait3A_409 : memref<1024xi32, #tpu.memory_space<hbm>>) dst(%dma_wait3A_408 : memref<1024xi32, #tpu.memory_space<vmem>>)
      tpu.yield
    }) : () -> ()
    %add3A_52 = arith.constant 8192 : i32
    %add3A_53 = arith.addi %mul3A_4, %add3A_52 : i32
    %run_scoped3A_54 = arith.constant 8 : i32
    "tpu.region"() ({
      %run_scoped3A_393 = tpu.sem_alloc : memref<!tpu.dma_semaphore, #tpu.memory_space<semaphore_mem>>
      %dma_start3A_394 = arith.constant 0 : i32
      %dma_start3A_395 = tpu.memref_slice %arg8[%run_scoped3A_54, %dma_start3A_394] : memref<10x1024xi32, #tpu.memory_space<vmem>> -> memref<1x1024xi32, #tpu.memory_space<vmem>>
      %dma_start3A_396 = tpu.memref_squeeze %dma_start3A_395 : memref<1x1024xi32, #tpu.memory_space<vmem>> -> memref<1024xi32, #tpu.memory_space<vmem>>
      %dma_start3A_397 = tpu.memref_slice %arg2[%add3A_53] : memref<327680xi32, #tpu.memory_space<hbm>> -> memref<1024xi32, #tpu.memory_space<hbm>>
      %dma_start3A_398 = arith.constant 0 : i32
      %dma_start3A_399 = tpu.memref_slice %arg8[%run_scoped3A_54, %dma_start3A_398] : memref<10x1024xi32, #tpu.memory_space<vmem>> -> memref<1x1024xi32, #tpu.memory_space<vmem>>
      %dma_start3A_400 = tpu.memref_squeeze %dma_start3A_399 : memref<1x1024xi32, #tpu.memory_space<vmem>> -> memref<1024xi32, #tpu.memory_space<vmem>>
      %dma_start3A_401 = tpu.memref_slice %arg2[%add3A_53] : memref<327680xi32, #tpu.memory_space<hbm>> -> memref<1024xi32, #tpu.memory_space<hbm>>
      tpu.enqueue_dma source(%dma_start3A_401 : memref<1024xi32, #tpu.memory_space<hbm>>) target(%dma_start3A_400 : memref<1024xi32, #tpu.memory_space<vmem>>) target_semaphore(%run_scoped3A_393 : memref<!tpu.dma_semaphore, #tpu.memory_space<semaphore_mem>>)
      %dma_wait3A_402 = arith.constant 0 : i32
      %dma_wait3A_403 = tpu.memref_slice %arg8[%run_scoped3A_54, %dma_wait3A_402] : memref<10x1024xi32, #tpu.memory_space<vmem>> -> memref<1x1024xi32, #tpu.memory_space<vmem>>
      %dma_wait3A_404 = tpu.memref_squeeze %dma_wait3A_403 : memref<1x1024xi32, #tpu.memory_space<vmem>> -> memref<1024xi32, #tpu.memory_space<vmem>>
      %dma_wait3A_405 = tpu.memref_slice %arg2[%add3A_53] : memref<327680xi32, #tpu.memory_space<hbm>> -> memref<1024xi32, #tpu.memory_space<hbm>>
      %dma_wait3A_406 = arith.constant 0 : i32
      %dma_wait3A_407 = tpu.memref_slice %arg8[%run_scoped3A_54, %dma_wait3A_406] : memref<10x1024xi32, #tpu.memory_space<vmem>> -> memref<1x1024xi32, #tpu.memory_space<vmem>>
      %dma_wait3A_408 = tpu.memref_squeeze %dma_wait3A_407 : memref<1x1024xi32, #tpu.memory_space<vmem>> -> memref<1024xi32, #tpu.memory_space<vmem>>
      %dma_wait3A_409 = tpu.memref_slice %arg2[%add3A_53] : memref<327680xi32, #tpu.memory_space<hbm>> -> memref<1024xi32, #tpu.memory_space<hbm>>
      tpu.wait_dma2 semaphore(%run_scoped3A_393 : memref<!tpu.dma_semaphore, #tpu.memory_space<semaphore_mem>>) src(%dma_wait3A_409 : memref<1024xi32, #tpu.memory_space<hbm>>) dst(%dma_wait3A_408 : memref<1024xi32, #tpu.memory_space<vmem>>)
      tpu.yield
    }) : () -> ()
    %add3A_55 = arith.constant 8192 : i32
    %add3A_56 = arith.addi %mul3A_4, %add3A_55 : i32
    %run_scoped3A_57 = arith.constant 8 : i32
    "tpu.region"() ({
      %run_scoped3A_393 = tpu.sem_alloc : memref<!tpu.dma_semaphore, #tpu.memory_space<semaphore_mem>>
      %dma_start3A_394 = arith.constant 0 : i32
      %dma_start3A_395 = tpu.memref_slice %arg9[%run_scoped3A_57, %dma_start3A_394] : memref<10x1024xi32, #tpu.memory_space<vmem>> -> memref<1x1024xi32, #tpu.memory_space<vmem>>
      %dma_start3A_396 = tpu.memref_squeeze %dma_start3A_395 : memref<1x1024xi32, #tpu.memory_space<vmem>> -> memref<1024xi32, #tpu.memory_space<vmem>>
      %dma_start3A_397 = tpu.memref_slice %arg3[%add3A_56] : memref<327680xi32, #tpu.memory_space<hbm>> -> memref<1024xi32, #tpu.memory_space<hbm>>
      %dma_start3A_398 = arith.constant 0 : i32
      %dma_start3A_399 = tpu.memref_slice %arg9[%run_scoped3A_57, %dma_start3A_398] : memref<10x1024xi32, #tpu.memory_space<vmem>> -> memref<1x1024xi32, #tpu.memory_space<vmem>>
      %dma_start3A_400 = tpu.memref_squeeze %dma_start3A_399 : memref<1x1024xi32, #tpu.memory_space<vmem>> -> memref<1024xi32, #tpu.memory_space<vmem>>
      %dma_start3A_401 = tpu.memref_slice %arg3[%add3A_56] : memref<327680xi32, #tpu.memory_space<hbm>> -> memref<1024xi32, #tpu.memory_space<hbm>>
      tpu.enqueue_dma source(%dma_start3A_401 : memref<1024xi32, #tpu.memory_space<hbm>>) target(%dma_start3A_400 : memref<1024xi32, #tpu.memory_space<vmem>>) target_semaphore(%run_scoped3A_393 : memref<!tpu.dma_semaphore, #tpu.memory_space<semaphore_mem>>)
      %dma_wait3A_402 = arith.constant 0 : i32
      %dma_wait3A_403 = tpu.memref_slice %arg9[%run_scoped3A_57, %dma_wait3A_402] : memref<10x1024xi32, #tpu.memory_space<vmem>> -> memref<1x1024xi32, #tpu.memory_space<vmem>>
      %dma_wait3A_404 = tpu.memref_squeeze %dma_wait3A_403 : memref<1x1024xi32, #tpu.memory_space<vmem>> -> memref<1024xi32, #tpu.memory_space<vmem>>
      %dma_wait3A_405 = tpu.memref_slice %arg3[%add3A_56] : memref<327680xi32, #tpu.memory_space<hbm>> -> memref<1024xi32, #tpu.memory_space<hbm>>
      %dma_wait3A_406 = arith.constant 0 : i32
      %dma_wait3A_407 = tpu.memref_slice %arg9[%run_scoped3A_57, %dma_wait3A_406] : memref<10x1024xi32, #tpu.memory_space<vmem>> -> memref<1x1024xi32, #tpu.memory_space<vmem>>
      %dma_wait3A_408 = tpu.memref_squeeze %dma_wait3A_407 : memref<1x1024xi32, #tpu.memory_space<vmem>> -> memref<1024xi32, #tpu.memory_space<vmem>>
      %dma_wait3A_409 = tpu.memref_slice %arg3[%add3A_56] : memref<327680xi32, #tpu.memory_space<hbm>> -> memref<1024xi32, #tpu.memory_space<hbm>>
      tpu.wait_dma2 semaphore(%run_scoped3A_393 : memref<!tpu.dma_semaphore, #tpu.memory_space<semaphore_mem>>) src(%dma_wait3A_409 : memref<1024xi32, #tpu.memory_space<hbm>>) dst(%dma_wait3A_408 : memref<1024xi32, #tpu.memory_space<vmem>>)
      tpu.yield
    }) : () -> ()
    %add3A_58 = arith.constant 9216 : i32
    %add3A_59 = arith.addi %mul3A_4, %add3A_58 : i32
    %run_scoped3A_60 = arith.constant 9 : i32
    "tpu.region"() ({
      %run_scoped3A_393 = tpu.sem_alloc : memref<!tpu.dma_semaphore, #tpu.memory_space<semaphore_mem>>
      %dma_start3A_394 = arith.constant 0 : i32
      %dma_start3A_395 = tpu.memref_slice %arg8[%run_scoped3A_60, %dma_start3A_394] : memref<10x1024xi32, #tpu.memory_space<vmem>> -> memref<1x1024xi32, #tpu.memory_space<vmem>>
      %dma_start3A_396 = tpu.memref_squeeze %dma_start3A_395 : memref<1x1024xi32, #tpu.memory_space<vmem>> -> memref<1024xi32, #tpu.memory_space<vmem>>
      %dma_start3A_397 = tpu.memref_slice %arg2[%add3A_59] : memref<327680xi32, #tpu.memory_space<hbm>> -> memref<1024xi32, #tpu.memory_space<hbm>>
      %dma_start3A_398 = arith.constant 0 : i32
      %dma_start3A_399 = tpu.memref_slice %arg8[%run_scoped3A_60, %dma_start3A_398] : memref<10x1024xi32, #tpu.memory_space<vmem>> -> memref<1x1024xi32, #tpu.memory_space<vmem>>
      %dma_start3A_400 = tpu.memref_squeeze %dma_start3A_399 : memref<1x1024xi32, #tpu.memory_space<vmem>> -> memref<1024xi32, #tpu.memory_space<vmem>>
      %dma_start3A_401 = tpu.memref_slice %arg2[%add3A_59] : memref<327680xi32, #tpu.memory_space<hbm>> -> memref<1024xi32, #tpu.memory_space<hbm>>
      tpu.enqueue_dma source(%dma_start3A_401 : memref<1024xi32, #tpu.memory_space<hbm>>) target(%dma_start3A_400 : memref<1024xi32, #tpu.memory_space<vmem>>) target_semaphore(%run_scoped3A_393 : memref<!tpu.dma_semaphore, #tpu.memory_space<semaphore_mem>>)
      %dma_wait3A_402 = arith.constant 0 : i32
      %dma_wait3A_403 = tpu.memref_slice %arg8[%run_scoped3A_60, %dma_wait3A_402] : memref<10x1024xi32, #tpu.memory_space<vmem>> -> memref<1x1024xi32, #tpu.memory_space<vmem>>
      %dma_wait3A_404 = tpu.memref_squeeze %dma_wait3A_403 : memref<1x1024xi32, #tpu.memory_space<vmem>> -> memref<1024xi32, #tpu.memory_space<vmem>>
      %dma_wait3A_405 = tpu.memref_slice %arg2[%add3A_59] : memref<327680xi32, #tpu.memory_space<hbm>> -> memref<1024xi32, #tpu.memory_space<hbm>>
      %dma_wait3A_406 = arith.constant 0 : i32
      %dma_wait3A_407 = tpu.memref_slice %arg8[%run_scoped3A_60, %dma_wait3A_406] : memref<10x1024xi32, #tpu.memory_space<vmem>> -> memref<1x1024xi32, #tpu.memory_space<vmem>>
      %dma_wait3A_408 = tpu.memref_squeeze %dma_wait3A_407 : memref<1x1024xi32, #tpu.memory_space<vmem>> -> memref<1024xi32, #tpu.memory_space<vmem>>
      %dma_wait3A_409 = tpu.memref_slice %arg2[%add3A_59] : memref<327680xi32, #tpu.memory_space<hbm>> -> memref<1024xi32, #tpu.memory_space<hbm>>
      tpu.wait_dma2 semaphore(%run_scoped3A_393 : memref<!tpu.dma_semaphore, #tpu.memory_space<semaphore_mem>>) src(%dma_wait3A_409 : memref<1024xi32, #tpu.memory_space<hbm>>) dst(%dma_wait3A_408 : memref<1024xi32, #tpu.memory_space<vmem>>)
      tpu.yield
    }) : () -> ()
    %add3A_61 = arith.constant 9216 : i32
    %add3A_62 = arith.addi %mul3A_4, %add3A_61 : i32
    %run_scoped3A_63 = arith.constant 9 : i32
    "tpu.region"() ({
      %run_scoped3A_393 = tpu.sem_alloc : memref<!tpu.dma_semaphore, #tpu.memory_space<semaphore_mem>>
      %dma_start3A_394 = arith.constant 0 : i32
      %dma_start3A_395 = tpu.memref_slice %arg9[%run_scoped3A_63, %dma_start3A_394] : memref<10x1024xi32, #tpu.memory_space<vmem>> -> memref<1x1024xi32, #tpu.memory_space<vmem>>
      %dma_start3A_396 = tpu.memref_squeeze %dma_start3A_395 : memref<1x1024xi32, #tpu.memory_space<vmem>> -> memref<1024xi32, #tpu.memory_space<vmem>>
      %dma_start3A_397 = tpu.memref_slice %arg3[%add3A_62] : memref<327680xi32, #tpu.memory_space<hbm>> -> memref<1024xi32, #tpu.memory_space<hbm>>
      %dma_start3A_398 = arith.constant 0 : i32
      %dma_start3A_399 = tpu.memref_slice %arg9[%run_scoped3A_63, %dma_start3A_398] : memref<10x1024xi32, #tpu.memory_space<vmem>> -> memref<1x1024xi32, #tpu.memory_space<vmem>>
      %dma_start3A_400 = tpu.memref_squeeze %dma_start3A_399 : memref<1x1024xi32, #tpu.memory_space<vmem>> -> memref<1024xi32, #tpu.memory_space<vmem>>
      %dma_start3A_401 = tpu.memref_slice %arg3[%add3A_62] : memref<327680xi32, #tpu.memory_space<hbm>> -> memref<1024xi32, #tpu.memory_space<hbm>>
      tpu.enqueue_dma source(%dma_start3A_401 : memref<1024xi32, #tpu.memory_space<hbm>>) target(%dma_start3A_400 : memref<1024xi32, #tpu.memory_space<vmem>>) target_semaphore(%run_scoped3A_393 : memref<!tpu.dma_semaphore, #tpu.memory_space<semaphore_mem>>)
      %dma_wait3A_402 = arith.constant 0 : i32
      %dma_wait3A_403 = tpu.memref_slice %arg9[%run_scoped3A_63, %dma_wait3A_402] : memref<10x1024xi32, #tpu.memory_space<vmem>> -> memref<1x1024xi32, #tpu.memory_space<vmem>>
      %dma_wait3A_404 = tpu.memref_squeeze %dma_wait3A_403 : memref<1x1024xi32, #tpu.memory_space<vmem>> -> memref<1024xi32, #tpu.memory_space<vmem>>
      %dma_wait3A_405 = tpu.memref_slice %arg3[%add3A_62] : memref<327680xi32, #tpu.memory_space<hbm>> -> memref<1024xi32, #tpu.memory_space<hbm>>
      %dma_wait3A_406 = arith.constant 0 : i32
      %dma_wait3A_407 = tpu.memref_slice %arg9[%run_scoped3A_63, %dma_wait3A_406] : memref<10x1024xi32, #tpu.memory_space<vmem>> -> memref<1x1024xi32, #tpu.memory_space<vmem>>
      %dma_wait3A_408 = tpu.memref_squeeze %dma_wait3A_407 : memref<1x1024xi32, #tpu.memory_space<vmem>> -> memref<1024xi32, #tpu.memory_space<vmem>>
      %dma_wait3A_409 = tpu.memref_slice %arg3[%add3A_62] : memref<327680xi32, #tpu.memory_space<hbm>> -> memref<1024xi32, #tpu.memory_space<hbm>>
      tpu.wait_dma2 semaphore(%run_scoped3A_393 : memref<!tpu.dma_semaphore, #tpu.memory_space<semaphore_mem>>) src(%dma_wait3A_409 : memref<1024xi32, #tpu.memory_space<hbm>>) dst(%dma_wait3A_408 : memref<1024xi32, #tpu.memory_space<vmem>>)
      tpu.yield
    }) : () -> ()
    %barrier3A = arith.constant 0 : index
    tpu.barrier barrier_id(%barrier3A)
    %dma_start3A = arith.constant 0 : i32
    %dma_start3A_64 = arith.constant 0 : i32
    %dma_start3A_65 = arith.constant 0 : i32
    %dma_start3A_66 = arith.constant 0 : i32
    %dma_start3A_67 = arith.constant 0 : i32
    %dma_start3A_68 = tpu.memref_slice %arg10[%dma_start3A_64, %dma_start3A_66, %dma_start3A_67] : memref<2x1024x16xf32, #tpu.memory_space<vmem>> -> memref<1x1024x16xf32, #tpu.memory_space<vmem>>
    %dma_start3A_69 = tpu.memref_squeeze %dma_start3A_68 : memref<1x1024x16xf32, #tpu.memory_space<vmem>> -> memref<1024x16xf32, #tpu.memory_space<vmem>>
    %dma_start3A_70 = arith.constant 0 : i32
    %dma_start3A_71 = tpu.memref_slice %arg8[%dma_start3A, %dma_start3A_70] : memref<10x1024xi32, #tpu.memory_space<vmem>> -> memref<1x1024xi32, #tpu.memory_space<vmem>>
    %dma_start3A_72 = tpu.memref_squeeze %dma_start3A_71 : memref<1x1024xi32, #tpu.memory_space<vmem>> -> memref<1024xi32, #tpu.memory_space<vmem>>
    %dma_start3A_73 = arith.constant 0 : i32
    %dma_start3A_74 = arith.constant 0 : i32
    %dma_start3A_75 = tpu.memref_slice %arg14[%dma_start3A_73, %dma_start3A_74] : memref<10112x16xf32, #tpu.memory_space<vmem_shared>> -> memref<10112x16xf32, #tpu.memory_space<vmem_shared>>
    %dma_start3A_76 = tpu.memref_slice %arg17[%dma_start3A_65] : memref<2x!tpu.dma_semaphore, #tpu.memory_space<semaphore_mem>> -> memref<1x!tpu.dma_semaphore, #tpu.memory_space<semaphore_mem>>
    %dma_start3A_77 = tpu.memref_squeeze %dma_start3A_76 : memref<1x!tpu.dma_semaphore, #tpu.memory_space<semaphore_mem>> -> memref<!tpu.dma_semaphore, #tpu.memory_space<semaphore_mem>>
    tpu.enqueue_indirect_dma source(%dma_start3A_75 : memref<10112x16xf32, #tpu.memory_space<vmem_shared>>) target(%dma_start3A_69 : memref<1024x16xf32, #tpu.memory_space<vmem>>) offsets(%dma_start3A_72 : memref<1024xi32, #tpu.memory_space<vmem>>) semaphore(%dma_start3A_77 : memref<!tpu.dma_semaphore, #tpu.memory_space<semaphore_mem>>)
    %dma_start3A_78 = arith.constant 1 : i32
    %dma_start3A_79 = arith.constant 1 : i32
    %dma_start3A_80 = arith.constant 1 : i32
    %dma_start3A_81 = arith.constant 0 : i32
    %dma_start3A_82 = arith.constant 0 : i32
    %dma_start3A_83 = tpu.memref_slice %arg10[%dma_start3A_79, %dma_start3A_81, %dma_start3A_82] : memref<2x1024x16xf32, #tpu.memory_space<vmem>> -> memref<1x1024x16xf32, #tpu.memory_space<vmem>>
    %dma_start3A_84 = tpu.memref_squeeze %dma_start3A_83 : memref<1x1024x16xf32, #tpu.memory_space<vmem>> -> memref<1024x16xf32, #tpu.memory_space<vmem>>
    %dma_start3A_85 = arith.constant 0 : i32
    %dma_start3A_86 = tpu.memref_slice %arg8[%dma_start3A_78, %dma_start3A_85] : memref<10x1024xi32, #tpu.memory_space<vmem>> -> memref<1x1024xi32, #tpu.memory_space<vmem>>
    %dma_start3A_87 = tpu.memref_squeeze %dma_start3A_86 : memref<1x1024xi32, #tpu.memory_space<vmem>> -> memref<1024xi32, #tpu.memory_space<vmem>>
    %dma_start3A_88 = arith.constant 0 : i32
    %dma_start3A_89 = arith.constant 0 : i32
    %dma_start3A_90 = tpu.memref_slice %arg14[%dma_start3A_88, %dma_start3A_89] : memref<10112x16xf32, #tpu.memory_space<vmem_shared>> -> memref<10112x16xf32, #tpu.memory_space<vmem_shared>>
    %dma_start3A_91 = tpu.memref_slice %arg17[%dma_start3A_80] : memref<2x!tpu.dma_semaphore, #tpu.memory_space<semaphore_mem>> -> memref<1x!tpu.dma_semaphore, #tpu.memory_space<semaphore_mem>>
    %dma_start3A_92 = tpu.memref_squeeze %dma_start3A_91 : memref<1x!tpu.dma_semaphore, #tpu.memory_space<semaphore_mem>> -> memref<!tpu.dma_semaphore, #tpu.memory_space<semaphore_mem>>
    tpu.enqueue_indirect_dma source(%dma_start3A_90 : memref<10112x16xf32, #tpu.memory_space<vmem_shared>>) target(%dma_start3A_84 : memref<1024x16xf32, #tpu.memory_space<vmem>>) offsets(%dma_start3A_87 : memref<1024xi32, #tpu.memory_space<vmem>>) semaphore(%dma_start3A_92 : memref<!tpu.dma_semaphore, #tpu.memory_space<semaphore_mem>>)
    %dma_wait3A = arith.constant 0 : i32
    %dma_wait3A_93 = arith.constant 0 : i32
    %dma_wait3A_94 = arith.constant 0 : i32
    %dma_wait3A_95 = arith.constant 0 : i32
    %dma_wait3A_96 = arith.constant 0 : i32
    %dma_wait3A_97 = tpu.memref_slice %arg10[%dma_wait3A_93, %dma_wait3A_95, %dma_wait3A_96] : memref<2x1024x16xf32, #tpu.memory_space<vmem>> -> memref<1x1024x16xf32, #tpu.memory_space<vmem>>
    %dma_wait3A_98 = tpu.memref_squeeze %dma_wait3A_97 : memref<1x1024x16xf32, #tpu.memory_space<vmem>> -> memref<1024x16xf32, #tpu.memory_space<vmem>>
    %dma_wait3A_99 = arith.constant 0 : i32
    %dma_wait3A_100 = tpu.memref_slice %arg8[%dma_wait3A, %dma_wait3A_99] : memref<10x1024xi32, #tpu.memory_space<vmem>> -> memref<1x1024xi32, #tpu.memory_space<vmem>>
    %dma_wait3A_101 = tpu.memref_squeeze %dma_wait3A_100 : memref<1x1024xi32, #tpu.memory_space<vmem>> -> memref<1024xi32, #tpu.memory_space<vmem>>
    %dma_wait3A_102 = arith.constant 0 : i32
    %dma_wait3A_103 = arith.constant 0 : i32
    %dma_wait3A_104 = tpu.memref_slice %arg14[%dma_wait3A_102, %dma_wait3A_103] : memref<10112x16xf32, #tpu.memory_space<vmem_shared>> -> memref<10112x16xf32, #tpu.memory_space<vmem_shared>>
    %dma_wait3A_105 = tpu.memref_slice %arg17[%dma_wait3A_94] : memref<2x!tpu.dma_semaphore, #tpu.memory_space<semaphore_mem>> -> memref<1x!tpu.dma_semaphore, #tpu.memory_space<semaphore_mem>>
    %dma_wait3A_106 = tpu.memref_squeeze %dma_wait3A_105 : memref<1x!tpu.dma_semaphore, #tpu.memory_space<semaphore_mem>> -> memref<!tpu.dma_semaphore, #tpu.memory_space<semaphore_mem>>
    tpu.wait_indirect_dma semaphore(%dma_wait3A_106 : memref<!tpu.dma_semaphore, #tpu.memory_space<semaphore_mem>>) src(%dma_wait3A_104 : memref<10112x16xf32, #tpu.memory_space<vmem_shared>>) dst(%dma_wait3A_98 : memref<1024x16xf32, #tpu.memory_space<vmem>>)
    %run_scoped3A_107 = arith.constant 0 : i32
    %run_scoped3A_108 = arith.constant 0 : i32
    "tpu.region"() ({
      %run_scoped3A_393 = tpu.sem_alloc : memref<!tpu.dma_semaphore, #tpu.memory_space<semaphore_mem>>
      %dma_start3A_394 = arith.constant 0 : i32
      %dma_start3A_395 = arith.constant 0 : i32
      %dma_start3A_396 = tpu.memref_slice %arg10[%run_scoped3A_107, %dma_start3A_394, %dma_start3A_395] : memref<2x1024x16xf32, #tpu.memory_space<vmem>> -> memref<1x1024x16xf32, #tpu.memory_space<vmem>>
      %dma_start3A_397 = tpu.memref_squeeze %dma_start3A_396 : memref<1x1024x16xf32, #tpu.memory_space<vmem>> -> memref<1024x16xf32, #tpu.memory_space<vmem>>
      %dma_start3A_398 = arith.constant 0 : i32
      %dma_start3A_399 = tpu.memref_slice %arg9[%run_scoped3A_108, %dma_start3A_398] : memref<10x1024xi32, #tpu.memory_space<vmem>> -> memref<1x1024xi32, #tpu.memory_space<vmem>>
      %dma_start3A_400 = tpu.memref_squeeze %dma_start3A_399 : memref<1x1024xi32, #tpu.memory_space<vmem>> -> memref<1024xi32, #tpu.memory_space<vmem>>
      %dma_start3A_401 = arith.constant 0 : i32
      %dma_start3A_402 = arith.constant 0 : i32
      %dma_start3A_403 = tpu.memref_slice %arg15[%dma_start3A_401, %dma_start3A_402] : memref<10112x16xf32, #tpu.memory_space<vmem_shared>> -> memref<10112x16xf32, #tpu.memory_space<vmem_shared>>
      tpu.enqueue_indirect_dma source(%dma_start3A_397 : memref<1024x16xf32, #tpu.memory_space<vmem>>) target(%dma_start3A_403 : memref<10112x16xf32, #tpu.memory_space<vmem_shared>>) offsets(%dma_start3A_400 : memref<1024xi32, #tpu.memory_space<vmem>>) semaphore(%run_scoped3A_393 : memref<!tpu.dma_semaphore, #tpu.memory_space<semaphore_mem>>) {add = true}
      %dma_wait3A_404 = arith.constant 0 : i32
      %dma_wait3A_405 = arith.constant 0 : i32
      %dma_wait3A_406 = tpu.memref_slice %arg10[%run_scoped3A_107, %dma_wait3A_404, %dma_wait3A_405] : memref<2x1024x16xf32, #tpu.memory_space<vmem>> -> memref<1x1024x16xf32, #tpu.memory_space<vmem>>
      %dma_wait3A_407 = tpu.memref_squeeze %dma_wait3A_406 : memref<1x1024x16xf32, #tpu.memory_space<vmem>> -> memref<1024x16xf32, #tpu.memory_space<vmem>>
      %dma_wait3A_408 = arith.constant 0 : i32
      %dma_wait3A_409 = tpu.memref_slice %arg9[%run_scoped3A_108, %dma_wait3A_408] : memref<10x1024xi32, #tpu.memory_space<vmem>> -> memref<1x1024xi32, #tpu.memory_space<vmem>>
      %dma_wait3A_410 = tpu.memref_squeeze %dma_wait3A_409 : memref<1x1024xi32, #tpu.memory_space<vmem>> -> memref<1024xi32, #tpu.memory_space<vmem>>
      %dma_wait3A_411 = arith.constant 0 : i32
      %dma_wait3A_412 = arith.constant 0 : i32
      %dma_wait3A_413 = tpu.memref_slice %arg15[%dma_wait3A_411, %dma_wait3A_412] : memref<10112x16xf32, #tpu.memory_space<vmem_shared>> -> memref<10112x16xf32, #tpu.memory_space<vmem_shared>>
      tpu.wait_indirect_dma semaphore(%run_scoped3A_393 : memref<!tpu.dma_semaphore, #tpu.memory_space<semaphore_mem>>) src(%dma_wait3A_407 : memref<1024x16xf32, #tpu.memory_space<vmem>>) dst(%dma_wait3A_413 : memref<10112x16xf32, #tpu.memory_space<vmem_shared>>)
      tpu.yield
    }) : () -> ()
    %run_scoped3A_109 = arith.constant 0 : i32
    "tpu.region"() ({
      %run_scoped3A_393 = tpu.sem_alloc : memref<!tpu.dma_semaphore, #tpu.memory_space<semaphore_mem>>
      %dma_start3A_394 = arith.constant 0 : i32
      %dma_start3A_395 = tpu.memref_slice %arg9[%run_scoped3A_109, %dma_start3A_394] : memref<10x1024xi32, #tpu.memory_space<vmem>> -> memref<1x1024xi32, #tpu.memory_space<vmem>>
      %dma_start3A_396 = tpu.memref_squeeze %dma_start3A_395 : memref<1x1024xi32, #tpu.memory_space<vmem>> -> memref<1024xi32, #tpu.memory_space<vmem>>
      %dma_start3A_397 = arith.constant 0 : i32
      %dma_start3A_398 = arith.constant 0 : i32
      %dma_start3A_399 = tpu.memref_slice %arg16[%dma_start3A_397, %dma_start3A_398] : memref<10112x8xf32, #tpu.memory_space<vmem_shared>> -> memref<10112x8xf32, #tpu.memory_space<vmem_shared>>
      tpu.enqueue_indirect_dma source(%arg11 : memref<1024x8xf32, #tpu.memory_space<vmem>>) target(%dma_start3A_399 : memref<10112x8xf32, #tpu.memory_space<vmem_shared>>) offsets(%dma_start3A_396 : memref<1024xi32, #tpu.memory_space<vmem>>) semaphore(%run_scoped3A_393 : memref<!tpu.dma_semaphore, #tpu.memory_space<semaphore_mem>>) {add = true}
      %dma_wait3A_400 = arith.constant 0 : i32
      %dma_wait3A_401 = tpu.memref_slice %arg9[%run_scoped3A_109, %dma_wait3A_400] : memref<10x1024xi32, #tpu.memory_space<vmem>> -> memref<1x1024xi32, #tpu.memory_space<vmem>>
      %dma_wait3A_402 = tpu.memref_squeeze %dma_wait3A_401 : memref<1x1024xi32, #tpu.memory_space<vmem>> -> memref<1024xi32, #tpu.memory_space<vmem>>
      %dma_wait3A_403 = arith.constant 0 : i32
      %dma_wait3A_404 = arith.constant 0 : i32
      %dma_wait3A_405 = tpu.memref_slice %arg16[%dma_wait3A_403, %dma_wait3A_404] : memref<10112x8xf32, #tpu.memory_space<vmem_shared>> -> memref<10112x8xf32, #tpu.memory_space<vmem_shared>>
      tpu.wait_indirect_dma semaphore(%run_scoped3A_393 : memref<!tpu.dma_semaphore, #tpu.memory_space<semaphore_mem>>) src(%arg11 : memref<1024x8xf32, #tpu.memory_space<vmem>>) dst(%dma_wait3A_405 : memref<10112x8xf32, #tpu.memory_space<vmem_shared>>)
      tpu.yield
    }) : () -> ()
    %dma_start3A_110 = arith.constant 2 : i32
    %dma_start3A_111 = arith.constant 0 : i32
    %dma_start3A_112 = arith.constant 0 : i32
    %dma_start3A_113 = arith.constant 0 : i32
    %dma_start3A_114 = arith.constant 0 : i32
    %dma_start3A_115 = tpu.memref_slice %arg10[%dma_start3A_111, %dma_start3A_113, %dma_start3A_114] : memref<2x1024x16xf32, #tpu.memory_space<vmem>> -> memref<1x1024x16xf32, #tpu.memory_space<vmem>>
    %dma_start3A_116 = tpu.memref_squeeze %dma_start3A_115 : memref<1x1024x16xf32, #tpu.memory_space<vmem>> -> memref<1024x16xf32, #tpu.memory_space<vmem>>
    %dma_start3A_117 = arith.constant 0 : i32
    %dma_start3A_118 = tpu.memref_slice %arg8[%dma_start3A_110, %dma_start3A_117] : memref<10x1024xi32, #tpu.memory_space<vmem>> -> memref<1x1024xi32, #tpu.memory_space<vmem>>
    %dma_start3A_119 = tpu.memref_squeeze %dma_start3A_118 : memref<1x1024xi32, #tpu.memory_space<vmem>> -> memref<1024xi32, #tpu.memory_space<vmem>>
    %dma_start3A_120 = arith.constant 0 : i32
    %dma_start3A_121 = arith.constant 0 : i32
    %dma_start3A_122 = tpu.memref_slice %arg14[%dma_start3A_120, %dma_start3A_121] : memref<10112x16xf32, #tpu.memory_space<vmem_shared>> -> memref<10112x16xf32, #tpu.memory_space<vmem_shared>>
    %dma_start3A_123 = tpu.memref_slice %arg17[%dma_start3A_112] : memref<2x!tpu.dma_semaphore, #tpu.memory_space<semaphore_mem>> -> memref<1x!tpu.dma_semaphore, #tpu.memory_space<semaphore_mem>>
    %dma_start3A_124 = tpu.memref_squeeze %dma_start3A_123 : memref<1x!tpu.dma_semaphore, #tpu.memory_space<semaphore_mem>> -> memref<!tpu.dma_semaphore, #tpu.memory_space<semaphore_mem>>
    tpu.enqueue_indirect_dma source(%dma_start3A_122 : memref<10112x16xf32, #tpu.memory_space<vmem_shared>>) target(%dma_start3A_116 : memref<1024x16xf32, #tpu.memory_space<vmem>>) offsets(%dma_start3A_119 : memref<1024xi32, #tpu.memory_space<vmem>>) semaphore(%dma_start3A_124 : memref<!tpu.dma_semaphore, #tpu.memory_space<semaphore_mem>>)
    %dma_wait3A_125 = arith.constant 1 : i32
    %dma_wait3A_126 = arith.constant 1 : i32
    %dma_wait3A_127 = arith.constant 1 : i32
    %dma_wait3A_128 = arith.constant 0 : i32
    %dma_wait3A_129 = arith.constant 0 : i32
    %dma_wait3A_130 = tpu.memref_slice %arg10[%dma_wait3A_126, %dma_wait3A_128, %dma_wait3A_129] : memref<2x1024x16xf32, #tpu.memory_space<vmem>> -> memref<1x1024x16xf32, #tpu.memory_space<vmem>>
    %dma_wait3A_131 = tpu.memref_squeeze %dma_wait3A_130 : memref<1x1024x16xf32, #tpu.memory_space<vmem>> -> memref<1024x16xf32, #tpu.memory_space<vmem>>
    %dma_wait3A_132 = arith.constant 0 : i32
    %dma_wait3A_133 = tpu.memref_slice %arg8[%dma_wait3A_125, %dma_wait3A_132] : memref<10x1024xi32, #tpu.memory_space<vmem>> -> memref<1x1024xi32, #tpu.memory_space<vmem>>
    %dma_wait3A_134 = tpu.memref_squeeze %dma_wait3A_133 : memref<1x1024xi32, #tpu.memory_space<vmem>> -> memref<1024xi32, #tpu.memory_space<vmem>>
    %dma_wait3A_135 = arith.constant 0 : i32
    %dma_wait3A_136 = arith.constant 0 : i32
    %dma_wait3A_137 = tpu.memref_slice %arg14[%dma_wait3A_135, %dma_wait3A_136] : memref<10112x16xf32, #tpu.memory_space<vmem_shared>> -> memref<10112x16xf32, #tpu.memory_space<vmem_shared>>
    %dma_wait3A_138 = tpu.memref_slice %arg17[%dma_wait3A_127] : memref<2x!tpu.dma_semaphore, #tpu.memory_space<semaphore_mem>> -> memref<1x!tpu.dma_semaphore, #tpu.memory_space<semaphore_mem>>
    %dma_wait3A_139 = tpu.memref_squeeze %dma_wait3A_138 : memref<1x!tpu.dma_semaphore, #tpu.memory_space<semaphore_mem>> -> memref<!tpu.dma_semaphore, #tpu.memory_space<semaphore_mem>>
    tpu.wait_indirect_dma semaphore(%dma_wait3A_139 : memref<!tpu.dma_semaphore, #tpu.memory_space<semaphore_mem>>) src(%dma_wait3A_137 : memref<10112x16xf32, #tpu.memory_space<vmem_shared>>) dst(%dma_wait3A_131 : memref<1024x16xf32, #tpu.memory_space<vmem>>)
    %run_scoped3A_140 = arith.constant 1 : i32
    %run_scoped3A_141 = arith.constant 1 : i32
    "tpu.region"() ({
      %run_scoped3A_393 = tpu.sem_alloc : memref<!tpu.dma_semaphore, #tpu.memory_space<semaphore_mem>>
      %dma_start3A_394 = arith.constant 0 : i32
      %dma_start3A_395 = arith.constant 0 : i32
      %dma_start3A_396 = tpu.memref_slice %arg10[%run_scoped3A_140, %dma_start3A_394, %dma_start3A_395] : memref<2x1024x16xf32, #tpu.memory_space<vmem>> -> memref<1x1024x16xf32, #tpu.memory_space<vmem>>
      %dma_start3A_397 = tpu.memref_squeeze %dma_start3A_396 : memref<1x1024x16xf32, #tpu.memory_space<vmem>> -> memref<1024x16xf32, #tpu.memory_space<vmem>>
      %dma_start3A_398 = arith.constant 0 : i32
      %dma_start3A_399 = tpu.memref_slice %arg9[%run_scoped3A_141, %dma_start3A_398] : memref<10x1024xi32, #tpu.memory_space<vmem>> -> memref<1x1024xi32, #tpu.memory_space<vmem>>
      %dma_start3A_400 = tpu.memref_squeeze %dma_start3A_399 : memref<1x1024xi32, #tpu.memory_space<vmem>> -> memref<1024xi32, #tpu.memory_space<vmem>>
      %dma_start3A_401 = arith.constant 0 : i32
      %dma_start3A_402 = arith.constant 0 : i32
      %dma_start3A_403 = tpu.memref_slice %arg15[%dma_start3A_401, %dma_start3A_402] : memref<10112x16xf32, #tpu.memory_space<vmem_shared>> -> memref<10112x16xf32, #tpu.memory_space<vmem_shared>>
      tpu.enqueue_indirect_dma source(%dma_start3A_397 : memref<1024x16xf32, #tpu.memory_space<vmem>>) target(%dma_start3A_403 : memref<10112x16xf32, #tpu.memory_space<vmem_shared>>) offsets(%dma_start3A_400 : memref<1024xi32, #tpu.memory_space<vmem>>) semaphore(%run_scoped3A_393 : memref<!tpu.dma_semaphore, #tpu.memory_space<semaphore_mem>>) {add = true}
      %dma_wait3A_404 = arith.constant 0 : i32
      %dma_wait3A_405 = arith.constant 0 : i32
      %dma_wait3A_406 = tpu.memref_slice %arg10[%run_scoped3A_140, %dma_wait3A_404, %dma_wait3A_405] : memref<2x1024x16xf32, #tpu.memory_space<vmem>> -> memref<1x1024x16xf32, #tpu.memory_space<vmem>>
      %dma_wait3A_407 = tpu.memref_squeeze %dma_wait3A_406 : memref<1x1024x16xf32, #tpu.memory_space<vmem>> -> memref<1024x16xf32, #tpu.memory_space<vmem>>
      %dma_wait3A_408 = arith.constant 0 : i32
      %dma_wait3A_409 = tpu.memref_slice %arg9[%run_scoped3A_141, %dma_wait3A_408] : memref<10x1024xi32, #tpu.memory_space<vmem>> -> memref<1x1024xi32, #tpu.memory_space<vmem>>
      %dma_wait3A_410 = tpu.memref_squeeze %dma_wait3A_409 : memref<1x1024xi32, #tpu.memory_space<vmem>> -> memref<1024xi32, #tpu.memory_space<vmem>>
      %dma_wait3A_411 = arith.constant 0 : i32
      %dma_wait3A_412 = arith.constant 0 : i32
      %dma_wait3A_413 = tpu.memref_slice %arg15[%dma_wait3A_411, %dma_wait3A_412] : memref<10112x16xf32, #tpu.memory_space<vmem_shared>> -> memref<10112x16xf32, #tpu.memory_space<vmem_shared>>
      tpu.wait_indirect_dma semaphore(%run_scoped3A_393 : memref<!tpu.dma_semaphore, #tpu.memory_space<semaphore_mem>>) src(%dma_wait3A_407 : memref<1024x16xf32, #tpu.memory_space<vmem>>) dst(%dma_wait3A_413 : memref<10112x16xf32, #tpu.memory_space<vmem_shared>>)
      tpu.yield
    }) : () -> ()
    %run_scoped3A_142 = arith.constant 1 : i32
    "tpu.region"() ({
      %run_scoped3A_393 = tpu.sem_alloc : memref<!tpu.dma_semaphore, #tpu.memory_space<semaphore_mem>>
      %dma_start3A_394 = arith.constant 0 : i32
      %dma_start3A_395 = tpu.memref_slice %arg9[%run_scoped3A_142, %dma_start3A_394] : memref<10x1024xi32, #tpu.memory_space<vmem>> -> memref<1x1024xi32, #tpu.memory_space<vmem>>
      %dma_start3A_396 = tpu.memref_squeeze %dma_start3A_395 : memref<1x1024xi32, #tpu.memory_space<vmem>> -> memref<1024xi32, #tpu.memory_space<vmem>>
      %dma_start3A_397 = arith.constant 0 : i32
      %dma_start3A_398 = arith.constant 0 : i32
      %dma_start3A_399 = tpu.memref_slice %arg16[%dma_start3A_397, %dma_start3A_398] : memref<10112x8xf32, #tpu.memory_space<vmem_shared>> -> memref<10112x8xf32, #tpu.memory_space<vmem_shared>>
      tpu.enqueue_indirect_dma source(%arg11 : memref<1024x8xf32, #tpu.memory_space<vmem>>) target(%dma_start3A_399 : memref<10112x8xf32, #tpu.memory_space<vmem_shared>>) offsets(%dma_start3A_396 : memref<1024xi32, #tpu.memory_space<vmem>>) semaphore(%run_scoped3A_393 : memref<!tpu.dma_semaphore, #tpu.memory_space<semaphore_mem>>) {add = true}
      %dma_wait3A_400 = arith.constant 0 : i32
      %dma_wait3A_401 = tpu.memref_slice %arg9[%run_scoped3A_142, %dma_wait3A_400] : memref<10x1024xi32, #tpu.memory_space<vmem>> -> memref<1x1024xi32, #tpu.memory_space<vmem>>
      %dma_wait3A_402 = tpu.memref_squeeze %dma_wait3A_401 : memref<1x1024xi32, #tpu.memory_space<vmem>> -> memref<1024xi32, #tpu.memory_space<vmem>>
      %dma_wait3A_403 = arith.constant 0 : i32
      %dma_wait3A_404 = arith.constant 0 : i32
      %dma_wait3A_405 = tpu.memref_slice %arg16[%dma_wait3A_403, %dma_wait3A_404] : memref<10112x8xf32, #tpu.memory_space<vmem_shared>> -> memref<10112x8xf32, #tpu.memory_space<vmem_shared>>
      tpu.wait_indirect_dma semaphore(%run_scoped3A_393 : memref<!tpu.dma_semaphore, #tpu.memory_space<semaphore_mem>>) src(%arg11 : memref<1024x8xf32, #tpu.memory_space<vmem>>) dst(%dma_wait3A_405 : memref<10112x8xf32, #tpu.memory_space<vmem_shared>>)
      tpu.yield
    }) : () -> ()
    %dma_start3A_143 = arith.constant 3 : i32
    %dma_start3A_144 = arith.constant 1 : i32
    %dma_start3A_145 = arith.constant 1 : i32
    %dma_start3A_146 = arith.constant 0 : i32
    %dma_start3A_147 = arith.constant 0 : i32
    %dma_start3A_148 = tpu.memref_slice %arg10[%dma_start3A_144, %dma_start3A_146, %dma_start3A_147] : memref<2x1024x16xf32, #tpu.memory_space<vmem>> -> memref<1x1024x16xf32, #tpu.memory_space<vmem>>
    %dma_start3A_149 = tpu.memref_squeeze %dma_start3A_148 : memref<1x1024x16xf32, #tpu.memory_space<vmem>> -> memref<1024x16xf32, #tpu.memory_space<vmem>>
    %dma_start3A_150 = arith.constant 0 : i32
    %dma_start3A_151 = tpu.memref_slice %arg8[%dma_start3A_143, %dma_start3A_150] : memref<10x1024xi32, #tpu.memory_space<vmem>> -> memref<1x1024xi32, #tpu.memory_space<vmem>>
    %dma_start3A_152 = tpu.memref_squeeze %dma_start3A_151 : memref<1x1024xi32, #tpu.memory_space<vmem>> -> memref<1024xi32, #tpu.memory_space<vmem>>
    %dma_start3A_153 = arith.constant 0 : i32
    %dma_start3A_154 = arith.constant 0 : i32
    %dma_start3A_155 = tpu.memref_slice %arg14[%dma_start3A_153, %dma_start3A_154] : memref<10112x16xf32, #tpu.memory_space<vmem_shared>> -> memref<10112x16xf32, #tpu.memory_space<vmem_shared>>
    %dma_start3A_156 = tpu.memref_slice %arg17[%dma_start3A_145] : memref<2x!tpu.dma_semaphore, #tpu.memory_space<semaphore_mem>> -> memref<1x!tpu.dma_semaphore, #tpu.memory_space<semaphore_mem>>
    %dma_start3A_157 = tpu.memref_squeeze %dma_start3A_156 : memref<1x!tpu.dma_semaphore, #tpu.memory_space<semaphore_mem>> -> memref<!tpu.dma_semaphore, #tpu.memory_space<semaphore_mem>>
    tpu.enqueue_indirect_dma source(%dma_start3A_155 : memref<10112x16xf32, #tpu.memory_space<vmem_shared>>) target(%dma_start3A_149 : memref<1024x16xf32, #tpu.memory_space<vmem>>) offsets(%dma_start3A_152 : memref<1024xi32, #tpu.memory_space<vmem>>) semaphore(%dma_start3A_157 : memref<!tpu.dma_semaphore, #tpu.memory_space<semaphore_mem>>)
    %dma_wait3A_158 = arith.constant 2 : i32
    %dma_wait3A_159 = arith.constant 0 : i32
    %dma_wait3A_160 = arith.constant 0 : i32
    %dma_wait3A_161 = arith.constant 0 : i32
    %dma_wait3A_162 = arith.constant 0 : i32
    %dma_wait3A_163 = tpu.memref_slice %arg10[%dma_wait3A_159, %dma_wait3A_161, %dma_wait3A_162] : memref<2x1024x16xf32, #tpu.memory_space<vmem>> -> memref<1x1024x16xf32, #tpu.memory_space<vmem>>
    %dma_wait3A_164 = tpu.memref_squeeze %dma_wait3A_163 : memref<1x1024x16xf32, #tpu.memory_space<vmem>> -> memref<1024x16xf32, #tpu.memory_space<vmem>>
    %dma_wait3A_165 = arith.constant 0 : i32
    %dma_wait3A_166 = tpu.memref_slice %arg8[%dma_wait3A_158, %dma_wait3A_165] : memref<10x1024xi32, #tpu.memory_space<vmem>> -> memref<1x1024xi32, #tpu.memory_space<vmem>>
    %dma_wait3A_167 = tpu.memref_squeeze %dma_wait3A_166 : memref<1x1024xi32, #tpu.memory_space<vmem>> -> memref<1024xi32, #tpu.memory_space<vmem>>
    %dma_wait3A_168 = arith.constant 0 : i32
    %dma_wait3A_169 = arith.constant 0 : i32
    %dma_wait3A_170 = tpu.memref_slice %arg14[%dma_wait3A_168, %dma_wait3A_169] : memref<10112x16xf32, #tpu.memory_space<vmem_shared>> -> memref<10112x16xf32, #tpu.memory_space<vmem_shared>>
    %dma_wait3A_171 = tpu.memref_slice %arg17[%dma_wait3A_160] : memref<2x!tpu.dma_semaphore, #tpu.memory_space<semaphore_mem>> -> memref<1x!tpu.dma_semaphore, #tpu.memory_space<semaphore_mem>>
    %dma_wait3A_172 = tpu.memref_squeeze %dma_wait3A_171 : memref<1x!tpu.dma_semaphore, #tpu.memory_space<semaphore_mem>> -> memref<!tpu.dma_semaphore, #tpu.memory_space<semaphore_mem>>
    tpu.wait_indirect_dma semaphore(%dma_wait3A_172 : memref<!tpu.dma_semaphore, #tpu.memory_space<semaphore_mem>>) src(%dma_wait3A_170 : memref<10112x16xf32, #tpu.memory_space<vmem_shared>>) dst(%dma_wait3A_164 : memref<1024x16xf32, #tpu.memory_space<vmem>>)
    %run_scoped3A_173 = arith.constant 0 : i32
    %run_scoped3A_174 = arith.constant 2 : i32
    "tpu.region"() ({
      %run_scoped3A_393 = tpu.sem_alloc : memref<!tpu.dma_semaphore, #tpu.memory_space<semaphore_mem>>
      %dma_start3A_394 = arith.constant 0 : i32
      %dma_start3A_395 = arith.constant 0 : i32
      %dma_start3A_396 = tpu.memref_slice %arg10[%run_scoped3A_173, %dma_start3A_394, %dma_start3A_395] : memref<2x1024x16xf32, #tpu.memory_space<vmem>> -> memref<1x1024x16xf32, #tpu.memory_space<vmem>>
      %dma_start3A_397 = tpu.memref_squeeze %dma_start3A_396 : memref<1x1024x16xf32, #tpu.memory_space<vmem>> -> memref<1024x16xf32, #tpu.memory_space<vmem>>
      %dma_start3A_398 = arith.constant 0 : i32
      %dma_start3A_399 = tpu.memref_slice %arg9[%run_scoped3A_174, %dma_start3A_398] : memref<10x1024xi32, #tpu.memory_space<vmem>> -> memref<1x1024xi32, #tpu.memory_space<vmem>>
      %dma_start3A_400 = tpu.memref_squeeze %dma_start3A_399 : memref<1x1024xi32, #tpu.memory_space<vmem>> -> memref<1024xi32, #tpu.memory_space<vmem>>
      %dma_start3A_401 = arith.constant 0 : i32
      %dma_start3A_402 = arith.constant 0 : i32
      %dma_start3A_403 = tpu.memref_slice %arg15[%dma_start3A_401, %dma_start3A_402] : memref<10112x16xf32, #tpu.memory_space<vmem_shared>> -> memref<10112x16xf32, #tpu.memory_space<vmem_shared>>
      tpu.enqueue_indirect_dma source(%dma_start3A_397 : memref<1024x16xf32, #tpu.memory_space<vmem>>) target(%dma_start3A_403 : memref<10112x16xf32, #tpu.memory_space<vmem_shared>>) offsets(%dma_start3A_400 : memref<1024xi32, #tpu.memory_space<vmem>>) semaphore(%run_scoped3A_393 : memref<!tpu.dma_semaphore, #tpu.memory_space<semaphore_mem>>) {add = true}
      %dma_wait3A_404 = arith.constant 0 : i32
      %dma_wait3A_405 = arith.constant 0 : i32
      %dma_wait3A_406 = tpu.memref_slice %arg10[%run_scoped3A_173, %dma_wait3A_404, %dma_wait3A_405] : memref<2x1024x16xf32, #tpu.memory_space<vmem>> -> memref<1x1024x16xf32, #tpu.memory_space<vmem>>
      %dma_wait3A_407 = tpu.memref_squeeze %dma_wait3A_406 : memref<1x1024x16xf32, #tpu.memory_space<vmem>> -> memref<1024x16xf32, #tpu.memory_space<vmem>>
      %dma_wait3A_408 = arith.constant 0 : i32
      %dma_wait3A_409 = tpu.memref_slice %arg9[%run_scoped3A_174, %dma_wait3A_408] : memref<10x1024xi32, #tpu.memory_space<vmem>> -> memref<1x1024xi32, #tpu.memory_space<vmem>>
      %dma_wait3A_410 = tpu.memref_squeeze %dma_wait3A_409 : memref<1x1024xi32, #tpu.memory_space<vmem>> -> memref<1024xi32, #tpu.memory_space<vmem>>
      %dma_wait3A_411 = arith.constant 0 : i32
      %dma_wait3A_412 = arith.constant 0 : i32
      %dma_wait3A_413 = tpu.memref_slice %arg15[%dma_wait3A_411, %dma_wait3A_412] : memref<10112x16xf32, #tpu.memory_space<vmem_shared>> -> memref<10112x16xf32, #tpu.memory_space<vmem_shared>>
      tpu.wait_indirect_dma semaphore(%run_scoped3A_393 : memref<!tpu.dma_semaphore, #tpu.memory_space<semaphore_mem>>) src(%dma_wait3A_407 : memref<1024x16xf32, #tpu.memory_space<vmem>>) dst(%dma_wait3A_413 : memref<10112x16xf32, #tpu.memory_space<vmem_shared>>)
      tpu.yield
    }) : () -> ()
    %run_scoped3A_175 = arith.constant 2 : i32
    "tpu.region"() ({
      %run_scoped3A_393 = tpu.sem_alloc : memref<!tpu.dma_semaphore, #tpu.memory_space<semaphore_mem>>
      %dma_start3A_394 = arith.constant 0 : i32
      %dma_start3A_395 = tpu.memref_slice %arg9[%run_scoped3A_175, %dma_start3A_394] : memref<10x1024xi32, #tpu.memory_space<vmem>> -> memref<1x1024xi32, #tpu.memory_space<vmem>>
      %dma_start3A_396 = tpu.memref_squeeze %dma_start3A_395 : memref<1x1024xi32, #tpu.memory_space<vmem>> -> memref<1024xi32, #tpu.memory_space<vmem>>
      %dma_start3A_397 = arith.constant 0 : i32
      %dma_start3A_398 = arith.constant 0 : i32
      %dma_start3A_399 = tpu.memref_slice %arg16[%dma_start3A_397, %dma_start3A_398] : memref<10112x8xf32, #tpu.memory_space<vmem_shared>> -> memref<10112x8xf32, #tpu.memory_space<vmem_shared>>
      tpu.enqueue_indirect_dma source(%arg11 : memref<1024x8xf32, #tpu.memory_space<vmem>>) target(%dma_start3A_399 : memref<10112x8xf32, #tpu.memory_space<vmem_shared>>) offsets(%dma_start3A_396 : memref<1024xi32, #tpu.memory_space<vmem>>) semaphore(%run_scoped3A_393 : memref<!tpu.dma_semaphore, #tpu.memory_space<semaphore_mem>>) {add = true}
      %dma_wait3A_400 = arith.constant 0 : i32
      %dma_wait3A_401 = tpu.memref_slice %arg9[%run_scoped3A_175, %dma_wait3A_400] : memref<10x1024xi32, #tpu.memory_space<vmem>> -> memref<1x1024xi32, #tpu.memory_space<vmem>>
      %dma_wait3A_402 = tpu.memref_squeeze %dma_wait3A_401 : memref<1x1024xi32, #tpu.memory_space<vmem>> -> memref<1024xi32, #tpu.memory_space<vmem>>
      %dma_wait3A_403 = arith.constant 0 : i32
      %dma_wait3A_404 = arith.constant 0 : i32
      %dma_wait3A_405 = tpu.memref_slice %arg16[%dma_wait3A_403, %dma_wait3A_404] : memref<10112x8xf32, #tpu.memory_space<vmem_shared>> -> memref<10112x8xf32, #tpu.memory_space<vmem_shared>>
      tpu.wait_indirect_dma semaphore(%run_scoped3A_393 : memref<!tpu.dma_semaphore, #tpu.memory_space<semaphore_mem>>) src(%arg11 : memref<1024x8xf32, #tpu.memory_space<vmem>>) dst(%dma_wait3A_405 : memref<10112x8xf32, #tpu.memory_space<vmem_shared>>)
      tpu.yield
    }) : () -> ()
    %dma_start3A_176 = arith.constant 4 : i32
    %dma_start3A_177 = arith.constant 0 : i32
    %dma_start3A_178 = arith.constant 0 : i32
    %dma_start3A_179 = arith.constant 0 : i32
    %dma_start3A_180 = arith.constant 0 : i32
    %dma_start3A_181 = tpu.memref_slice %arg10[%dma_start3A_177, %dma_start3A_179, %dma_start3A_180] : memref<2x1024x16xf32, #tpu.memory_space<vmem>> -> memref<1x1024x16xf32, #tpu.memory_space<vmem>>
    %dma_start3A_182 = tpu.memref_squeeze %dma_start3A_181 : memref<1x1024x16xf32, #tpu.memory_space<vmem>> -> memref<1024x16xf32, #tpu.memory_space<vmem>>
    %dma_start3A_183 = arith.constant 0 : i32
    %dma_start3A_184 = tpu.memref_slice %arg8[%dma_start3A_176, %dma_start3A_183] : memref<10x1024xi32, #tpu.memory_space<vmem>> -> memref<1x1024xi32, #tpu.memory_space<vmem>>
    %dma_start3A_185 = tpu.memref_squeeze %dma_start3A_184 : memref<1x1024xi32, #tpu.memory_space<vmem>> -> memref<1024xi32, #tpu.memory_space<vmem>>
    %dma_start3A_186 = arith.constant 0 : i32
    %dma_start3A_187 = arith.constant 0 : i32
    %dma_start3A_188 = tpu.memref_slice %arg14[%dma_start3A_186, %dma_start3A_187] : memref<10112x16xf32, #tpu.memory_space<vmem_shared>> -> memref<10112x16xf32, #tpu.memory_space<vmem_shared>>
    %dma_start3A_189 = tpu.memref_slice %arg17[%dma_start3A_178] : memref<2x!tpu.dma_semaphore, #tpu.memory_space<semaphore_mem>> -> memref<1x!tpu.dma_semaphore, #tpu.memory_space<semaphore_mem>>
    %dma_start3A_190 = tpu.memref_squeeze %dma_start3A_189 : memref<1x!tpu.dma_semaphore, #tpu.memory_space<semaphore_mem>> -> memref<!tpu.dma_semaphore, #tpu.memory_space<semaphore_mem>>
    tpu.enqueue_indirect_dma source(%dma_start3A_188 : memref<10112x16xf32, #tpu.memory_space<vmem_shared>>) target(%dma_start3A_182 : memref<1024x16xf32, #tpu.memory_space<vmem>>) offsets(%dma_start3A_185 : memref<1024xi32, #tpu.memory_space<vmem>>) semaphore(%dma_start3A_190 : memref<!tpu.dma_semaphore, #tpu.memory_space<semaphore_mem>>)
    %dma_wait3A_191 = arith.constant 3 : i32
    %dma_wait3A_192 = arith.constant 1 : i32
    %dma_wait3A_193 = arith.constant 1 : i32
    %dma_wait3A_194 = arith.constant 0 : i32
    %dma_wait3A_195 = arith.constant 0 : i32
    %dma_wait3A_196 = tpu.memref_slice %arg10[%dma_wait3A_192, %dma_wait3A_194, %dma_wait3A_195] : memref<2x1024x16xf32, #tpu.memory_space<vmem>> -> memref<1x1024x16xf32, #tpu.memory_space<vmem>>
    %dma_wait3A_197 = tpu.memref_squeeze %dma_wait3A_196 : memref<1x1024x16xf32, #tpu.memory_space<vmem>> -> memref<1024x16xf32, #tpu.memory_space<vmem>>
    %dma_wait3A_198 = arith.constant 0 : i32
    %dma_wait3A_199 = tpu.memref_slice %arg8[%dma_wait3A_191, %dma_wait3A_198] : memref<10x1024xi32, #tpu.memory_space<vmem>> -> memref<1x1024xi32, #tpu.memory_space<vmem>>
    %dma_wait3A_200 = tpu.memref_squeeze %dma_wait3A_199 : memref<1x1024xi32, #tpu.memory_space<vmem>> -> memref<1024xi32, #tpu.memory_space<vmem>>
    %dma_wait3A_201 = arith.constant 0 : i32
    %dma_wait3A_202 = arith.constant 0 : i32
    %dma_wait3A_203 = tpu.memref_slice %arg14[%dma_wait3A_201, %dma_wait3A_202] : memref<10112x16xf32, #tpu.memory_space<vmem_shared>> -> memref<10112x16xf32, #tpu.memory_space<vmem_shared>>
    %dma_wait3A_204 = tpu.memref_slice %arg17[%dma_wait3A_193] : memref<2x!tpu.dma_semaphore, #tpu.memory_space<semaphore_mem>> -> memref<1x!tpu.dma_semaphore, #tpu.memory_space<semaphore_mem>>
    %dma_wait3A_205 = tpu.memref_squeeze %dma_wait3A_204 : memref<1x!tpu.dma_semaphore, #tpu.memory_space<semaphore_mem>> -> memref<!tpu.dma_semaphore, #tpu.memory_space<semaphore_mem>>
    tpu.wait_indirect_dma semaphore(%dma_wait3A_205 : memref<!tpu.dma_semaphore, #tpu.memory_space<semaphore_mem>>) src(%dma_wait3A_203 : memref<10112x16xf32, #tpu.memory_space<vmem_shared>>) dst(%dma_wait3A_197 : memref<1024x16xf32, #tpu.memory_space<vmem>>)
    %run_scoped3A_206 = arith.constant 1 : i32
    %run_scoped3A_207 = arith.constant 3 : i32
    "tpu.region"() ({
      %run_scoped3A_393 = tpu.sem_alloc : memref<!tpu.dma_semaphore, #tpu.memory_space<semaphore_mem>>
      %dma_start3A_394 = arith.constant 0 : i32
      %dma_start3A_395 = arith.constant 0 : i32
      %dma_start3A_396 = tpu.memref_slice %arg10[%run_scoped3A_206, %dma_start3A_394, %dma_start3A_395] : memref<2x1024x16xf32, #tpu.memory_space<vmem>> -> memref<1x1024x16xf32, #tpu.memory_space<vmem>>
      %dma_start3A_397 = tpu.memref_squeeze %dma_start3A_396 : memref<1x1024x16xf32, #tpu.memory_space<vmem>> -> memref<1024x16xf32, #tpu.memory_space<vmem>>
      %dma_start3A_398 = arith.constant 0 : i32
      %dma_start3A_399 = tpu.memref_slice %arg9[%run_scoped3A_207, %dma_start3A_398] : memref<10x1024xi32, #tpu.memory_space<vmem>> -> memref<1x1024xi32, #tpu.memory_space<vmem>>
      %dma_start3A_400 = tpu.memref_squeeze %dma_start3A_399 : memref<1x1024xi32, #tpu.memory_space<vmem>> -> memref<1024xi32, #tpu.memory_space<vmem>>
      %dma_start3A_401 = arith.constant 0 : i32
      %dma_start3A_402 = arith.constant 0 : i32
      %dma_start3A_403 = tpu.memref_slice %arg15[%dma_start3A_401, %dma_start3A_402] : memref<10112x16xf32, #tpu.memory_space<vmem_shared>> -> memref<10112x16xf32, #tpu.memory_space<vmem_shared>>
      tpu.enqueue_indirect_dma source(%dma_start3A_397 : memref<1024x16xf32, #tpu.memory_space<vmem>>) target(%dma_start3A_403 : memref<10112x16xf32, #tpu.memory_space<vmem_shared>>) offsets(%dma_start3A_400 : memref<1024xi32, #tpu.memory_space<vmem>>) semaphore(%run_scoped3A_393 : memref<!tpu.dma_semaphore, #tpu.memory_space<semaphore_mem>>) {add = true}
      %dma_wait3A_404 = arith.constant 0 : i32
      %dma_wait3A_405 = arith.constant 0 : i32
      %dma_wait3A_406 = tpu.memref_slice %arg10[%run_scoped3A_206, %dma_wait3A_404, %dma_wait3A_405] : memref<2x1024x16xf32, #tpu.memory_space<vmem>> -> memref<1x1024x16xf32, #tpu.memory_space<vmem>>
      %dma_wait3A_407 = tpu.memref_squeeze %dma_wait3A_406 : memref<1x1024x16xf32, #tpu.memory_space<vmem>> -> memref<1024x16xf32, #tpu.memory_space<vmem>>
      %dma_wait3A_408 = arith.constant 0 : i32
      %dma_wait3A_409 = tpu.memref_slice %arg9[%run_scoped3A_207, %dma_wait3A_408] : memref<10x1024xi32, #tpu.memory_space<vmem>> -> memref<1x1024xi32, #tpu.memory_space<vmem>>
      %dma_wait3A_410 = tpu.memref_squeeze %dma_wait3A_409 : memref<1x1024xi32, #tpu.memory_space<vmem>> -> memref<1024xi32, #tpu.memory_space<vmem>>
      %dma_wait3A_411 = arith.constant 0 : i32
      %dma_wait3A_412 = arith.constant 0 : i32
      %dma_wait3A_413 = tpu.memref_slice %arg15[%dma_wait3A_411, %dma_wait3A_412] : memref<10112x16xf32, #tpu.memory_space<vmem_shared>> -> memref<10112x16xf32, #tpu.memory_space<vmem_shared>>
      tpu.wait_indirect_dma semaphore(%run_scoped3A_393 : memref<!tpu.dma_semaphore, #tpu.memory_space<semaphore_mem>>) src(%dma_wait3A_407 : memref<1024x16xf32, #tpu.memory_space<vmem>>) dst(%dma_wait3A_413 : memref<10112x16xf32, #tpu.memory_space<vmem_shared>>)
      tpu.yield
    }) : () -> ()
    %run_scoped3A_208 = arith.constant 3 : i32
    "tpu.region"() ({
      %run_scoped3A_393 = tpu.sem_alloc : memref<!tpu.dma_semaphore, #tpu.memory_space<semaphore_mem>>
      %dma_start3A_394 = arith.constant 0 : i32
      %dma_start3A_395 = tpu.memref_slice %arg9[%run_scoped3A_208, %dma_start3A_394] : memref<10x1024xi32, #tpu.memory_space<vmem>> -> memref<1x1024xi32, #tpu.memory_space<vmem>>
      %dma_start3A_396 = tpu.memref_squeeze %dma_start3A_395 : memref<1x1024xi32, #tpu.memory_space<vmem>> -> memref<1024xi32, #tpu.memory_space<vmem>>
      %dma_start3A_397 = arith.constant 0 : i32
      %dma_start3A_398 = arith.constant 0 : i32
      %dma_start3A_399 = tpu.memref_slice %arg16[%dma_start3A_397, %dma_start3A_398] : memref<10112x8xf32, #tpu.memory_space<vmem_shared>> -> memref<10112x8xf32, #tpu.memory_space<vmem_shared>>
      tpu.enqueue_indirect_dma source(%arg11 : memref<1024x8xf32, #tpu.memory_space<vmem>>) target(%dma_start3A_399 : memref<10112x8xf32, #tpu.memory_space<vmem_shared>>) offsets(%dma_start3A_396 : memref<1024xi32, #tpu.memory_space<vmem>>) semaphore(%run_scoped3A_393 : memref<!tpu.dma_semaphore, #tpu.memory_space<semaphore_mem>>) {add = true}
      %dma_wait3A_400 = arith.constant 0 : i32
      %dma_wait3A_401 = tpu.memref_slice %arg9[%run_scoped3A_208, %dma_wait3A_400] : memref<10x1024xi32, #tpu.memory_space<vmem>> -> memref<1x1024xi32, #tpu.memory_space<vmem>>
      %dma_wait3A_402 = tpu.memref_squeeze %dma_wait3A_401 : memref<1x1024xi32, #tpu.memory_space<vmem>> -> memref<1024xi32, #tpu.memory_space<vmem>>
      %dma_wait3A_403 = arith.constant 0 : i32
      %dma_wait3A_404 = arith.constant 0 : i32
      %dma_wait3A_405 = tpu.memref_slice %arg16[%dma_wait3A_403, %dma_wait3A_404] : memref<10112x8xf32, #tpu.memory_space<vmem_shared>> -> memref<10112x8xf32, #tpu.memory_space<vmem_shared>>
      tpu.wait_indirect_dma semaphore(%run_scoped3A_393 : memref<!tpu.dma_semaphore, #tpu.memory_space<semaphore_mem>>) src(%arg11 : memref<1024x8xf32, #tpu.memory_space<vmem>>) dst(%dma_wait3A_405 : memref<10112x8xf32, #tpu.memory_space<vmem_shared>>)
      tpu.yield
    }) : () -> ()
    %dma_start3A_209 = arith.constant 5 : i32
    %dma_start3A_210 = arith.constant 1 : i32
    %dma_start3A_211 = arith.constant 1 : i32
    %dma_start3A_212 = arith.constant 0 : i32
    %dma_start3A_213 = arith.constant 0 : i32
    %dma_start3A_214 = tpu.memref_slice %arg10[%dma_start3A_210, %dma_start3A_212, %dma_start3A_213] : memref<2x1024x16xf32, #tpu.memory_space<vmem>> -> memref<1x1024x16xf32, #tpu.memory_space<vmem>>
    %dma_start3A_215 = tpu.memref_squeeze %dma_start3A_214 : memref<1x1024x16xf32, #tpu.memory_space<vmem>> -> memref<1024x16xf32, #tpu.memory_space<vmem>>
    %dma_start3A_216 = arith.constant 0 : i32
    %dma_start3A_217 = tpu.memref_slice %arg8[%dma_start3A_209, %dma_start3A_216] : memref<10x1024xi32, #tpu.memory_space<vmem>> -> memref<1x1024xi32, #tpu.memory_space<vmem>>
    %dma_start3A_218 = tpu.memref_squeeze %dma_start3A_217 : memref<1x1024xi32, #tpu.memory_space<vmem>> -> memref<1024xi32, #tpu.memory_space<vmem>>
    %dma_start3A_219 = arith.constant 0 : i32
    %dma_start3A_220 = arith.constant 0 : i32
    %dma_start3A_221 = tpu.memref_slice %arg14[%dma_start3A_219, %dma_start3A_220] : memref<10112x16xf32, #tpu.memory_space<vmem_shared>> -> memref<10112x16xf32, #tpu.memory_space<vmem_shared>>
    %dma_start3A_222 = tpu.memref_slice %arg17[%dma_start3A_211] : memref<2x!tpu.dma_semaphore, #tpu.memory_space<semaphore_mem>> -> memref<1x!tpu.dma_semaphore, #tpu.memory_space<semaphore_mem>>
    %dma_start3A_223 = tpu.memref_squeeze %dma_start3A_222 : memref<1x!tpu.dma_semaphore, #tpu.memory_space<semaphore_mem>> -> memref<!tpu.dma_semaphore, #tpu.memory_space<semaphore_mem>>
    tpu.enqueue_indirect_dma source(%dma_start3A_221 : memref<10112x16xf32, #tpu.memory_space<vmem_shared>>) target(%dma_start3A_215 : memref<1024x16xf32, #tpu.memory_space<vmem>>) offsets(%dma_start3A_218 : memref<1024xi32, #tpu.memory_space<vmem>>) semaphore(%dma_start3A_223 : memref<!tpu.dma_semaphore, #tpu.memory_space<semaphore_mem>>)
    %dma_wait3A_224 = arith.constant 4 : i32
    %dma_wait3A_225 = arith.constant 0 : i32
    %dma_wait3A_226 = arith.constant 0 : i32
    %dma_wait3A_227 = arith.constant 0 : i32
    %dma_wait3A_228 = arith.constant 0 : i32
    %dma_wait3A_229 = tpu.memref_slice %arg10[%dma_wait3A_225, %dma_wait3A_227, %dma_wait3A_228] : memref<2x1024x16xf32, #tpu.memory_space<vmem>> -> memref<1x1024x16xf32, #tpu.memory_space<vmem>>
    %dma_wait3A_230 = tpu.memref_squeeze %dma_wait3A_229 : memref<1x1024x16xf32, #tpu.memory_space<vmem>> -> memref<1024x16xf32, #tpu.memory_space<vmem>>
    %dma_wait3A_231 = arith.constant 0 : i32
    %dma_wait3A_232 = tpu.memref_slice %arg8[%dma_wait3A_224, %dma_wait3A_231] : memref<10x1024xi32, #tpu.memory_space<vmem>> -> memref<1x1024xi32, #tpu.memory_space<vmem>>
    %dma_wait3A_233 = tpu.memref_squeeze %dma_wait3A_232 : memref<1x1024xi32, #tpu.memory_space<vmem>> -> memref<1024xi32, #tpu.memory_space<vmem>>
    %dma_wait3A_234 = arith.constant 0 : i32
    %dma_wait3A_235 = arith.constant 0 : i32
    %dma_wait3A_236 = tpu.memref_slice %arg14[%dma_wait3A_234, %dma_wait3A_235] : memref<10112x16xf32, #tpu.memory_space<vmem_shared>> -> memref<10112x16xf32, #tpu.memory_space<vmem_shared>>
    %dma_wait3A_237 = tpu.memref_slice %arg17[%dma_wait3A_226] : memref<2x!tpu.dma_semaphore, #tpu.memory_space<semaphore_mem>> -> memref<1x!tpu.dma_semaphore, #tpu.memory_space<semaphore_mem>>
    %dma_wait3A_238 = tpu.memref_squeeze %dma_wait3A_237 : memref<1x!tpu.dma_semaphore, #tpu.memory_space<semaphore_mem>> -> memref<!tpu.dma_semaphore, #tpu.memory_space<semaphore_mem>>
    tpu.wait_indirect_dma semaphore(%dma_wait3A_238 : memref<!tpu.dma_semaphore, #tpu.memory_space<semaphore_mem>>) src(%dma_wait3A_236 : memref<10112x16xf32, #tpu.memory_space<vmem_shared>>) dst(%dma_wait3A_230 : memref<1024x16xf32, #tpu.memory_space<vmem>>)
    %run_scoped3A_239 = arith.constant 0 : i32
    %run_scoped3A_240 = arith.constant 4 : i32
    "tpu.region"() ({
      %run_scoped3A_393 = tpu.sem_alloc : memref<!tpu.dma_semaphore, #tpu.memory_space<semaphore_mem>>
      %dma_start3A_394 = arith.constant 0 : i32
      %dma_start3A_395 = arith.constant 0 : i32
      %dma_start3A_396 = tpu.memref_slice %arg10[%run_scoped3A_239, %dma_start3A_394, %dma_start3A_395] : memref<2x1024x16xf32, #tpu.memory_space<vmem>> -> memref<1x1024x16xf32, #tpu.memory_space<vmem>>
      %dma_start3A_397 = tpu.memref_squeeze %dma_start3A_396 : memref<1x1024x16xf32, #tpu.memory_space<vmem>> -> memref<1024x16xf32, #tpu.memory_space<vmem>>
      %dma_start3A_398 = arith.constant 0 : i32
      %dma_start3A_399 = tpu.memref_slice %arg9[%run_scoped3A_240, %dma_start3A_398] : memref<10x1024xi32, #tpu.memory_space<vmem>> -> memref<1x1024xi32, #tpu.memory_space<vmem>>
      %dma_start3A_400 = tpu.memref_squeeze %dma_start3A_399 : memref<1x1024xi32, #tpu.memory_space<vmem>> -> memref<1024xi32, #tpu.memory_space<vmem>>
      %dma_start3A_401 = arith.constant 0 : i32
      %dma_start3A_402 = arith.constant 0 : i32
      %dma_start3A_403 = tpu.memref_slice %arg15[%dma_start3A_401, %dma_start3A_402] : memref<10112x16xf32, #tpu.memory_space<vmem_shared>> -> memref<10112x16xf32, #tpu.memory_space<vmem_shared>>
      tpu.enqueue_indirect_dma source(%dma_start3A_397 : memref<1024x16xf32, #tpu.memory_space<vmem>>) target(%dma_start3A_403 : memref<10112x16xf32, #tpu.memory_space<vmem_shared>>) offsets(%dma_start3A_400 : memref<1024xi32, #tpu.memory_space<vmem>>) semaphore(%run_scoped3A_393 : memref<!tpu.dma_semaphore, #tpu.memory_space<semaphore_mem>>) {add = true}
      %dma_wait3A_404 = arith.constant 0 : i32
      %dma_wait3A_405 = arith.constant 0 : i32
      %dma_wait3A_406 = tpu.memref_slice %arg10[%run_scoped3A_239, %dma_wait3A_404, %dma_wait3A_405] : memref<2x1024x16xf32, #tpu.memory_space<vmem>> -> memref<1x1024x16xf32, #tpu.memory_space<vmem>>
      %dma_wait3A_407 = tpu.memref_squeeze %dma_wait3A_406 : memref<1x1024x16xf32, #tpu.memory_space<vmem>> -> memref<1024x16xf32, #tpu.memory_space<vmem>>
      %dma_wait3A_408 = arith.constant 0 : i32
      %dma_wait3A_409 = tpu.memref_slice %arg9[%run_scoped3A_240, %dma_wait3A_408] : memref<10x1024xi32, #tpu.memory_space<vmem>> -> memref<1x1024xi32, #tpu.memory_space<vmem>>
      %dma_wait3A_410 = tpu.memref_squeeze %dma_wait3A_409 : memref<1x1024xi32, #tpu.memory_space<vmem>> -> memref<1024xi32, #tpu.memory_space<vmem>>
      %dma_wait3A_411 = arith.constant 0 : i32
      %dma_wait3A_412 = arith.constant 0 : i32
      %dma_wait3A_413 = tpu.memref_slice %arg15[%dma_wait3A_411, %dma_wait3A_412] : memref<10112x16xf32, #tpu.memory_space<vmem_shared>> -> memref<10112x16xf32, #tpu.memory_space<vmem_shared>>
      tpu.wait_indirect_dma semaphore(%run_scoped3A_393 : memref<!tpu.dma_semaphore, #tpu.memory_space<semaphore_mem>>) src(%dma_wait3A_407 : memref<1024x16xf32, #tpu.memory_space<vmem>>) dst(%dma_wait3A_413 : memref<10112x16xf32, #tpu.memory_space<vmem_shared>>)
      tpu.yield
    }) : () -> ()
    %run_scoped3A_241 = arith.constant 4 : i32
    "tpu.region"() ({
      %run_scoped3A_393 = tpu.sem_alloc : memref<!tpu.dma_semaphore, #tpu.memory_space<semaphore_mem>>
      %dma_start3A_394 = arith.constant 0 : i32
      %dma_start3A_395 = tpu.memref_slice %arg9[%run_scoped3A_241, %dma_start3A_394] : memref<10x1024xi32, #tpu.memory_space<vmem>> -> memref<1x1024xi32, #tpu.memory_space<vmem>>
      %dma_start3A_396 = tpu.memref_squeeze %dma_start3A_395 : memref<1x1024xi32, #tpu.memory_space<vmem>> -> memref<1024xi32, #tpu.memory_space<vmem>>
      %dma_start3A_397 = arith.constant 0 : i32
      %dma_start3A_398 = arith.constant 0 : i32
      %dma_start3A_399 = tpu.memref_slice %arg16[%dma_start3A_397, %dma_start3A_398] : memref<10112x8xf32, #tpu.memory_space<vmem_shared>> -> memref<10112x8xf32, #tpu.memory_space<vmem_shared>>
      tpu.enqueue_indirect_dma source(%arg11 : memref<1024x8xf32, #tpu.memory_space<vmem>>) target(%dma_start3A_399 : memref<10112x8xf32, #tpu.memory_space<vmem_shared>>) offsets(%dma_start3A_396 : memref<1024xi32, #tpu.memory_space<vmem>>) semaphore(%run_scoped3A_393 : memref<!tpu.dma_semaphore, #tpu.memory_space<semaphore_mem>>) {add = true}
      %dma_wait3A_400 = arith.constant 0 : i32
      %dma_wait3A_401 = tpu.memref_slice %arg9[%run_scoped3A_241, %dma_wait3A_400] : memref<10x1024xi32, #tpu.memory_space<vmem>> -> memref<1x1024xi32, #tpu.memory_space<vmem>>
      %dma_wait3A_402 = tpu.memref_squeeze %dma_wait3A_401 : memref<1x1024xi32, #tpu.memory_space<vmem>> -> memref<1024xi32, #tpu.memory_space<vmem>>
      %dma_wait3A_403 = arith.constant 0 : i32
      %dma_wait3A_404 = arith.constant 0 : i32
      %dma_wait3A_405 = tpu.memref_slice %arg16[%dma_wait3A_403, %dma_wait3A_404] : memref<10112x8xf32, #tpu.memory_space<vmem_shared>> -> memref<10112x8xf32, #tpu.memory_space<vmem_shared>>
      tpu.wait_indirect_dma semaphore(%run_scoped3A_393 : memref<!tpu.dma_semaphore, #tpu.memory_space<semaphore_mem>>) src(%arg11 : memref<1024x8xf32, #tpu.memory_space<vmem>>) dst(%dma_wait3A_405 : memref<10112x8xf32, #tpu.memory_space<vmem_shared>>)
      tpu.yield
    }) : () -> ()
    %dma_start3A_242 = arith.constant 6 : i32
    %dma_start3A_243 = arith.constant 0 : i32
    %dma_start3A_244 = arith.constant 0 : i32
    %dma_start3A_245 = arith.constant 0 : i32
    %dma_start3A_246 = arith.constant 0 : i32
    %dma_start3A_247 = tpu.memref_slice %arg10[%dma_start3A_243, %dma_start3A_245, %dma_start3A_246] : memref<2x1024x16xf32, #tpu.memory_space<vmem>> -> memref<1x1024x16xf32, #tpu.memory_space<vmem>>
    %dma_start3A_248 = tpu.memref_squeeze %dma_start3A_247 : memref<1x1024x16xf32, #tpu.memory_space<vmem>> -> memref<1024x16xf32, #tpu.memory_space<vmem>>
    %dma_start3A_249 = arith.constant 0 : i32
    %dma_start3A_250 = tpu.memref_slice %arg8[%dma_start3A_242, %dma_start3A_249] : memref<10x1024xi32, #tpu.memory_space<vmem>> -> memref<1x1024xi32, #tpu.memory_space<vmem>>
    %dma_start3A_251 = tpu.memref_squeeze %dma_start3A_250 : memref<1x1024xi32, #tpu.memory_space<vmem>> -> memref<1024xi32, #tpu.memory_space<vmem>>
    %dma_start3A_252 = arith.constant 0 : i32
    %dma_start3A_253 = arith.constant 0 : i32
    %dma_start3A_254 = tpu.memref_slice %arg14[%dma_start3A_252, %dma_start3A_253] : memref<10112x16xf32, #tpu.memory_space<vmem_shared>> -> memref<10112x16xf32, #tpu.memory_space<vmem_shared>>
    %dma_start3A_255 = tpu.memref_slice %arg17[%dma_start3A_244] : memref<2x!tpu.dma_semaphore, #tpu.memory_space<semaphore_mem>> -> memref<1x!tpu.dma_semaphore, #tpu.memory_space<semaphore_mem>>
    %dma_start3A_256 = tpu.memref_squeeze %dma_start3A_255 : memref<1x!tpu.dma_semaphore, #tpu.memory_space<semaphore_mem>> -> memref<!tpu.dma_semaphore, #tpu.memory_space<semaphore_mem>>
    tpu.enqueue_indirect_dma source(%dma_start3A_254 : memref<10112x16xf32, #tpu.memory_space<vmem_shared>>) target(%dma_start3A_248 : memref<1024x16xf32, #tpu.memory_space<vmem>>) offsets(%dma_start3A_251 : memref<1024xi32, #tpu.memory_space<vmem>>) semaphore(%dma_start3A_256 : memref<!tpu.dma_semaphore, #tpu.memory_space<semaphore_mem>>)
    %dma_wait3A_257 = arith.constant 5 : i32
    %dma_wait3A_258 = arith.constant 1 : i32
    %dma_wait3A_259 = arith.constant 1 : i32
    %dma_wait3A_260 = arith.constant 0 : i32
    %dma_wait3A_261 = arith.constant 0 : i32
    %dma_wait3A_262 = tpu.memref_slice %arg10[%dma_wait3A_258, %dma_wait3A_260, %dma_wait3A_261] : memref<2x1024x16xf32, #tpu.memory_space<vmem>> -> memref<1x1024x16xf32, #tpu.memory_space<vmem>>
    %dma_wait3A_263 = tpu.memref_squeeze %dma_wait3A_262 : memref<1x1024x16xf32, #tpu.memory_space<vmem>> -> memref<1024x16xf32, #tpu.memory_space<vmem>>
    %dma_wait3A_264 = arith.constant 0 : i32
    %dma_wait3A_265 = tpu.memref_slice %arg8[%dma_wait3A_257, %dma_wait3A_264] : memref<10x1024xi32, #tpu.memory_space<vmem>> -> memref<1x1024xi32, #tpu.memory_space<vmem>>
    %dma_wait3A_266 = tpu.memref_squeeze %dma_wait3A_265 : memref<1x1024xi32, #tpu.memory_space<vmem>> -> memref<1024xi32, #tpu.memory_space<vmem>>
    %dma_wait3A_267 = arith.constant 0 : i32
    %dma_wait3A_268 = arith.constant 0 : i32
    %dma_wait3A_269 = tpu.memref_slice %arg14[%dma_wait3A_267, %dma_wait3A_268] : memref<10112x16xf32, #tpu.memory_space<vmem_shared>> -> memref<10112x16xf32, #tpu.memory_space<vmem_shared>>
    %dma_wait3A_270 = tpu.memref_slice %arg17[%dma_wait3A_259] : memref<2x!tpu.dma_semaphore, #tpu.memory_space<semaphore_mem>> -> memref<1x!tpu.dma_semaphore, #tpu.memory_space<semaphore_mem>>
    %dma_wait3A_271 = tpu.memref_squeeze %dma_wait3A_270 : memref<1x!tpu.dma_semaphore, #tpu.memory_space<semaphore_mem>> -> memref<!tpu.dma_semaphore, #tpu.memory_space<semaphore_mem>>
    tpu.wait_indirect_dma semaphore(%dma_wait3A_271 : memref<!tpu.dma_semaphore, #tpu.memory_space<semaphore_mem>>) src(%dma_wait3A_269 : memref<10112x16xf32, #tpu.memory_space<vmem_shared>>) dst(%dma_wait3A_263 : memref<1024x16xf32, #tpu.memory_space<vmem>>)
    %run_scoped3A_272 = arith.constant 1 : i32
    %run_scoped3A_273 = arith.constant 5 : i32
    "tpu.region"() ({
      %run_scoped3A_393 = tpu.sem_alloc : memref<!tpu.dma_semaphore, #tpu.memory_space<semaphore_mem>>
      %dma_start3A_394 = arith.constant 0 : i32
      %dma_start3A_395 = arith.constant 0 : i32
      %dma_start3A_396 = tpu.memref_slice %arg10[%run_scoped3A_272, %dma_start3A_394, %dma_start3A_395] : memref<2x1024x16xf32, #tpu.memory_space<vmem>> -> memref<1x1024x16xf32, #tpu.memory_space<vmem>>
      %dma_start3A_397 = tpu.memref_squeeze %dma_start3A_396 : memref<1x1024x16xf32, #tpu.memory_space<vmem>> -> memref<1024x16xf32, #tpu.memory_space<vmem>>
      %dma_start3A_398 = arith.constant 0 : i32
      %dma_start3A_399 = tpu.memref_slice %arg9[%run_scoped3A_273, %dma_start3A_398] : memref<10x1024xi32, #tpu.memory_space<vmem>> -> memref<1x1024xi32, #tpu.memory_space<vmem>>
      %dma_start3A_400 = tpu.memref_squeeze %dma_start3A_399 : memref<1x1024xi32, #tpu.memory_space<vmem>> -> memref<1024xi32, #tpu.memory_space<vmem>>
      %dma_start3A_401 = arith.constant 0 : i32
      %dma_start3A_402 = arith.constant 0 : i32
      %dma_start3A_403 = tpu.memref_slice %arg15[%dma_start3A_401, %dma_start3A_402] : memref<10112x16xf32, #tpu.memory_space<vmem_shared>> -> memref<10112x16xf32, #tpu.memory_space<vmem_shared>>
      tpu.enqueue_indirect_dma source(%dma_start3A_397 : memref<1024x16xf32, #tpu.memory_space<vmem>>) target(%dma_start3A_403 : memref<10112x16xf32, #tpu.memory_space<vmem_shared>>) offsets(%dma_start3A_400 : memref<1024xi32, #tpu.memory_space<vmem>>) semaphore(%run_scoped3A_393 : memref<!tpu.dma_semaphore, #tpu.memory_space<semaphore_mem>>) {add = true}
      %dma_wait3A_404 = arith.constant 0 : i32
      %dma_wait3A_405 = arith.constant 0 : i32
      %dma_wait3A_406 = tpu.memref_slice %arg10[%run_scoped3A_272, %dma_wait3A_404, %dma_wait3A_405] : memref<2x1024x16xf32, #tpu.memory_space<vmem>> -> memref<1x1024x16xf32, #tpu.memory_space<vmem>>
      %dma_wait3A_407 = tpu.memref_squeeze %dma_wait3A_406 : memref<1x1024x16xf32, #tpu.memory_space<vmem>> -> memref<1024x16xf32, #tpu.memory_space<vmem>>
      %dma_wait3A_408 = arith.constant 0 : i32
      %dma_wait3A_409 = tpu.memref_slice %arg9[%run_scoped3A_273, %dma_wait3A_408] : memref<10x1024xi32, #tpu.memory_space<vmem>> -> memref<1x1024xi32, #tpu.memory_space<vmem>>
      %dma_wait3A_410 = tpu.memref_squeeze %dma_wait3A_409 : memref<1x1024xi32, #tpu.memory_space<vmem>> -> memref<1024xi32, #tpu.memory_space<vmem>>
      %dma_wait3A_411 = arith.constant 0 : i32
      %dma_wait3A_412 = arith.constant 0 : i32
      %dma_wait3A_413 = tpu.memref_slice %arg15[%dma_wait3A_411, %dma_wait3A_412] : memref<10112x16xf32, #tpu.memory_space<vmem_shared>> -> memref<10112x16xf32, #tpu.memory_space<vmem_shared>>
      tpu.wait_indirect_dma semaphore(%run_scoped3A_393 : memref<!tpu.dma_semaphore, #tpu.memory_space<semaphore_mem>>) src(%dma_wait3A_407 : memref<1024x16xf32, #tpu.memory_space<vmem>>) dst(%dma_wait3A_413 : memref<10112x16xf32, #tpu.memory_space<vmem_shared>>)
      tpu.yield
    }) : () -> ()
    %run_scoped3A_274 = arith.constant 5 : i32
    "tpu.region"() ({
      %run_scoped3A_393 = tpu.sem_alloc : memref<!tpu.dma_semaphore, #tpu.memory_space<semaphore_mem>>
      %dma_start3A_394 = arith.constant 0 : i32
      %dma_start3A_395 = tpu.memref_slice %arg9[%run_scoped3A_274, %dma_start3A_394] : memref<10x1024xi32, #tpu.memory_space<vmem>> -> memref<1x1024xi32, #tpu.memory_space<vmem>>
      %dma_start3A_396 = tpu.memref_squeeze %dma_start3A_395 : memref<1x1024xi32, #tpu.memory_space<vmem>> -> memref<1024xi32, #tpu.memory_space<vmem>>
      %dma_start3A_397 = arith.constant 0 : i32
      %dma_start3A_398 = arith.constant 0 : i32
      %dma_start3A_399 = tpu.memref_slice %arg16[%dma_start3A_397, %dma_start3A_398] : memref<10112x8xf32, #tpu.memory_space<vmem_shared>> -> memref<10112x8xf32, #tpu.memory_space<vmem_shared>>
      tpu.enqueue_indirect_dma source(%arg11 : memref<1024x8xf32, #tpu.memory_space<vmem>>) target(%dma_start3A_399 : memref<10112x8xf32, #tpu.memory_space<vmem_shared>>) offsets(%dma_start3A_396 : memref<1024xi32, #tpu.memory_space<vmem>>) semaphore(%run_scoped3A_393 : memref<!tpu.dma_semaphore, #tpu.memory_space<semaphore_mem>>) {add = true}
      %dma_wait3A_400 = arith.constant 0 : i32
      %dma_wait3A_401 = tpu.memref_slice %arg9[%run_scoped3A_274, %dma_wait3A_400] : memref<10x1024xi32, #tpu.memory_space<vmem>> -> memref<1x1024xi32, #tpu.memory_space<vmem>>
      %dma_wait3A_402 = tpu.memref_squeeze %dma_wait3A_401 : memref<1x1024xi32, #tpu.memory_space<vmem>> -> memref<1024xi32, #tpu.memory_space<vmem>>
      %dma_wait3A_403 = arith.constant 0 : i32
      %dma_wait3A_404 = arith.constant 0 : i32
      %dma_wait3A_405 = tpu.memref_slice %arg16[%dma_wait3A_403, %dma_wait3A_404] : memref<10112x8xf32, #tpu.memory_space<vmem_shared>> -> memref<10112x8xf32, #tpu.memory_space<vmem_shared>>
      tpu.wait_indirect_dma semaphore(%run_scoped3A_393 : memref<!tpu.dma_semaphore, #tpu.memory_space<semaphore_mem>>) src(%arg11 : memref<1024x8xf32, #tpu.memory_space<vmem>>) dst(%dma_wait3A_405 : memref<10112x8xf32, #tpu.memory_space<vmem_shared>>)
      tpu.yield
    }) : () -> ()
    %dma_start3A_275 = arith.constant 7 : i32
    %dma_start3A_276 = arith.constant 1 : i32
    %dma_start3A_277 = arith.constant 1 : i32
    %dma_start3A_278 = arith.constant 0 : i32
    %dma_start3A_279 = arith.constant 0 : i32
    %dma_start3A_280 = tpu.memref_slice %arg10[%dma_start3A_276, %dma_start3A_278, %dma_start3A_279] : memref<2x1024x16xf32, #tpu.memory_space<vmem>> -> memref<1x1024x16xf32, #tpu.memory_space<vmem>>
    %dma_start3A_281 = tpu.memref_squeeze %dma_start3A_280 : memref<1x1024x16xf32, #tpu.memory_space<vmem>> -> memref<1024x16xf32, #tpu.memory_space<vmem>>
    %dma_start3A_282 = arith.constant 0 : i32
    %dma_start3A_283 = tpu.memref_slice %arg8[%dma_start3A_275, %dma_start3A_282] : memref<10x1024xi32, #tpu.memory_space<vmem>> -> memref<1x1024xi32, #tpu.memory_space<vmem>>
    %dma_start3A_284 = tpu.memref_squeeze %dma_start3A_283 : memref<1x1024xi32, #tpu.memory_space<vmem>> -> memref<1024xi32, #tpu.memory_space<vmem>>
    %dma_start3A_285 = arith.constant 0 : i32
    %dma_start3A_286 = arith.constant 0 : i32
    %dma_start3A_287 = tpu.memref_slice %arg14[%dma_start3A_285, %dma_start3A_286] : memref<10112x16xf32, #tpu.memory_space<vmem_shared>> -> memref<10112x16xf32, #tpu.memory_space<vmem_shared>>
    %dma_start3A_288 = tpu.memref_slice %arg17[%dma_start3A_277] : memref<2x!tpu.dma_semaphore, #tpu.memory_space<semaphore_mem>> -> memref<1x!tpu.dma_semaphore, #tpu.memory_space<semaphore_mem>>
    %dma_start3A_289 = tpu.memref_squeeze %dma_start3A_288 : memref<1x!tpu.dma_semaphore, #tpu.memory_space<semaphore_mem>> -> memref<!tpu.dma_semaphore, #tpu.memory_space<semaphore_mem>>
    tpu.enqueue_indirect_dma source(%dma_start3A_287 : memref<10112x16xf32, #tpu.memory_space<vmem_shared>>) target(%dma_start3A_281 : memref<1024x16xf32, #tpu.memory_space<vmem>>) offsets(%dma_start3A_284 : memref<1024xi32, #tpu.memory_space<vmem>>) semaphore(%dma_start3A_289 : memref<!tpu.dma_semaphore, #tpu.memory_space<semaphore_mem>>)
    %dma_wait3A_290 = arith.constant 6 : i32
    %dma_wait3A_291 = arith.constant 0 : i32
    %dma_wait3A_292 = arith.constant 0 : i32
    %dma_wait3A_293 = arith.constant 0 : i32
    %dma_wait3A_294 = arith.constant 0 : i32
    %dma_wait3A_295 = tpu.memref_slice %arg10[%dma_wait3A_291, %dma_wait3A_293, %dma_wait3A_294] : memref<2x1024x16xf32, #tpu.memory_space<vmem>> -> memref<1x1024x16xf32, #tpu.memory_space<vmem>>
    %dma_wait3A_296 = tpu.memref_squeeze %dma_wait3A_295 : memref<1x1024x16xf32, #tpu.memory_space<vmem>> -> memref<1024x16xf32, #tpu.memory_space<vmem>>
    %dma_wait3A_297 = arith.constant 0 : i32
    %dma_wait3A_298 = tpu.memref_slice %arg8[%dma_wait3A_290, %dma_wait3A_297] : memref<10x1024xi32, #tpu.memory_space<vmem>> -> memref<1x1024xi32, #tpu.memory_space<vmem>>
    %dma_wait3A_299 = tpu.memref_squeeze %dma_wait3A_298 : memref<1x1024xi32, #tpu.memory_space<vmem>> -> memref<1024xi32, #tpu.memory_space<vmem>>
    %dma_wait3A_300 = arith.constant 0 : i32
    %dma_wait3A_301 = arith.constant 0 : i32
    %dma_wait3A_302 = tpu.memref_slice %arg14[%dma_wait3A_300, %dma_wait3A_301] : memref<10112x16xf32, #tpu.memory_space<vmem_shared>> -> memref<10112x16xf32, #tpu.memory_space<vmem_shared>>
    %dma_wait3A_303 = tpu.memref_slice %arg17[%dma_wait3A_292] : memref<2x!tpu.dma_semaphore, #tpu.memory_space<semaphore_mem>> -> memref<1x!tpu.dma_semaphore, #tpu.memory_space<semaphore_mem>>
    %dma_wait3A_304 = tpu.memref_squeeze %dma_wait3A_303 : memref<1x!tpu.dma_semaphore, #tpu.memory_space<semaphore_mem>> -> memref<!tpu.dma_semaphore, #tpu.memory_space<semaphore_mem>>
    tpu.wait_indirect_dma semaphore(%dma_wait3A_304 : memref<!tpu.dma_semaphore, #tpu.memory_space<semaphore_mem>>) src(%dma_wait3A_302 : memref<10112x16xf32, #tpu.memory_space<vmem_shared>>) dst(%dma_wait3A_296 : memref<1024x16xf32, #tpu.memory_space<vmem>>)
    %run_scoped3A_305 = arith.constant 0 : i32
    %run_scoped3A_306 = arith.constant 6 : i32
    "tpu.region"() ({
      %run_scoped3A_393 = tpu.sem_alloc : memref<!tpu.dma_semaphore, #tpu.memory_space<semaphore_mem>>
      %dma_start3A_394 = arith.constant 0 : i32
      %dma_start3A_395 = arith.constant 0 : i32
      %dma_start3A_396 = tpu.memref_slice %arg10[%run_scoped3A_305, %dma_start3A_394, %dma_start3A_395] : memref<2x1024x16xf32, #tpu.memory_space<vmem>> -> memref<1x1024x16xf32, #tpu.memory_space<vmem>>
      %dma_start3A_397 = tpu.memref_squeeze %dma_start3A_396 : memref<1x1024x16xf32, #tpu.memory_space<vmem>> -> memref<1024x16xf32, #tpu.memory_space<vmem>>
      %dma_start3A_398 = arith.constant 0 : i32
      %dma_start3A_399 = tpu.memref_slice %arg9[%run_scoped3A_306, %dma_start3A_398] : memref<10x1024xi32, #tpu.memory_space<vmem>> -> memref<1x1024xi32, #tpu.memory_space<vmem>>
      %dma_start3A_400 = tpu.memref_squeeze %dma_start3A_399 : memref<1x1024xi32, #tpu.memory_space<vmem>> -> memref<1024xi32, #tpu.memory_space<vmem>>
      %dma_start3A_401 = arith.constant 0 : i32
      %dma_start3A_402 = arith.constant 0 : i32
      %dma_start3A_403 = tpu.memref_slice %arg15[%dma_start3A_401, %dma_start3A_402] : memref<10112x16xf32, #tpu.memory_space<vmem_shared>> -> memref<10112x16xf32, #tpu.memory_space<vmem_shared>>
      tpu.enqueue_indirect_dma source(%dma_start3A_397 : memref<1024x16xf32, #tpu.memory_space<vmem>>) target(%dma_start3A_403 : memref<10112x16xf32, #tpu.memory_space<vmem_shared>>) offsets(%dma_start3A_400 : memref<1024xi32, #tpu.memory_space<vmem>>) semaphore(%run_scoped3A_393 : memref<!tpu.dma_semaphore, #tpu.memory_space<semaphore_mem>>) {add = true}
      %dma_wait3A_404 = arith.constant 0 : i32
      %dma_wait3A_405 = arith.constant 0 : i32
      %dma_wait3A_406 = tpu.memref_slice %arg10[%run_scoped3A_305, %dma_wait3A_404, %dma_wait3A_405] : memref<2x1024x16xf32, #tpu.memory_space<vmem>> -> memref<1x1024x16xf32, #tpu.memory_space<vmem>>
      %dma_wait3A_407 = tpu.memref_squeeze %dma_wait3A_406 : memref<1x1024x16xf32, #tpu.memory_space<vmem>> -> memref<1024x16xf32, #tpu.memory_space<vmem>>
      %dma_wait3A_408 = arith.constant 0 : i32
      %dma_wait3A_409 = tpu.memref_slice %arg9[%run_scoped3A_306, %dma_wait3A_408] : memref<10x1024xi32, #tpu.memory_space<vmem>> -> memref<1x1024xi32, #tpu.memory_space<vmem>>
      %dma_wait3A_410 = tpu.memref_squeeze %dma_wait3A_409 : memref<1x1024xi32, #tpu.memory_space<vmem>> -> memref<1024xi32, #tpu.memory_space<vmem>>
      %dma_wait3A_411 = arith.constant 0 : i32
      %dma_wait3A_412 = arith.constant 0 : i32
      %dma_wait3A_413 = tpu.memref_slice %arg15[%dma_wait3A_411, %dma_wait3A_412] : memref<10112x16xf32, #tpu.memory_space<vmem_shared>> -> memref<10112x16xf32, #tpu.memory_space<vmem_shared>>
      tpu.wait_indirect_dma semaphore(%run_scoped3A_393 : memref<!tpu.dma_semaphore, #tpu.memory_space<semaphore_mem>>) src(%dma_wait3A_407 : memref<1024x16xf32, #tpu.memory_space<vmem>>) dst(%dma_wait3A_413 : memref<10112x16xf32, #tpu.memory_space<vmem_shared>>)
      tpu.yield
    }) : () -> ()
    %run_scoped3A_307 = arith.constant 6 : i32
    "tpu.region"() ({
      %run_scoped3A_393 = tpu.sem_alloc : memref<!tpu.dma_semaphore, #tpu.memory_space<semaphore_mem>>
      %dma_start3A_394 = arith.constant 0 : i32
      %dma_start3A_395 = tpu.memref_slice %arg9[%run_scoped3A_307, %dma_start3A_394] : memref<10x1024xi32, #tpu.memory_space<vmem>> -> memref<1x1024xi32, #tpu.memory_space<vmem>>
      %dma_start3A_396 = tpu.memref_squeeze %dma_start3A_395 : memref<1x1024xi32, #tpu.memory_space<vmem>> -> memref<1024xi32, #tpu.memory_space<vmem>>
      %dma_start3A_397 = arith.constant 0 : i32
      %dma_start3A_398 = arith.constant 0 : i32
      %dma_start3A_399 = tpu.memref_slice %arg16[%dma_start3A_397, %dma_start3A_398] : memref<10112x8xf32, #tpu.memory_space<vmem_shared>> -> memref<10112x8xf32, #tpu.memory_space<vmem_shared>>
      tpu.enqueue_indirect_dma source(%arg11 : memref<1024x8xf32, #tpu.memory_space<vmem>>) target(%dma_start3A_399 : memref<10112x8xf32, #tpu.memory_space<vmem_shared>>) offsets(%dma_start3A_396 : memref<1024xi32, #tpu.memory_space<vmem>>) semaphore(%run_scoped3A_393 : memref<!tpu.dma_semaphore, #tpu.memory_space<semaphore_mem>>) {add = true}
      %dma_wait3A_400 = arith.constant 0 : i32
      %dma_wait3A_401 = tpu.memref_slice %arg9[%run_scoped3A_307, %dma_wait3A_400] : memref<10x1024xi32, #tpu.memory_space<vmem>> -> memref<1x1024xi32, #tpu.memory_space<vmem>>
      %dma_wait3A_402 = tpu.memref_squeeze %dma_wait3A_401 : memref<1x1024xi32, #tpu.memory_space<vmem>> -> memref<1024xi32, #tpu.memory_space<vmem>>
      %dma_wait3A_403 = arith.constant 0 : i32
      %dma_wait3A_404 = arith.constant 0 : i32
      %dma_wait3A_405 = tpu.memref_slice %arg16[%dma_wait3A_403, %dma_wait3A_404] : memref<10112x8xf32, #tpu.memory_space<vmem_shared>> -> memref<10112x8xf32, #tpu.memory_space<vmem_shared>>
      tpu.wait_indirect_dma semaphore(%run_scoped3A_393 : memref<!tpu.dma_semaphore, #tpu.memory_space<semaphore_mem>>) src(%arg11 : memref<1024x8xf32, #tpu.memory_space<vmem>>) dst(%dma_wait3A_405 : memref<10112x8xf32, #tpu.memory_space<vmem_shared>>)
      tpu.yield
    }) : () -> ()
    %dma_start3A_308 = arith.constant 8 : i32
    %dma_start3A_309 = arith.constant 0 : i32
    %dma_start3A_310 = arith.constant 0 : i32
    %dma_start3A_311 = arith.constant 0 : i32
    %dma_start3A_312 = arith.constant 0 : i32
    %dma_start3A_313 = tpu.memref_slice %arg10[%dma_start3A_309, %dma_start3A_311, %dma_start3A_312] : memref<2x1024x16xf32, #tpu.memory_space<vmem>> -> memref<1x1024x16xf32, #tpu.memory_space<vmem>>
    %dma_start3A_314 = tpu.memref_squeeze %dma_start3A_313 : memref<1x1024x16xf32, #tpu.memory_space<vmem>> -> memref<1024x16xf32, #tpu.memory_space<vmem>>
    %dma_start3A_315 = arith.constant 0 : i32
    %dma_start3A_316 = tpu.memref_slice %arg8[%dma_start3A_308, %dma_start3A_315] : memref<10x1024xi32, #tpu.memory_space<vmem>> -> memref<1x1024xi32, #tpu.memory_space<vmem>>
    %dma_start3A_317 = tpu.memref_squeeze %dma_start3A_316 : memref<1x1024xi32, #tpu.memory_space<vmem>> -> memref<1024xi32, #tpu.memory_space<vmem>>
    %dma_start3A_318 = arith.constant 0 : i32
    %dma_start3A_319 = arith.constant 0 : i32
    %dma_start3A_320 = tpu.memref_slice %arg14[%dma_start3A_318, %dma_start3A_319] : memref<10112x16xf32, #tpu.memory_space<vmem_shared>> -> memref<10112x16xf32, #tpu.memory_space<vmem_shared>>
    %dma_start3A_321 = tpu.memref_slice %arg17[%dma_start3A_310] : memref<2x!tpu.dma_semaphore, #tpu.memory_space<semaphore_mem>> -> memref<1x!tpu.dma_semaphore, #tpu.memory_space<semaphore_mem>>
    %dma_start3A_322 = tpu.memref_squeeze %dma_start3A_321 : memref<1x!tpu.dma_semaphore, #tpu.memory_space<semaphore_mem>> -> memref<!tpu.dma_semaphore, #tpu.memory_space<semaphore_mem>>
    tpu.enqueue_indirect_dma source(%dma_start3A_320 : memref<10112x16xf32, #tpu.memory_space<vmem_shared>>) target(%dma_start3A_314 : memref<1024x16xf32, #tpu.memory_space<vmem>>) offsets(%dma_start3A_317 : memref<1024xi32, #tpu.memory_space<vmem>>) semaphore(%dma_start3A_322 : memref<!tpu.dma_semaphore, #tpu.memory_space<semaphore_mem>>)
    %dma_wait3A_323 = arith.constant 7 : i32
    %dma_wait3A_324 = arith.constant 1 : i32
    %dma_wait3A_325 = arith.constant 1 : i32
    %dma_wait3A_326 = arith.constant 0 : i32
    %dma_wait3A_327 = arith.constant 0 : i32
    %dma_wait3A_328 = tpu.memref_slice %arg10[%dma_wait3A_324, %dma_wait3A_326, %dma_wait3A_327] : memref<2x1024x16xf32, #tpu.memory_space<vmem>> -> memref<1x1024x16xf32, #tpu.memory_space<vmem>>
    %dma_wait3A_329 = tpu.memref_squeeze %dma_wait3A_328 : memref<1x1024x16xf32, #tpu.memory_space<vmem>> -> memref<1024x16xf32, #tpu.memory_space<vmem>>
    %dma_wait3A_330 = arith.constant 0 : i32
    %dma_wait3A_331 = tpu.memref_slice %arg8[%dma_wait3A_323, %dma_wait3A_330] : memref<10x1024xi32, #tpu.memory_space<vmem>> -> memref<1x1024xi32, #tpu.memory_space<vmem>>
    %dma_wait3A_332 = tpu.memref_squeeze %dma_wait3A_331 : memref<1x1024xi32, #tpu.memory_space<vmem>> -> memref<1024xi32, #tpu.memory_space<vmem>>
    %dma_wait3A_333 = arith.constant 0 : i32
    %dma_wait3A_334 = arith.constant 0 : i32
    %dma_wait3A_335 = tpu.memref_slice %arg14[%dma_wait3A_333, %dma_wait3A_334] : memref<10112x16xf32, #tpu.memory_space<vmem_shared>> -> memref<10112x16xf32, #tpu.memory_space<vmem_shared>>
    %dma_wait3A_336 = tpu.memref_slice %arg17[%dma_wait3A_325] : memref<2x!tpu.dma_semaphore, #tpu.memory_space<semaphore_mem>> -> memref<1x!tpu.dma_semaphore, #tpu.memory_space<semaphore_mem>>
    %dma_wait3A_337 = tpu.memref_squeeze %dma_wait3A_336 : memref<1x!tpu.dma_semaphore, #tpu.memory_space<semaphore_mem>> -> memref<!tpu.dma_semaphore, #tpu.memory_space<semaphore_mem>>
    tpu.wait_indirect_dma semaphore(%dma_wait3A_337 : memref<!tpu.dma_semaphore, #tpu.memory_space<semaphore_mem>>) src(%dma_wait3A_335 : memref<10112x16xf32, #tpu.memory_space<vmem_shared>>) dst(%dma_wait3A_329 : memref<1024x16xf32, #tpu.memory_space<vmem>>)
    %run_scoped3A_338 = arith.constant 1 : i32
    %run_scoped3A_339 = arith.constant 7 : i32
    "tpu.region"() ({
      %run_scoped3A_393 = tpu.sem_alloc : memref<!tpu.dma_semaphore, #tpu.memory_space<semaphore_mem>>
      %dma_start3A_394 = arith.constant 0 : i32
      %dma_start3A_395 = arith.constant 0 : i32
      %dma_start3A_396 = tpu.memref_slice %arg10[%run_scoped3A_338, %dma_start3A_394, %dma_start3A_395] : memref<2x1024x16xf32, #tpu.memory_space<vmem>> -> memref<1x1024x16xf32, #tpu.memory_space<vmem>>
      %dma_start3A_397 = tpu.memref_squeeze %dma_start3A_396 : memref<1x1024x16xf32, #tpu.memory_space<vmem>> -> memref<1024x16xf32, #tpu.memory_space<vmem>>
      %dma_start3A_398 = arith.constant 0 : i32
      %dma_start3A_399 = tpu.memref_slice %arg9[%run_scoped3A_339, %dma_start3A_398] : memref<10x1024xi32, #tpu.memory_space<vmem>> -> memref<1x1024xi32, #tpu.memory_space<vmem>>
      %dma_start3A_400 = tpu.memref_squeeze %dma_start3A_399 : memref<1x1024xi32, #tpu.memory_space<vmem>> -> memref<1024xi32, #tpu.memory_space<vmem>>
      %dma_start3A_401 = arith.constant 0 : i32
      %dma_start3A_402 = arith.constant 0 : i32
      %dma_start3A_403 = tpu.memref_slice %arg15[%dma_start3A_401, %dma_start3A_402] : memref<10112x16xf32, #tpu.memory_space<vmem_shared>> -> memref<10112x16xf32, #tpu.memory_space<vmem_shared>>
      tpu.enqueue_indirect_dma source(%dma_start3A_397 : memref<1024x16xf32, #tpu.memory_space<vmem>>) target(%dma_start3A_403 : memref<10112x16xf32, #tpu.memory_space<vmem_shared>>) offsets(%dma_start3A_400 : memref<1024xi32, #tpu.memory_space<vmem>>) semaphore(%run_scoped3A_393 : memref<!tpu.dma_semaphore, #tpu.memory_space<semaphore_mem>>) {add = true}
      %dma_wait3A_404 = arith.constant 0 : i32
      %dma_wait3A_405 = arith.constant 0 : i32
      %dma_wait3A_406 = tpu.memref_slice %arg10[%run_scoped3A_338, %dma_wait3A_404, %dma_wait3A_405] : memref<2x1024x16xf32, #tpu.memory_space<vmem>> -> memref<1x1024x16xf32, #tpu.memory_space<vmem>>
      %dma_wait3A_407 = tpu.memref_squeeze %dma_wait3A_406 : memref<1x1024x16xf32, #tpu.memory_space<vmem>> -> memref<1024x16xf32, #tpu.memory_space<vmem>>
      %dma_wait3A_408 = arith.constant 0 : i32
      %dma_wait3A_409 = tpu.memref_slice %arg9[%run_scoped3A_339, %dma_wait3A_408] : memref<10x1024xi32, #tpu.memory_space<vmem>> -> memref<1x1024xi32, #tpu.memory_space<vmem>>
      %dma_wait3A_410 = tpu.memref_squeeze %dma_wait3A_409 : memref<1x1024xi32, #tpu.memory_space<vmem>> -> memref<1024xi32, #tpu.memory_space<vmem>>
      %dma_wait3A_411 = arith.constant 0 : i32
      %dma_wait3A_412 = arith.constant 0 : i32
      %dma_wait3A_413 = tpu.memref_slice %arg15[%dma_wait3A_411, %dma_wait3A_412] : memref<10112x16xf32, #tpu.memory_space<vmem_shared>> -> memref<10112x16xf32, #tpu.memory_space<vmem_shared>>
      tpu.wait_indirect_dma semaphore(%run_scoped3A_393 : memref<!tpu.dma_semaphore, #tpu.memory_space<semaphore_mem>>) src(%dma_wait3A_407 : memref<1024x16xf32, #tpu.memory_space<vmem>>) dst(%dma_wait3A_413 : memref<10112x16xf32, #tpu.memory_space<vmem_shared>>)
      tpu.yield
    }) : () -> ()
    %run_scoped3A_340 = arith.constant 7 : i32
    "tpu.region"() ({
      %run_scoped3A_393 = tpu.sem_alloc : memref<!tpu.dma_semaphore, #tpu.memory_space<semaphore_mem>>
      %dma_start3A_394 = arith.constant 0 : i32
      %dma_start3A_395 = tpu.memref_slice %arg9[%run_scoped3A_340, %dma_start3A_394] : memref<10x1024xi32, #tpu.memory_space<vmem>> -> memref<1x1024xi32, #tpu.memory_space<vmem>>
      %dma_start3A_396 = tpu.memref_squeeze %dma_start3A_395 : memref<1x1024xi32, #tpu.memory_space<vmem>> -> memref<1024xi32, #tpu.memory_space<vmem>>
      %dma_start3A_397 = arith.constant 0 : i32
      %dma_start3A_398 = arith.constant 0 : i32
      %dma_start3A_399 = tpu.memref_slice %arg16[%dma_start3A_397, %dma_start3A_398] : memref<10112x8xf32, #tpu.memory_space<vmem_shared>> -> memref<10112x8xf32, #tpu.memory_space<vmem_shared>>
      tpu.enqueue_indirect_dma source(%arg11 : memref<1024x8xf32, #tpu.memory_space<vmem>>) target(%dma_start3A_399 : memref<10112x8xf32, #tpu.memory_space<vmem_shared>>) offsets(%dma_start3A_396 : memref<1024xi32, #tpu.memory_space<vmem>>) semaphore(%run_scoped3A_393 : memref<!tpu.dma_semaphore, #tpu.memory_space<semaphore_mem>>) {add = true}
      %dma_wait3A_400 = arith.constant 0 : i32
      %dma_wait3A_401 = tpu.memref_slice %arg9[%run_scoped3A_340, %dma_wait3A_400] : memref<10x1024xi32, #tpu.memory_space<vmem>> -> memref<1x1024xi32, #tpu.memory_space<vmem>>
      %dma_wait3A_402 = tpu.memref_squeeze %dma_wait3A_401 : memref<1x1024xi32, #tpu.memory_space<vmem>> -> memref<1024xi32, #tpu.memory_space<vmem>>
      %dma_wait3A_403 = arith.constant 0 : i32
      %dma_wait3A_404 = arith.constant 0 : i32
      %dma_wait3A_405 = tpu.memref_slice %arg16[%dma_wait3A_403, %dma_wait3A_404] : memref<10112x8xf32, #tpu.memory_space<vmem_shared>> -> memref<10112x8xf32, #tpu.memory_space<vmem_shared>>
      tpu.wait_indirect_dma semaphore(%run_scoped3A_393 : memref<!tpu.dma_semaphore, #tpu.memory_space<semaphore_mem>>) src(%arg11 : memref<1024x8xf32, #tpu.memory_space<vmem>>) dst(%dma_wait3A_405 : memref<10112x8xf32, #tpu.memory_space<vmem_shared>>)
      tpu.yield
    }) : () -> ()
    %dma_start3A_341 = arith.constant 9 : i32
    %dma_start3A_342 = arith.constant 1 : i32
    %dma_start3A_343 = arith.constant 1 : i32
    %dma_start3A_344 = arith.constant 0 : i32
    %dma_start3A_345 = arith.constant 0 : i32
    %dma_start3A_346 = tpu.memref_slice %arg10[%dma_start3A_342, %dma_start3A_344, %dma_start3A_345] : memref<2x1024x16xf32, #tpu.memory_space<vmem>> -> memref<1x1024x16xf32, #tpu.memory_space<vmem>>
    %dma_start3A_347 = tpu.memref_squeeze %dma_start3A_346 : memref<1x1024x16xf32, #tpu.memory_space<vmem>> -> memref<1024x16xf32, #tpu.memory_space<vmem>>
    %dma_start3A_348 = arith.constant 0 : i32
    %dma_start3A_349 = tpu.memref_slice %arg8[%dma_start3A_341, %dma_start3A_348] : memref<10x1024xi32, #tpu.memory_space<vmem>> -> memref<1x1024xi32, #tpu.memory_space<vmem>>
    %dma_start3A_350 = tpu.memref_squeeze %dma_start3A_349 : memref<1x1024xi32, #tpu.memory_space<vmem>> -> memref<1024xi32, #tpu.memory_space<vmem>>
    %dma_start3A_351 = arith.constant 0 : i32
    %dma_start3A_352 = arith.constant 0 : i32
    %dma_start3A_353 = tpu.memref_slice %arg14[%dma_start3A_351, %dma_start3A_352] : memref<10112x16xf32, #tpu.memory_space<vmem_shared>> -> memref<10112x16xf32, #tpu.memory_space<vmem_shared>>
    %dma_start3A_354 = tpu.memref_slice %arg17[%dma_start3A_343] : memref<2x!tpu.dma_semaphore, #tpu.memory_space<semaphore_mem>> -> memref<1x!tpu.dma_semaphore, #tpu.memory_space<semaphore_mem>>
    %dma_start3A_355 = tpu.memref_squeeze %dma_start3A_354 : memref<1x!tpu.dma_semaphore, #tpu.memory_space<semaphore_mem>> -> memref<!tpu.dma_semaphore, #tpu.memory_space<semaphore_mem>>
    tpu.enqueue_indirect_dma source(%dma_start3A_353 : memref<10112x16xf32, #tpu.memory_space<vmem_shared>>) target(%dma_start3A_347 : memref<1024x16xf32, #tpu.memory_space<vmem>>) offsets(%dma_start3A_350 : memref<1024xi32, #tpu.memory_space<vmem>>) semaphore(%dma_start3A_355 : memref<!tpu.dma_semaphore, #tpu.memory_space<semaphore_mem>>)
    %dma_wait3A_356 = arith.constant 8 : i32
    %dma_wait3A_357 = arith.constant 0 : i32
    %dma_wait3A_358 = arith.constant 0 : i32
    %dma_wait3A_359 = arith.constant 0 : i32
    %dma_wait3A_360 = arith.constant 0 : i32
    %dma_wait3A_361 = tpu.memref_slice %arg10[%dma_wait3A_357, %dma_wait3A_359, %dma_wait3A_360] : memref<2x1024x16xf32, #tpu.memory_space<vmem>> -> memref<1x1024x16xf32, #tpu.memory_space<vmem>>
    %dma_wait3A_362 = tpu.memref_squeeze %dma_wait3A_361 : memref<1x1024x16xf32, #tpu.memory_space<vmem>> -> memref<1024x16xf32, #tpu.memory_space<vmem>>
    %dma_wait3A_363 = arith.constant 0 : i32
    %dma_wait3A_364 = tpu.memref_slice %arg8[%dma_wait3A_356, %dma_wait3A_363] : memref<10x1024xi32, #tpu.memory_space<vmem>> -> memref<1x1024xi32, #tpu.memory_space<vmem>>
    %dma_wait3A_365 = tpu.memref_squeeze %dma_wait3A_364 : memref<1x1024xi32, #tpu.memory_space<vmem>> -> memref<1024xi32, #tpu.memory_space<vmem>>
    %dma_wait3A_366 = arith.constant 0 : i32
    %dma_wait3A_367 = arith.constant 0 : i32
    %dma_wait3A_368 = tpu.memref_slice %arg14[%dma_wait3A_366, %dma_wait3A_367] : memref<10112x16xf32, #tpu.memory_space<vmem_shared>> -> memref<10112x16xf32, #tpu.memory_space<vmem_shared>>
    %dma_wait3A_369 = tpu.memref_slice %arg17[%dma_wait3A_358] : memref<2x!tpu.dma_semaphore, #tpu.memory_space<semaphore_mem>> -> memref<1x!tpu.dma_semaphore, #tpu.memory_space<semaphore_mem>>
    %dma_wait3A_370 = tpu.memref_squeeze %dma_wait3A_369 : memref<1x!tpu.dma_semaphore, #tpu.memory_space<semaphore_mem>> -> memref<!tpu.dma_semaphore, #tpu.memory_space<semaphore_mem>>
    tpu.wait_indirect_dma semaphore(%dma_wait3A_370 : memref<!tpu.dma_semaphore, #tpu.memory_space<semaphore_mem>>) src(%dma_wait3A_368 : memref<10112x16xf32, #tpu.memory_space<vmem_shared>>) dst(%dma_wait3A_362 : memref<1024x16xf32, #tpu.memory_space<vmem>>)
    %run_scoped3A_371 = arith.constant 0 : i32
    %run_scoped3A_372 = arith.constant 8 : i32
    "tpu.region"() ({
      %run_scoped3A_393 = tpu.sem_alloc : memref<!tpu.dma_semaphore, #tpu.memory_space<semaphore_mem>>
      %dma_start3A_394 = arith.constant 0 : i32
      %dma_start3A_395 = arith.constant 0 : i32
      %dma_start3A_396 = tpu.memref_slice %arg10[%run_scoped3A_371, %dma_start3A_394, %dma_start3A_395] : memref<2x1024x16xf32, #tpu.memory_space<vmem>> -> memref<1x1024x16xf32, #tpu.memory_space<vmem>>
      %dma_start3A_397 = tpu.memref_squeeze %dma_start3A_396 : memref<1x1024x16xf32, #tpu.memory_space<vmem>> -> memref<1024x16xf32, #tpu.memory_space<vmem>>
      %dma_start3A_398 = arith.constant 0 : i32
      %dma_start3A_399 = tpu.memref_slice %arg9[%run_scoped3A_372, %dma_start3A_398] : memref<10x1024xi32, #tpu.memory_space<vmem>> -> memref<1x1024xi32, #tpu.memory_space<vmem>>
      %dma_start3A_400 = tpu.memref_squeeze %dma_start3A_399 : memref<1x1024xi32, #tpu.memory_space<vmem>> -> memref<1024xi32, #tpu.memory_space<vmem>>
      %dma_start3A_401 = arith.constant 0 : i32
      %dma_start3A_402 = arith.constant 0 : i32
      %dma_start3A_403 = tpu.memref_slice %arg15[%dma_start3A_401, %dma_start3A_402] : memref<10112x16xf32, #tpu.memory_space<vmem_shared>> -> memref<10112x16xf32, #tpu.memory_space<vmem_shared>>
      tpu.enqueue_indirect_dma source(%dma_start3A_397 : memref<1024x16xf32, #tpu.memory_space<vmem>>) target(%dma_start3A_403 : memref<10112x16xf32, #tpu.memory_space<vmem_shared>>) offsets(%dma_start3A_400 : memref<1024xi32, #tpu.memory_space<vmem>>) semaphore(%run_scoped3A_393 : memref<!tpu.dma_semaphore, #tpu.memory_space<semaphore_mem>>) {add = true}
      %dma_wait3A_404 = arith.constant 0 : i32
      %dma_wait3A_405 = arith.constant 0 : i32
      %dma_wait3A_406 = tpu.memref_slice %arg10[%run_scoped3A_371, %dma_wait3A_404, %dma_wait3A_405] : memref<2x1024x16xf32, #tpu.memory_space<vmem>> -> memref<1x1024x16xf32, #tpu.memory_space<vmem>>
      %dma_wait3A_407 = tpu.memref_squeeze %dma_wait3A_406 : memref<1x1024x16xf32, #tpu.memory_space<vmem>> -> memref<1024x16xf32, #tpu.memory_space<vmem>>
      %dma_wait3A_408 = arith.constant 0 : i32
      %dma_wait3A_409 = tpu.memref_slice %arg9[%run_scoped3A_372, %dma_wait3A_408] : memref<10x1024xi32, #tpu.memory_space<vmem>> -> memref<1x1024xi32, #tpu.memory_space<vmem>>
      %dma_wait3A_410 = tpu.memref_squeeze %dma_wait3A_409 : memref<1x1024xi32, #tpu.memory_space<vmem>> -> memref<1024xi32, #tpu.memory_space<vmem>>
      %dma_wait3A_411 = arith.constant 0 : i32
      %dma_wait3A_412 = arith.constant 0 : i32
      %dma_wait3A_413 = tpu.memref_slice %arg15[%dma_wait3A_411, %dma_wait3A_412] : memref<10112x16xf32, #tpu.memory_space<vmem_shared>> -> memref<10112x16xf32, #tpu.memory_space<vmem_shared>>
      tpu.wait_indirect_dma semaphore(%run_scoped3A_393 : memref<!tpu.dma_semaphore, #tpu.memory_space<semaphore_mem>>) src(%dma_wait3A_407 : memref<1024x16xf32, #tpu.memory_space<vmem>>) dst(%dma_wait3A_413 : memref<10112x16xf32, #tpu.memory_space<vmem_shared>>)
      tpu.yield
    }) : () -> ()
    %run_scoped3A_373 = arith.constant 8 : i32
    "tpu.region"() ({
      %run_scoped3A_393 = tpu.sem_alloc : memref<!tpu.dma_semaphore, #tpu.memory_space<semaphore_mem>>
      %dma_start3A_394 = arith.constant 0 : i32
      %dma_start3A_395 = tpu.memref_slice %arg9[%run_scoped3A_373, %dma_start3A_394] : memref<10x1024xi32, #tpu.memory_space<vmem>> -> memref<1x1024xi32, #tpu.memory_space<vmem>>
      %dma_start3A_396 = tpu.memref_squeeze %dma_start3A_395 : memref<1x1024xi32, #tpu.memory_space<vmem>> -> memref<1024xi32, #tpu.memory_space<vmem>>
      %dma_start3A_397 = arith.constant 0 : i32
      %dma_start3A_398 = arith.constant 0 : i32
      %dma_start3A_399 = tpu.memref_slice %arg16[%dma_start3A_397, %dma_start3A_398] : memref<10112x8xf32, #tpu.memory_space<vmem_shared>> -> memref<10112x8xf32, #tpu.memory_space<vmem_shared>>
      tpu.enqueue_indirect_dma source(%arg11 : memref<1024x8xf32, #tpu.memory_space<vmem>>) target(%dma_start3A_399 : memref<10112x8xf32, #tpu.memory_space<vmem_shared>>) offsets(%dma_start3A_396 : memref<1024xi32, #tpu.memory_space<vmem>>) semaphore(%run_scoped3A_393 : memref<!tpu.dma_semaphore, #tpu.memory_space<semaphore_mem>>) {add = true}
      %dma_wait3A_400 = arith.constant 0 : i32
      %dma_wait3A_401 = tpu.memref_slice %arg9[%run_scoped3A_373, %dma_wait3A_400] : memref<10x1024xi32, #tpu.memory_space<vmem>> -> memref<1x1024xi32, #tpu.memory_space<vmem>>
      %dma_wait3A_402 = tpu.memref_squeeze %dma_wait3A_401 : memref<1x1024xi32, #tpu.memory_space<vmem>> -> memref<1024xi32, #tpu.memory_space<vmem>>
      %dma_wait3A_403 = arith.constant 0 : i32
      %dma_wait3A_404 = arith.constant 0 : i32
      %dma_wait3A_405 = tpu.memref_slice %arg16[%dma_wait3A_403, %dma_wait3A_404] : memref<10112x8xf32, #tpu.memory_space<vmem_shared>> -> memref<10112x8xf32, #tpu.memory_space<vmem_shared>>
      tpu.wait_indirect_dma semaphore(%run_scoped3A_393 : memref<!tpu.dma_semaphore, #tpu.memory_space<semaphore_mem>>) src(%arg11 : memref<1024x8xf32, #tpu.memory_space<vmem>>) dst(%dma_wait3A_405 : memref<10112x8xf32, #tpu.memory_space<vmem_shared>>)
      tpu.yield
    }) : () -> ()
    %dma_wait3A_374 = arith.constant 9 : i32
    %dma_wait3A_375 = arith.constant 1 : i32
    %dma_wait3A_376 = arith.constant 1 : i32
    %dma_wait3A_377 = arith.constant 0 : i32
    %dma_wait3A_378 = arith.constant 0 : i32
    %dma_wait3A_379 = tpu.memref_slice %arg10[%dma_wait3A_375, %dma_wait3A_377, %dma_wait3A_378] : memref<2x1024x16xf32, #tpu.memory_space<vmem>> -> memref<1x1024x16xf32, #tpu.memory_space<vmem>>
    %dma_wait3A_380 = tpu.memref_squeeze %dma_wait3A_379 : memref<1x1024x16xf32, #tpu.memory_space<vmem>> -> memref<1024x16xf32, #tpu.memory_space<vmem>>
    %dma_wait3A_381 = arith.constant 0 : i32
    %dma_wait3A_382 = tpu.memref_slice %arg8[%dma_wait3A_374, %dma_wait3A_381] : memref<10x1024xi32, #tpu.memory_space<vmem>> -> memref<1x1024xi32, #tpu.memory_space<vmem>>
    %dma_wait3A_383 = tpu.memref_squeeze %dma_wait3A_382 : memref<1x1024xi32, #tpu.memory_space<vmem>> -> memref<1024xi32, #tpu.memory_space<vmem>>
    %dma_wait3A_384 = arith.constant 0 : i32
    %dma_wait3A_385 = arith.constant 0 : i32
    %dma_wait3A_386 = tpu.memref_slice %arg14[%dma_wait3A_384, %dma_wait3A_385] : memref<10112x16xf32, #tpu.memory_space<vmem_shared>> -> memref<10112x16xf32, #tpu.memory_space<vmem_shared>>
    %dma_wait3A_387 = tpu.memref_slice %arg17[%dma_wait3A_376] : memref<2x!tpu.dma_semaphore, #tpu.memory_space<semaphore_mem>> -> memref<1x!tpu.dma_semaphore, #tpu.memory_space<semaphore_mem>>
    %dma_wait3A_388 = tpu.memref_squeeze %dma_wait3A_387 : memref<1x!tpu.dma_semaphore, #tpu.memory_space<semaphore_mem>> -> memref<!tpu.dma_semaphore, #tpu.memory_space<semaphore_mem>>
    tpu.wait_indirect_dma semaphore(%dma_wait3A_388 : memref<!tpu.dma_semaphore, #tpu.memory_space<semaphore_mem>>) src(%dma_wait3A_386 : memref<10112x16xf32, #tpu.memory_space<vmem_shared>>) dst(%dma_wait3A_380 : memref<1024x16xf32, #tpu.memory_space<vmem>>)
    %run_scoped3A_389 = arith.constant 1 : i32
    %run_scoped3A_390 = arith.constant 9 : i32
    "tpu.region"() ({
      %run_scoped3A_393 = tpu.sem_alloc : memref<!tpu.dma_semaphore, #tpu.memory_space<semaphore_mem>>
      %dma_start3A_394 = arith.constant 0 : i32
      %dma_start3A_395 = arith.constant 0 : i32
      %dma_start3A_396 = tpu.memref_slice %arg10[%run_scoped3A_389, %dma_start3A_394, %dma_start3A_395] : memref<2x1024x16xf32, #tpu.memory_space<vmem>> -> memref<1x1024x16xf32, #tpu.memory_space<vmem>>
      %dma_start3A_397 = tpu.memref_squeeze %dma_start3A_396 : memref<1x1024x16xf32, #tpu.memory_space<vmem>> -> memref<1024x16xf32, #tpu.memory_space<vmem>>
      %dma_start3A_398 = arith.constant 0 : i32
      %dma_start3A_399 = tpu.memref_slice %arg9[%run_scoped3A_390, %dma_start3A_398] : memref<10x1024xi32, #tpu.memory_space<vmem>> -> memref<1x1024xi32, #tpu.memory_space<vmem>>
      %dma_start3A_400 = tpu.memref_squeeze %dma_start3A_399 : memref<1x1024xi32, #tpu.memory_space<vmem>> -> memref<1024xi32, #tpu.memory_space<vmem>>
      %dma_start3A_401 = arith.constant 0 : i32
      %dma_start3A_402 = arith.constant 0 : i32
      %dma_start3A_403 = tpu.memref_slice %arg15[%dma_start3A_401, %dma_start3A_402] : memref<10112x16xf32, #tpu.memory_space<vmem_shared>> -> memref<10112x16xf32, #tpu.memory_space<vmem_shared>>
      tpu.enqueue_indirect_dma source(%dma_start3A_397 : memref<1024x16xf32, #tpu.memory_space<vmem>>) target(%dma_start3A_403 : memref<10112x16xf32, #tpu.memory_space<vmem_shared>>) offsets(%dma_start3A_400 : memref<1024xi32, #tpu.memory_space<vmem>>) semaphore(%run_scoped3A_393 : memref<!tpu.dma_semaphore, #tpu.memory_space<semaphore_mem>>) {add = true}
      %dma_wait3A_404 = arith.constant 0 : i32
      %dma_wait3A_405 = arith.constant 0 : i32
      %dma_wait3A_406 = tpu.memref_slice %arg10[%run_scoped3A_389, %dma_wait3A_404, %dma_wait3A_405] : memref<2x1024x16xf32, #tpu.memory_space<vmem>> -> memref<1x1024x16xf32, #tpu.memory_space<vmem>>
      %dma_wait3A_407 = tpu.memref_squeeze %dma_wait3A_406 : memref<1x1024x16xf32, #tpu.memory_space<vmem>> -> memref<1024x16xf32, #tpu.memory_space<vmem>>
      %dma_wait3A_408 = arith.constant 0 : i32
      %dma_wait3A_409 = tpu.memref_slice %arg9[%run_scoped3A_390, %dma_wait3A_408] : memref<10x1024xi32, #tpu.memory_space<vmem>> -> memref<1x1024xi32, #tpu.memory_space<vmem>>
      %dma_wait3A_410 = tpu.memref_squeeze %dma_wait3A_409 : memref<1x1024xi32, #tpu.memory_space<vmem>> -> memref<1024xi32, #tpu.memory_space<vmem>>
      %dma_wait3A_411 = arith.constant 0 : i32
      %dma_wait3A_412 = arith.constant 0 : i32
      %dma_wait3A_413 = tpu.memref_slice %arg15[%dma_wait3A_411, %dma_wait3A_412] : memref<10112x16xf32, #tpu.memory_space<vmem_shared>> -> memref<10112x16xf32, #tpu.memory_space<vmem_shared>>
      tpu.wait_indirect_dma semaphore(%run_scoped3A_393 : memref<!tpu.dma_semaphore, #tpu.memory_space<semaphore_mem>>) src(%dma_wait3A_407 : memref<1024x16xf32, #tpu.memory_space<vmem>>) dst(%dma_wait3A_413 : memref<10112x16xf32, #tpu.memory_space<vmem_shared>>)
      tpu.yield
    }) : () -> ()
    %run_scoped3A_391 = arith.constant 9 : i32
    "tpu.region"() ({
      %run_scoped3A_393 = tpu.sem_alloc : memref<!tpu.dma_semaphore, #tpu.memory_space<semaphore_mem>>
      %dma_start3A_394 = arith.constant 0 : i32
      %dma_start3A_395 = tpu.memref_slice %arg9[%run_scoped3A_391, %dma_start3A_394] : memref<10x1024xi32, #tpu.memory_space<vmem>> -> memref<1x1024xi32, #tpu.memory_space<vmem>>
      %dma_start3A_396 = tpu.memref_squeeze %dma_start3A_395 : memref<1x1024xi32, #tpu.memory_space<vmem>> -> memref<1024xi32, #tpu.memory_space<vmem>>
      %dma_start3A_397 = arith.constant 0 : i32
      %dma_start3A_398 = arith.constant 0 : i32
      %dma_start3A_399 = tpu.memref_slice %arg16[%dma_start3A_397, %dma_start3A_398] : memref<10112x8xf32, #tpu.memory_space<vmem_shared>> -> memref<10112x8xf32, #tpu.memory_space<vmem_shared>>
      tpu.enqueue_indirect_dma source(%arg11 : memref<1024x8xf32, #tpu.memory_space<vmem>>) target(%dma_start3A_399 : memref<10112x8xf32, #tpu.memory_space<vmem_shared>>) offsets(%dma_start3A_396 : memref<1024xi32, #tpu.memory_space<vmem>>) semaphore(%run_scoped3A_393 : memref<!tpu.dma_semaphore, #tpu.memory_space<semaphore_mem>>) {add = true}
      %dma_wait3A_400 = arith.constant 0 : i32
      %dma_wait3A_401 = tpu.memref_slice %arg9[%run_scoped3A_391, %dma_wait3A_400] : memref<10x1024xi32, #tpu.memory_space<vmem>> -> memref<1x1024xi32, #tpu.memory_space<vmem>>
      %dma_wait3A_402 = tpu.memref_squeeze %dma_wait3A_401 : memref<1x1024xi32, #tpu.memory_space<vmem>> -> memref<1024xi32, #tpu.memory_space<vmem>>
      %dma_wait3A_403 = arith.constant 0 : i32
      %dma_wait3A_404 = arith.constant 0 : i32
      %dma_wait3A_405 = tpu.memref_slice %arg16[%dma_wait3A_403, %dma_wait3A_404] : memref<10112x8xf32, #tpu.memory_space<vmem_shared>> -> memref<10112x8xf32, #tpu.memory_space<vmem_shared>>
      tpu.wait_indirect_dma semaphore(%run_scoped3A_393 : memref<!tpu.dma_semaphore, #tpu.memory_space<semaphore_mem>>) src(%arg11 : memref<1024x8xf32, #tpu.memory_space<vmem>>) dst(%dma_wait3A_405 : memref<10112x8xf32, #tpu.memory_space<vmem_shared>>)
      tpu.yield
    }) : () -> ()
    %barrier3A_392 = arith.constant 0 : index
    tpu.barrier barrier_id(%barrier3A_392)
    "tpu.region"() ({
      %run_scoped3A_393 = tpu.sem_alloc : memref<!tpu.dma_semaphore, #tpu.memory_space<semaphore_mem>>
      %dma_start3A_394 = arith.constant 0 : i32
      %dma_start3A_395 = tpu.memref_slice %arg15[%mul3A_2, %dma_start3A_394] : memref<10112x16xf32, #tpu.memory_space<vmem_shared>> -> memref<632x16xf32, #tpu.memory_space<vmem_shared>>
      %dma_start3A_396 = arith.constant 0 : i32
      %dma_start3A_397 = tpu.memref_slice %arg15[%mul3A_2, %dma_start3A_396] : memref<10112x16xf32, #tpu.memory_space<vmem_shared>> -> memref<632x16xf32, #tpu.memory_space<vmem_shared>>
      tpu.enqueue_dma source(%dma_start3A_397 : memref<632x16xf32, #tpu.memory_space<vmem_shared>>) target(%arg12 : memref<632x16xf32, #tpu.memory_space<vmem>>) target_semaphore(%run_scoped3A_393 : memref<!tpu.dma_semaphore, #tpu.memory_space<semaphore_mem>>)
      %dma_wait3A_398 = arith.constant 0 : i32
      %dma_wait3A_399 = tpu.memref_slice %arg15[%mul3A_2, %dma_wait3A_398] : memref<10112x16xf32, #tpu.memory_space<vmem_shared>> -> memref<632x16xf32, #tpu.memory_space<vmem_shared>>
      %dma_wait3A_400 = arith.constant 0 : i32
      %dma_wait3A_401 = tpu.memref_slice %arg15[%mul3A_2, %dma_wait3A_400] : memref<10112x16xf32, #tpu.memory_space<vmem_shared>> -> memref<632x16xf32, #tpu.memory_space<vmem_shared>>
      tpu.wait_dma2 semaphore(%run_scoped3A_393 : memref<!tpu.dma_semaphore, #tpu.memory_space<semaphore_mem>>) src(%dma_wait3A_401 : memref<632x16xf32, #tpu.memory_space<vmem_shared>>) dst(%arg12 : memref<632x16xf32, #tpu.memory_space<vmem>>)
      tpu.yield
    }) : () -> ()
    "tpu.region"() ({
      %run_scoped3A_393 = tpu.sem_alloc : memref<!tpu.dma_semaphore, #tpu.memory_space<semaphore_mem>>
      %dma_start3A_394 = arith.constant 0 : i32
      %dma_start3A_395 = tpu.memref_slice %arg16[%mul3A_2, %dma_start3A_394] : memref<10112x8xf32, #tpu.memory_space<vmem_shared>> -> memref<632x8xf32, #tpu.memory_space<vmem_shared>>
      %dma_start3A_396 = arith.constant 0 : i32
      %dma_start3A_397 = tpu.memref_slice %arg16[%mul3A_2, %dma_start3A_396] : memref<10112x8xf32, #tpu.memory_space<vmem_shared>> -> memref<632x8xf32, #tpu.memory_space<vmem_shared>>
      tpu.enqueue_dma source(%dma_start3A_397 : memref<632x8xf32, #tpu.memory_space<vmem_shared>>) target(%arg13 : memref<632x8xf32, #tpu.memory_space<vmem>>) target_semaphore(%run_scoped3A_393 : memref<!tpu.dma_semaphore, #tpu.memory_space<semaphore_mem>>)
      %dma_wait3A_398 = arith.constant 0 : i32
      %dma_wait3A_399 = tpu.memref_slice %arg16[%mul3A_2, %dma_wait3A_398] : memref<10112x8xf32, #tpu.memory_space<vmem_shared>> -> memref<632x8xf32, #tpu.memory_space<vmem_shared>>
      %dma_wait3A_400 = arith.constant 0 : i32
      %dma_wait3A_401 = tpu.memref_slice %arg16[%mul3A_2, %dma_wait3A_400] : memref<10112x8xf32, #tpu.memory_space<vmem_shared>> -> memref<632x8xf32, #tpu.memory_space<vmem_shared>>
      tpu.wait_dma2 semaphore(%run_scoped3A_393 : memref<!tpu.dma_semaphore, #tpu.memory_space<semaphore_mem>>) src(%dma_wait3A_401 : memref<632x8xf32, #tpu.memory_space<vmem_shared>>) dst(%arg13 : memref<632x8xf32, #tpu.memory_space<vmem>>)
      tpu.yield
    }) : () -> ()
    "tpu.region"() ({
      %run_scoped3A_393 = tpu.sem_alloc : memref<!tpu.dma_semaphore, #tpu.memory_space<semaphore_mem>>
      %dma_start3A_394 = arith.constant 0 : i32
      %dma_start3A_395 = tpu.memref_slice %arg7[%arg0, %mul3A_2, %dma_start3A_394] : memref<2x10112x128xf32, #tpu.memory_space<hbm>> -> memref<1x632x16xf32, #tpu.memory_space<hbm>>
      %dma_start3A_396 = tpu.memref_squeeze %dma_start3A_395 : memref<1x632x16xf32, #tpu.memory_space<hbm>> -> memref<632x16xf32, #tpu.memory_space<hbm>>
      %dma_start3A_397 = arith.constant 0 : i32
      %dma_start3A_398 = tpu.memref_slice %arg7[%arg0, %mul3A_2, %dma_start3A_397] : memref<2x10112x128xf32, #tpu.memory_space<hbm>> -> memref<1x632x16xf32, #tpu.memory_space<hbm>>
      %dma_start3A_399 = tpu.memref_squeeze %dma_start3A_398 : memref<1x632x16xf32, #tpu.memory_space<hbm>> -> memref<632x16xf32, #tpu.memory_space<hbm>>
      tpu.enqueue_dma source(%arg12 : memref<632x16xf32, #tpu.memory_space<vmem>>) target(%dma_start3A_399 : memref<632x16xf32, #tpu.memory_space<hbm>>) target_semaphore(%run_scoped3A_393 : memref<!tpu.dma_semaphore, #tpu.memory_space<semaphore_mem>>)
      %dma_wait3A_400 = arith.constant 0 : i32
      %dma_wait3A_401 = tpu.memref_slice %arg7[%arg0, %mul3A_2, %dma_wait3A_400] : memref<2x10112x128xf32, #tpu.memory_space<hbm>> -> memref<1x632x16xf32, #tpu.memory_space<hbm>>
      %dma_wait3A_402 = tpu.memref_squeeze %dma_wait3A_401 : memref<1x632x16xf32, #tpu.memory_space<hbm>> -> memref<632x16xf32, #tpu.memory_space<hbm>>
      %dma_wait3A_403 = arith.constant 0 : i32
      %dma_wait3A_404 = tpu.memref_slice %arg7[%arg0, %mul3A_2, %dma_wait3A_403] : memref<2x10112x128xf32, #tpu.memory_space<hbm>> -> memref<1x632x16xf32, #tpu.memory_space<hbm>>
      %dma_wait3A_405 = tpu.memref_squeeze %dma_wait3A_404 : memref<1x632x16xf32, #tpu.memory_space<hbm>> -> memref<632x16xf32, #tpu.memory_space<hbm>>
      tpu.wait_dma2 semaphore(%run_scoped3A_393 : memref<!tpu.dma_semaphore, #tpu.memory_space<semaphore_mem>>) src(%arg12 : memref<632x16xf32, #tpu.memory_space<vmem>>) dst(%dma_wait3A_405 : memref<632x16xf32, #tpu.memory_space<hbm>>)
      tpu.yield
    }) : () -> ()
    "tpu.region"() ({
      %run_scoped3A_393 = tpu.sem_alloc : memref<!tpu.dma_semaphore, #tpu.memory_space<semaphore_mem>>
      %dma_start3A_394 = arith.constant 16 : i32
      %dma_start3A_395 = tpu.memref_slice %arg7[%arg0, %mul3A_2, %dma_start3A_394] : memref<2x10112x128xf32, #tpu.memory_space<hbm>> -> memref<1x632x8xf32, #tpu.memory_space<hbm>>
      %dma_start3A_396 = tpu.memref_squeeze %dma_start3A_395 : memref<1x632x8xf32, #tpu.memory_space<hbm>> -> memref<632x8xf32, #tpu.memory_space<hbm>>
      %dma_start3A_397 = arith.constant 16 : i32
      %dma_start3A_398 = tpu.memref_slice %arg7[%arg0, %mul3A_2, %dma_start3A_397] : memref<2x10112x128xf32, #tpu.memory_space<hbm>> -> memref<1x632x8xf32, #tpu.memory_space<hbm>>
      %dma_start3A_399 = tpu.memref_squeeze %dma_start3A_398 : memref<1x632x8xf32, #tpu.memory_space<hbm>> -> memref<632x8xf32, #tpu.memory_space<hbm>>
      tpu.enqueue_dma source(%arg13 : memref<632x8xf32, #tpu.memory_space<vmem>>) target(%dma_start3A_399 : memref<632x8xf32, #tpu.memory_space<hbm>>) target_semaphore(%run_scoped3A_393 : memref<!tpu.dma_semaphore, #tpu.memory_space<semaphore_mem>>)
      %dma_wait3A_400 = arith.constant 16 : i32
      %dma_wait3A_401 = tpu.memref_slice %arg7[%arg0, %mul3A_2, %dma_wait3A_400] : memref<2x10112x128xf32, #tpu.memory_space<hbm>> -> memref<1x632x8xf32, #tpu.memory_space<hbm>>
      %dma_wait3A_402 = tpu.memref_squeeze %dma_wait3A_401 : memref<1x632x8xf32, #tpu.memory_space<hbm>> -> memref<632x8xf32, #tpu.memory_space<hbm>>
      %dma_wait3A_403 = arith.constant 16 : i32
      %dma_wait3A_404 = tpu.memref_slice %arg7[%arg0, %mul3A_2, %dma_wait3A_403] : memref<2x10112x128xf32, #tpu.memory_space<hbm>> -> memref<1x632x8xf32, #tpu.memory_space<hbm>>
      %dma_wait3A_405 = tpu.memref_squeeze %dma_wait3A_404 : memref<1x632x8xf32, #tpu.memory_space<hbm>> -> memref<632x8xf32, #tpu.memory_space<hbm>>
      tpu.wait_dma2 semaphore(%run_scoped3A_393 : memref<!tpu.dma_semaphore, #tpu.memory_space<semaphore_mem>>) src(%arg13 : memref<632x8xf32, #tpu.memory_space<vmem>>) dst(%dma_wait3A_405 : memref<632x8xf32, #tpu.memory_space<hbm>>)
      tpu.yield
    }) : () -> ()
    return
  }
}

module attributes {stable_mosaic.version = 14 : i64} {
  func.func @_proj_body(%arg0: i32, %arg1: memref<2000x128xf32, #tpu.memory_space<vmem>>, %arg2: memref<2x65536xi32, #tpu.memory_space<vmem>>, %arg3: memref<128x32xf32, #tpu.memory_space<vmem>>, %arg4: memref<2000x128xf32, #tpu.memory_space<vmem>>, %arg5: memref<2000x16xf32, #tpu.memory_space<vmem>>, %arg6: memref<65536xi32, #tpu.memory_space<vmem>>, %arg7: memref<65536xi32, #tpu.memory_space<vmem>>) attributes {dimension_semantics = [#tpu.dimension_semantics<arbitrary>], iteration_bounds = array<i64: 5>, scalar_prefetch = 0 : i64, scratch_operands = 0 : i64, tpu.core_type = #tpu.core_type<tc>, window_params = [{transform_indices = @transform_0, window_bounds = array<i64: 2000, 128>}, {transform_indices = @transform_1, window_bounds = array<i64: 2, 65536>}, {pipeline_mode = #tpu.pipeline_mode<synchronous>, transform_indices = @transform_2, window_bounds = array<i64: 128, 32>}, {transform_indices = @transform_3, window_bounds = array<i64: 2000, 128>}, {transform_indices = @transform_4, window_bounds = array<i64: 2000, 16>}, {transform_indices = @transform_5, window_bounds = array<i64: 65536>}, {transform_indices = @transform_6, window_bounds = array<i64: 65536>}]} {
    %get3A = arith.constant 0 : index
    %get3A_0 = arith.constant 0 : index
    %get3A_1 = vector.load %arg1[%get3A, %get3A_0] : memref<2000x128xf32, #tpu.memory_space<vmem>>, vector<2000x128xf32>
    %get3A_2 = arith.constant 0 : index
    %get3A_3 = arith.constant 0 : index
    %get3A_4 = vector.load %arg3[%get3A_2, %get3A_3] : memref<128x32xf32, #tpu.memory_space<vmem>>, vector<128x32xf32>
    %dot_general3A = arith.constant dense<0.000000e+00> : vector<2000x32xf32>
    %dot_general3A_5 = tpu.matmul %get3A_1, %get3A_4, %dot_general3A {dimension_numbers = #tpu.dot_dimension_numbers<[1], [0], [0], [1], [0, 0, 1, 1], [], []>, transpose_lhs_hint = false} : vector<2000x128xf32>, vector<128x32xf32>, vector<2000x32xf32> -> vector<2000x32xf32>
    %slice3A = vector.extract_strided_slice %dot_general3A_5 {offsets = [0, 0], sizes = [2000, 16], strides = [1, 1]} : vector<2000x32xf32> to vector<2000x16xf32>
    %swap3A = arith.constant 0 : index
    %swap3A_6 = arith.constant 0 : index
    %swap3A_7 = vector.load %arg4[%swap3A, %swap3A_6] : memref<2000x128xf32, #tpu.memory_space<vmem>>, vector<2000x16xf32>
    tpu.vector_store %arg4[%swap3A, %swap3A_6], %slice3A {strides = array<i32>} : memref<2000x128xf32, #tpu.memory_space<vmem>>, vector<2000x16xf32>,
    %slice3A_8 = vector.extract_strided_slice %dot_general3A_5 {offsets = [0, 16], sizes = [2000, 16], strides = [1, 1]} : vector<2000x32xf32> to vector<2000x16xf32>
    %swap3A_9 = arith.constant 0 : index
    %swap3A_10 = arith.constant 0 : index
    %swap3A_11 = vector.load %arg5[%swap3A_9, %swap3A_10] : memref<2000x16xf32, #tpu.memory_space<vmem>>, vector<2000x16xf32>
    tpu.vector_store %arg5[%swap3A_9, %swap3A_10], %slice3A_8 {strides = array<i32>} : memref<2000x16xf32, #tpu.memory_space<vmem>>, vector<2000x16xf32>,
    %iota3A = tpu.iota {dimensions = array<i32: 1>} : vector<2x65536xi32>
    %mul3A = arith.constant 65536 : i32
    %mul3A_12 = arith.muli %arg0, %mul3A : i32
    %add3A = vector.broadcast %mul3A_12 : i32 to vector<2x65536xi32>
    %add3A_13 = arith.addi %iota3A, %add3A : vector<2x65536xi32>
    %lt3A = arith.constant 320000 : i32
    %lt3A_14 = vector.broadcast %lt3A : i32 to vector<2x65536xi32>
    %lt3A_15 = arith.cmpi slt, %add3A_13, %lt3A_14 : vector<2x65536xi32>
    %iota3A_16 = tpu.iota {dimensions = array<i32: 0>} : vector<2x65536xi32>
    %eq3A = arith.constant 0 : i32
    %eq3A_17 = vector.broadcast %eq3A : i32 to vector<2x65536xi32>
    %eq3A_18 = arith.cmpi eq, %iota3A_16, %eq3A_17 : vector<2x65536xi32>
    %jit3A = arith.constant 0 : i32
    %jit3A_19 = arith.constant 10000 : i32
    %broadcast_in_dim3A = vector.broadcast %jit3A : i32 to vector<2x65536xi32>
    %broadcast_in_dim3A_20 = vector.broadcast %jit3A_19 : i32 to vector<2x65536xi32>
    %select_n3A = arith.select %eq3A_18, %broadcast_in_dim3A, %broadcast_in_dim3A_20 : vector<2x65536xi1>, vector<2x65536xi32>
    %get3A_21 = arith.constant 0 : index
    %get3A_22 = arith.constant 0 : index
    %get3A_23 = vector.load %arg2[%get3A_21, %get3A_22] : memref<2x65536xi32, #tpu.memory_space<vmem>>, vector<2x65536xi32>
    %select_n3A_24 = arith.select %lt3A_15, %get3A_23, %select_n3A : vector<2x65536xi1>, vector<2x65536xi32>
    %slice3A_25 = vector.extract_strided_slice %select_n3A_24 {offsets = [0, 0], sizes = [1, 65536], strides = [1, 1]} : vector<2x65536xi32> to vector<1x65536xi32>
    %squeeze3A = vector.shape_cast %slice3A_25 : vector<1x65536xi32> to vector<65536xi32>
    %swap3A_26 = arith.constant 0 : index
    %swap3A_27 = vector.load %arg6[%swap3A_26] : memref<65536xi32, #tpu.memory_space<vmem>>, vector<65536xi32>
    tpu.vector_store %arg6[%swap3A_26], %squeeze3A {strides = array<i32>} : memref<65536xi32, #tpu.memory_space<vmem>>, vector<65536xi32>,
    %slice3A_28 = vector.extract_strided_slice %select_n3A_24 {offsets = [1, 0], sizes = [1, 65536], strides = [1, 1]} : vector<2x65536xi32> to vector<1x65536xi32>
    %squeeze3A_29 = vector.shape_cast %slice3A_28 : vector<1x65536xi32> to vector<65536xi32>
    %swap3A_30 = arith.constant 0 : index
    %swap3A_31 = vector.load %arg7[%swap3A_30] : memref<65536xi32, #tpu.memory_space<vmem>>, vector<65536xi32>
    tpu.vector_store %arg7[%swap3A_30], %squeeze3A_29 {strides = array<i32>} : memref<65536xi32, #tpu.memory_space<vmem>>, vector<65536xi32>,
    return
  }
  func.func @transform_0(%arg0: i32) -> (i32, i32) {
    %c0_i32 = arith.constant 0 : i32
    %c0_i32_0 = arith.constant 0 : i32
    return %arg0, %c0_i32 : i32, i32
  }
  func.func @transform_1(%arg0: i32) -> (i32, i32) {
    %c0_i32 = arith.constant 0 : i32
    %c0_i32_0 = arith.constant 0 : i32
    return %c0_i32, %arg0 : i32, i32
  }
  func.func @transform_2(%arg0: i32) -> (i32, i32) {
    %c0_i32 = arith.constant 0 : i32
    %c0_i32_0 = arith.constant 0 : i32
    %c0_i32_1 = arith.constant 0 : i32
    return %c0_i32, %c0_i32_0 : i32, i32
  }
  func.func @transform_3(%arg0: i32) -> (i32, i32) {
    %c0_i32 = arith.constant 0 : i32
    %c0_i32_0 = arith.constant 0 : i32
    return %arg0, %c0_i32 : i32, i32
  }
  func.func @transform_4(%arg0: i32) -> (i32, i32) {
    %c0_i32 = arith.constant 0 : i32
    %c0_i32_0 = arith.constant 0 : i32
    return %arg0, %c0_i32 : i32, i32
  }
  func.func @transform_5(%arg0: i32) -> i32 {
    %c0_i32 = arith.constant 0 : i32
    return %arg0 : i32
  }
  func.func @transform_6(%arg0: i32) -> i32 {
    %c0_i32 = arith.constant 0 : i32
    return %arg0 : i32
  }
}

module attributes {stable_mosaic.version = 14 : i64} {
  func.func @_fin_body(%arg0: i32, %arg1: memref<1x2048x128xf32, #tpu.memory_space<vmem>>, %arg2: memref<1x2048x128xf32, #tpu.memory_space<vmem>>, %arg3: memref<2048x16xf32, #tpu.memory_space<vmem>>, %arg4: memref<1x16xf32, #tpu.memory_space<vmem>>, %arg5: memref<16x2048xf32, #tpu.memory_space<vmem>>) attributes {dimension_semantics = [#tpu.dimension_semantics<arbitrary>], iteration_bounds = array<i64: 5>, scalar_prefetch = 0 : i64, scratch_operands = 0 : i64, tpu.core_type = #tpu.core_type<tc>, window_params = [{transform_indices = @transform_0, window_bounds = array<i64: 1, 2048, 128>}, {transform_indices = @transform_1, window_bounds = array<i64: 1, 2048, 128>}, {transform_indices = @transform_2, window_bounds = array<i64: 2048, 16>}, {pipeline_mode = #tpu.pipeline_mode<synchronous>, transform_indices = @transform_3, window_bounds = array<i64: 1, 16>}, {transform_indices = @transform_4, window_bounds = array<i64: 16, 2048>}]} {
    %get3A = arith.constant 0 : index
    %get3A_0 = arith.constant 0 : index
    %get3A_1 = arith.constant 0 : index
    %get3A_2 = vector.load %arg1[%get3A, %get3A_0, %get3A_1] : memref<1x2048x128xf32, #tpu.memory_space<vmem>>, vector<1x2048x128xf32>
    %get3A_3 = vector.shape_cast %get3A_2 : vector<1x2048x128xf32> to vector<2048x128xf32>
    %get3A_4 = arith.constant 0 : index
    %get3A_5 = arith.constant 0 : index
    %get3A_6 = arith.constant 0 : index
    %get3A_7 = vector.load %arg2[%get3A_4, %get3A_5, %get3A_6] : memref<1x2048x128xf32, #tpu.memory_space<vmem>>, vector<1x2048x128xf32>
    %get3A_8 = vector.shape_cast %get3A_7 : vector<1x2048x128xf32> to vector<2048x128xf32>
    %add3A = arith.addf %get3A_3, %get3A_8 : vector<2048x128xf32>
    %slice3A = vector.extract_strided_slice %add3A {offsets = [0, 0], sizes = [2048, 16], strides = [1, 1]} : vector<2048x128xf32> to vector<2048x16xf32>
    %slice3A_9 = vector.extract_strided_slice %add3A {offsets = [0, 16], sizes = [2048, 1], strides = [1, 1]} : vector<2048x128xf32> to vector<2048x1xf32>
    %max3A = arith.constant 1.000000e+00 : f32
    %max3A_10 = vector.broadcast %max3A : f32 to vector<2048x1xf32>
    %max3A_11 = arith.maximumf %slice3A_9, %max3A_10 : vector<2048x1xf32>
    %div3A = vector.broadcast %max3A_11 : vector<2048x1xf32> to vector<2048x16xf32>
    %div3A_12 = arith.divf %slice3A, %div3A : vector<2048x16xf32>
    %get3A_13 = arith.constant 0 : index
    %get3A_14 = arith.constant 0 : index
    %get3A_15 = vector.load %arg4[%get3A_13, %get3A_14] : memref<1x16xf32, #tpu.memory_space<vmem>>, vector<1x16xf32>
    %add3A_16 = vector.broadcast %get3A_15 : vector<1x16xf32> to vector<2048x16xf32>
    %add3A_17 = arith.addf %div3A_12, %add3A_16 : vector<2048x16xf32>
    %get3A_18 = arith.constant 0 : index
    %get3A_19 = arith.constant 0 : index
    %get3A_20 = vector.load %arg3[%get3A_18, %get3A_19] : memref<2048x16xf32, #tpu.memory_space<vmem>>, vector<2048x16xf32>
    %add3A_21 = arith.addf %add3A_17, %get3A_20 : vector<2048x16xf32>
    %max3A_22 = arith.constant 0.000000e+00 : f32
    %max3A_23 = vector.broadcast %max3A_22 : f32 to vector<2048x16xf32>
    %max3A_24 = arith.maximumf %add3A_21, %max3A_23 : vector<2048x16xf32>
    %reduce_max3A = arith.constant dense<0xFF800000> : vector<2048xf32>
    %reduce_max3A_25 = vector.multi_reduction <maximumf>, %max3A_24, %reduce_max3A [1] : vector<2048x16xf32> to vector<2048xf32>
    %broadcast_in_dim3A = vector.shape_cast %reduce_max3A_25 : vector<2048xf32> to vector<2048x1xf32>
    %sub3A = vector.broadcast %broadcast_in_dim3A : vector<2048x1xf32> to vector<2048x16xf32>
    %sub3A_26 = arith.subf %max3A_24, %sub3A : vector<2048x16xf32>
    %exp3A = math.exp %sub3A_26 : vector<2048x16xf32>
    %reduce_sum3A = arith.constant dense<0.000000e+00> : vector<2048xf32>
    %reduce_sum3A_27 = vector.multi_reduction <add>, %exp3A, %reduce_sum3A [1] : vector<2048x16xf32> to vector<2048xf32>
    %broadcast_in_dim3A_28 = vector.shape_cast %reduce_sum3A_27 : vector<2048xf32> to vector<2048x1xf32>
    %log3A = math.log %broadcast_in_dim3A_28 : vector<2048x1xf32>
    %add3A_29 = arith.addf %broadcast_in_dim3A, %log3A : vector<2048x1xf32>
    %sub3A_30 = vector.broadcast %add3A_29 : vector<2048x1xf32> to vector<2048x16xf32>
    %sub3A_31 = arith.subf %max3A_24, %sub3A_30 : vector<2048x16xf32>
    %transpose3A = tpu.transpose %sub3A_31, [1, 0] : vector<2048x16xf32> -> vector<16x2048xf32>
    %swap3A = arith.constant 0 : index
    %swap3A_32 = arith.constant 0 : index
    %swap3A_33 = vector.load %arg5[%swap3A, %swap3A_32] : memref<16x2048xf32, #tpu.memory_space<vmem>>, vector<16x2048xf32>
    tpu.vector_store %arg5[%swap3A, %swap3A_32], %transpose3A {strides = array<i32>} : memref<16x2048xf32, #tpu.memory_space<vmem>>, vector<16x2048xf32>,
    return
  }
  func.func @transform_0(%arg0: i32) -> (i32, i32, i32) {
    %c0_i32 = arith.constant 0 : i32
    %c0_i32_0 = arith.constant 0 : i32
    %c0_i32_1 = arith.constant 0 : i32
    return %c0_i32, %arg0, %c0_i32_0 : i32, i32, i32
  }
  func.func @transform_1(%arg0: i32) -> (i32, i32, i32) {
    %c1_i32 = arith.constant 1 : i32
    %c0_i32 = arith.constant 0 : i32
    %c0_i32_0 = arith.constant 0 : i32
    return %c1_i32, %arg0, %c0_i32 : i32, i32, i32
  }
  func.func @transform_2(%arg0: i32) -> (i32, i32) {
    %c0_i32 = arith.constant 0 : i32
    %c0_i32_0 = arith.constant 0 : i32
    return %arg0, %c0_i32 : i32, i32
  }
  func.func @transform_3(%arg0: i32) -> (i32, i32) {
    %c0_i32 = arith.constant 0 : i32
    %c0_i32_0 = arith.constant 0 : i32
    %c0_i32_1 = arith.constant 0 : i32
    return %c0_i32, %c0_i32_0 : i32, i32
  }
  func.func @transform_4(%arg0: i32) -> (i32, i32) {
    %c0_i32 = arith.constant 0 : i32
    %c0_i32_0 = arith.constant 0 : i32
    return %c0_i32, %arg0 : i32, i32
  }
}

</mosaic_0001>

<sc_bundles>
// kernel: kernel.5.cloned.1.call-start
scs
__scs_entry_jumppad:
0x0: {  	(pc) =	sbr.rel $0x88, $3  }
0x1: {  	(tag) =	ssettag $0x0;
	lr =	simm.s32 $0x1  }
0x2: {  	[smem:$0x3F9C] =	sst lr;
	_ =	strace $0xD0000000  }
0x3: {  	_ = 	snop  }
0x4: {  	_ = 	snop  }
0x5: {  	_ = 	snop  }
0x6: {  	_ = 	snop  }
0x7: {  	_ = 	snop  }
__scs_overlays_trampoline_lowered:
0x8: {  	[smem:$0x3FAB] =	sst s0  }
0x9: {  	[smem:$0x3FAC] =	sst s1  }
0xa: {  	[smem:$0x3FAD] =	sst s2  }
0xb: {  	[smem:$0x3FAE] =	sst s3  }
0xc: {  	[smem:$0x3FAF] =	sst s4  }
0xd: {  	[smem:$0x3FB0] =	sst s5  }
0xe: {  	[smem:$0x3FB1] =	sst s6  }
0xf: {  	[smem:$0x3FB2] =	sst s7  }
0x10: {  	[smem:$0x3FB3] =	sst s8  }
0x11: {  	[smem:$0x3FB4] =	sst s9;
	s0 =	simm.s32 @!p0 $0x0  }
0x12: {  	s1 =	sld [smem:$0x3F9A];
	s0 =	simm.s32 @p0 $0x1  }
0x13: {  	[smem:$0x3FB5] =	sst s0;
	s0 =	simm.s32 @!p1 $0x0  }
0x14: {  	s2 =	sld [smem:$0x3F99];
	s0 =	simm.s32 @p1 $0x1  }
0x15: {  	[smem:$0x3FB6] =	sst s0;
	s0 =	simm.s32 @!p2 $0x0  }
0x16: {  	s3 =	sld [smem:$0x3FDB];
	s0 =	simm.s32 @p2 $0x1  }
0x17: {  	s4 =	simm.s32 $0x1BF5;
	[smem:$0x3FB8] =	sst s0  }
0x18: {  	s0 =	sld [smem:$0x3F9B];
	_ =	swait.ge [sflag:s4], $0x0  }
0x19: {  	s7 =	sld [smem:$0x3F9C]  }
0x1a: {  	s8 =	sadd.s32 $0xFFFFE003, lr  }
0x1b: {  	s9 =	sadd.s32 $0xFFFFFEF7, lr;
	s5 =	simm.s32 $0xFFFFFFFF;
	p2 =	slt.u32 s8, $0xFFFFF086  }
0x1c: {  	p1 =	slt.u32 s9, $0xF7A;
	s5 =	simm.s32 @!p2 $0x0  }
0x1d: {  	s5 =	simm.s32 @p1 $0x1;
	p0 =	seq.s32 s7, s2  }
0x1e: {  	s7 =	smul.u32 @!p0 $0xF7A, s2;
	p2 =	seq.s32 @!p0 s5, $0x0  }
0x1f: {  	s9 =	smul.u32 $0xF7A, s1;
	s8 =	simm.s32 @!p0 $0x1BF5;
	p2 =	por !p2, p0  }
0x20: {  	[sflag:s8] =	ssyncset.s32 @!p0 $0xFFFFF086;
	s6 =	sadd.s32 @!p0 s3, s7;
	s7 =	simm.s32 @!p0 $0x108  }
0x21: {  	s3 =	sadd.s32 s3, s9;
	s6 =	sadd.s32 @!p0 $0x88, s6;
	s7 =	simm.s32 @p2 $0x1082  }
0x22: {  	[simem:s7], [sflag:s8] =	dma.local @!p0 [hbm:s6], $0xF7A  }
0x23: {  	s9 =	sor.u32 $0xD0000000, s2;
	s6 =	simm.s32 $0x108;
	_ =	swait.ge @!p0 [sflag:s8], $0x0  }
0x24: {  	s3 =	sadd.s32 $0x88, s3;
	s6 =	simm.s32 @!p1 $0x1082;
	[sflag:s4] =	ssyncset.s32 $0xFFFFF086  }
0x25: {  	[simem:s6], [sflag:s4] =	dma.local [hbm:s3], $0xF7A  }
0x26: {  	[smem:$0x3F9C] =	sst s1;
	(tag) =	ssettag s2;
	_ =	strace s9  }
0x27: {  	s1 =	sld [smem:$0x3FAC]  }
0x28: {  	s2 =	sld [smem:$0x3FAD]  }
0x29: {  	s4 =	sld [smem:$0x3FAF]  }
0x2a: {  	p0 =	seq.s32 s5, $0x0;
	s5 =	sld [smem:$0x3FB0]  }
0x2b: {  	s6 =	sld [smem:$0x3FB1]  }
0x2c: {  	s7 =	sld [smem:$0x3FB2]  }
0x2d: {  	s3 =	simm.s32 $0x108;
	s8 =	sld [smem:$0x3FB3]  }
0x2e: {  	s3 =	simm.s32 @!p0 $0x1082;
	s9 =	sld [smem:$0x3FB4]  }
0x2f: {  	lr =	sadd.s32 s0, s3;
	s0 =	sld [smem:$0x3FAB]  }
0x30: {  	s3 =	sld [smem:$0x3FAE]  }
0x31: {  	[smem:$0x3FB7] =	sst s10  }
0x32: {  	s10 =	sld [smem:$0x3FB5];
	_ =	sdelay $0x3  }
0x33: {  	p0 =	seq.s32 s10, $0x1;
	s10 =	sld [smem:$0x3FB7];
	_ =	sdelay $0x3  }
0x34: {  	[smem:$0x3FB7] =	sst s10  }
0x35: {  	s10 =	sld [smem:$0x3FB6];
	_ =	sdelay $0x3  }
0x36: {  	p1 =	seq.s32 s10, $0x1;
	s10 =	sld [smem:$0x3FB7];
	_ =	sdelay $0x3  }
0x37: {  	[smem:$0x3FB7] =	sst s10  }
0x38: {  	s10 =	sld [smem:$0x3FB8]  }
0x39: {  	_ = 	snop;
	(pc) =	sbr.ind lr, $3  }
0x3a: {  	_ = 	snop  }
0x3b: {  	_ = 	snop  }
0x3c: {  	p2 =	seq.s32 s10, $0x1;
	s10 =	sld [smem:$0x3FB7]  }
0x3d: {  	_ =	shalt  }
0x3e: {  	_ =	shalt  }
0x3f: {  	_ =	shalt  }
0x40: {  	_ =	shalt  }
0x41: {  	_ =	shalt  }
0x42: {  	_ =	shalt  }
0x43: {  	_ =	shalt  }
0x44: {  	_ =	shalt  }
0x45: {  	_ =	shalt  }
0x46: {  	_ =	shalt  }
0x47: {  	_ =	shalt  }
0x48: {  	_ =	shalt  }
0x49: {  	_ =	shalt  }
0x4a: {  	_ =	shalt  }
0x4b: {  	_ =	shalt  }
0x4c: {  	_ =	shalt  }
0x4d: {  	_ =	shalt  }
0x4e: {  	_ =	shalt  }
0x4f: {  	_ =	shalt  }
0x50: {  	_ =	shalt  }
0x51: {  	_ =	shalt  }
0x52: {  	_ =	shalt  }
0x53: {  	_ =	shalt  }
0x54: {  	_ =	shalt  }
0x55: {  	_ =	shalt  }
0x56: {  	_ =	shalt  }
0x57: {  	_ =	shalt  }
0x58: {  	_ =	shalt  }
0x59: {  	_ =	shalt  }
0x5a: {  	_ =	shalt  }
0x5b: {  	_ =	shalt  }
0x5c: {  	_ =	shalt  }
0x5d: {  	_ =	shalt  }
0x5e: {  	_ =	shalt  }
0x5f: {  	_ =	shalt  }
0x60: {  	_ =	shalt  }
0x61: {  	_ =	shalt  }
0x62: {  	_ =	shalt  }
0x63: {  	_ =	shalt  }
0x64: {  	_ =	shalt  }
0x65: {  	_ =	shalt  }
0x66: {  	_ =	shalt  }
0x67: {  	_ =	shalt  }
0x68: {  	_ =	shalt  }
0x69: {  	_ =	shalt  }
0x6a: {  	_ =	shalt  }
0x6b: {  	_ =	shalt  }
0x6c: {  	_ =	shalt  }
0x6d: {  	_ =	shalt  }
0x6e: {  	_ =	shalt  }
0x6f: {  	_ =	shalt  }
0x70: {  	_ =	shalt  }
0x71: {  	_ =	shalt  }
0x72: {  	_ =	shalt  }
0x73: {  	_ =	shalt  }
0x74: {  	_ =	shalt  }
0x75: {  	_ =	shalt  }
0x76: {  	_ =	shalt  }
0x77: {  	_ =	shalt  }
0x78: {  	_ =	shalt  }
0x79: {  	_ =	shalt  }
0x7a: {  	_ =	shalt  }
0x7b: {  	_ =	shalt  }
0x7c: {  	_ =	shalt  }
0x7d: {  	_ =	shalt  }
0x7e: {  	_ =	shalt  }
0x7f: {  	_ =	shalt  }
0x80: {  	_ =	shalt  }
0x81: {  	_ =	shalt  }
0x82: {  	_ =	shalt  }
0x83: {  	_ =	shalt  }
0x84: {  	_ =	shalt  }
0x85: {  	_ =	shalt  }
0x86: {  	_ =	shalt  }
0x87: {  	_ =	shalt  }
.Lfunc_end0:
.L_simem_size_0:
called_computation_lowered:
.L_overlay_start_0:
0x88: {  	s2 =	sld [smem:$0x3FD9]  }
0x89: {  	s3 =	sld [smem:$0x3FFE];
	_ =	sdelay $0x1  }
0x8a: {  	s1 =	srdreg.scid  }
0x8b: {  	s0 =	sand.u32 $0x1, s1  }
0x8c: {  	s17 =	sshll.u32 s0, $0xA;
	s2 =	sadd.s32 s3, s2  }
0x8d: {  	s2 =	sadd.s32 s2, s17  }
0x8e: {  	[smem:$0x3FC3] =	sst s2  }
0x8f: {  	_ = 	snop  }
0x90: {  	s2 =	sld [smem:$0x3FD0];
	(tm) =	ssettm $0x1  }
0x91: {  	s18 =	sld [smem:$0x3FFB];
	_ =	sdelay $0x3  }
0x92: {  	_ =	strace s18  }
0x93: {  	s3 =	sld [smem:$0x3FFC];
	_ =	sdelay $0x3  }
0x94: {  	_ =	strace s3  }
0x95: {  	s3 =	sld [smem:$0x3FFD];
	_ =	sdelay $0x3  }
0x96: {  	_ =	strace s3  }
0x97: {  	_ =	strace $0x8FFFFFFF  }
0x98: {  	s19 =	sld [smem:$0x3FDB];
	_ =	sdelay $0x1  }
0x99: {  	s4 =	simm.s32 $_scs_section_size  }
0x9a: {  	s5 =	simm.s32 $_size__tile_overlayer_lowered;
	s6 =	simm.s32 $_tile_overlayer_lowered  }
0x9b: {  	s22 =	simm.s32 $0x1BFF;
	s21 =	sshll.u32 s6, $0x1;
	s3 =	sadd.s32 s4, s19  }
0x9c: {  	s7 =	simm.s32 $0x0;
	s20 =	sshll.u32 s5, $0x1;
	s5 =	sadd.s32 s21, s3  }
0x9d: {  	[timem:s7], [sflag:s22] =	dma.local [hbm:s5], s20  }
0x9e: {  	_ =	swait.ge [sflag:s22], s20  }
0x9f: {  	s4 =	ssub.s32 $0x0, s20;
	[sflag:s22] =	ssyncset.done $0x0  }
0xa0: {  	[sflag:s22] =	ssyncadd.s32 s4;
	_ =	sdelay $0x1  }
0xa1: {  	s23 =	simm.s32 $0x1B8B  }
0xa2: {  	_ =	swait.ge [sflag:s23], $0x1  }
0xa3: {  	[sflag:s23] =	ssyncset.done $0x0  }
0xa4: {  	s25 =	simm.s32 $0x1B8E;
	s24 =	sld [smem:$0x3FFE];
	[sflag:s23] =	ssyncadd.s32 $0xFFFFFFFF  }
0xa5: {  	s26 =	simm.s32 $execute0_lowered;
	[smem:$0x3FD2] =	sst s25  }
0xa6: {  	s5 =	sshll.u32 s26, $0x1;
	_ =	strace $0x80000046;
	[dreg:$0x1] =	wrdreg $0xFFFFFFFF  }
0xa7: {  	s28 =	simm.s32 $_size_execute0_lowered;
	s3 =	sadd.s32 s3, s5;
	[dreg:$0x0] =	wrdreg $0x0  }
0xa8: {  	s5 =	sshll.u32 s28, $0x1;
	[dreg:$0x2] =	wrdreg s3  }
0xa9: {  	[dreg:$0x3] =	wrdreg s5  }
0xaa: {  	[dreg:$0x4] =	wrdreg $0xC0  }
0xab: {  	_ =	task [dreg:s7], $0x5FFFF  }
0xac: {  	[dreg:$0x1] =	wrdreg $0xFFFFFFFF  }
0xad: {  	[dreg:$0x0] =	wrdreg $0x60  }
0xae: {  	[dreg:$0x2] =	wrdreg s24  }
0xaf: {  	[dreg:$0x3] =	wrdreg s2  }
0xb0: {  	[dreg:$0x4] =	wrdreg $0x12B400  }
0xb1: {  	[dreg:$0x5] =	wrdreg $0x152C00  }
0xb2: {  	[dreg:$0x6] =	wrdreg $0x17A400  }
0xb3: {  	[dreg:$0x7] =	wrdreg $0x9  }
0xb4: {  	_ =	task.clear_ibuf [dreg:s7], $0x8FFFF;
	_ =	strace $0x90000046  }
0xb5: {  	s29 =	simm.s32 $0x9;
	_ =	strace $0x80000048  }
0xb6: {  	_ =	swait.ge [sflag:s29], $0x1  }
0xb7: {  	[sflag:s29] =	ssyncadd.s32 $0xFFFFFFFF  }
0xb8: {  	_ =	strace $0x90000048  }
0xb9: {  	_ =	sfence  }
0xba: {  	s30 =	sld [smem:$0x0];
	_ =	sdelay $0x2  }
0xbb: {  	s31 =	sshll.u32 s1, $0xD;
	s1 =	sshrl.u32 s1, $0x2  }
0xbc: {  	s3 =	sand.u32 $0x4000, s31;
	s1 =	sadd.s32 s1, s30  }
0xbd: {  	s0 =	sor.u32 s3, s0;
	s1 =	sshll.u32 s1, $0x11  }
0xbe: {  	s0 =	sor.u32 s1, s0  }
0xbf: {  	s0 =	sadd.s32 $0x8F2B, s0  }
0xc0: {  	[sflag:s0] =	ssyncadd.remote.s32 $0x1  }
0xc1: {  	_ =	sfence.sel $0xFFFF  }
0xc2: {  	[dreg:$0x0] =	wrdreg $0xFFFFFFFF;
	(pc) =	sbr.abs _section_cstart, $3  }
0xc3: {  	[dreg:$0x1] =	wrdreg $0xFFFFFFFF  }
0xc4: {  	_ =	task.clear_ibuf [dreg:s7], $0x2FFFF;
	_ =	strace $0x9FFFFFFF  }
0xc5: {  	(tm) =	ssettm $0x7FFFFFFF  }
tec
execute0_lowered:
.L_overlay_start_1:
0x0: {  	(tag) =	ssettag $0x1  }
0x1: {  	s6 =	rddreg [dreg:$0x0]  }
0x2: {  	s0 =	rddreg [dreg:$0x1]  }
0x3: {  	s14 =	rddreg [dreg:$0x2]  }
0x4: {  	s3 =	rddreg [dreg:$0x3]  }
0x5: {  	s4 =	rddreg [dreg:$0x4]  }
0x6: {  	s5 =	simm.s32 $0x0;
	s2 =	stileid.u32;
	s1 =	srdreg.scid  }
0x7: {  	s7 =	smul.u32 $0x13C00, s2;
	s13 =	sand.u32 $0x1, s1;
	s15 =	sshll.u32 s2, $0x1  }
0x8: {  	[smem:$0x7FF] =	sst s5;
	s10 =	sadd.s32 $0x3CC00, s6;
	s1 =	sor.u32 s13, s15  }
0x9: {  	s11 =	sadd.s32 $0x28C00, s6;
	s8 =	sshrl.u32 s7, $0x3;
	s9 =	smul.u32 $0x2800, s1  }
0xa: {  	[smem:$0x7FD] =	sst s13;
	s1 =	smul.u32 $0x2780, s2;
	s8 =	sadd.s32 s8, s6  }
0xb: {  	_ =	strace $0x80000047;
	[dreg:$0x6] =	wrdreg s10;
	s8 =	sadd.s32 $0x1400, s8  }
0xc: {  	s16 =	sadd.s32 s1, s14;
	s9 =	sshrl.u32 s9, $0x3;
	[dreg:$0x7] =	wrdreg s8  }
0xd: {  	s10 =	sadd.s32 $0x32C00, s6;
	[dreg:$0x8] =	wrdreg s16;
	s17 =	sadd.s32 s11, s9  }
0xe: {  	s18 =	sadd.s32 s10, s9;
	s12 =	sor.u32 $0x80, s9;
	[dreg:$0x9] =	wrdreg s17  }
0xf: {  	[dreg:$0xa] =	wrdreg s18;
	s19 =	sadd.s32 s11, s12  }
0x10: {  	s21 =	sadd.s32 $0x100, s9;
	s20 =	sadd.s32 s10, s12;
	[dreg:$0xb] =	wrdreg s19  }
0x11: {  	s22 =	sadd.s32 s11, s21;
	[dreg:$0xc] =	wrdreg s20  }
0x12: {  	s24 =	sadd.s32 $0x180, s9;
	s23 =	sadd.s32 s10, s21;
	[dreg:$0xd] =	wrdreg s22  }
0x13: {  	s25 =	sadd.s32 s11, s24;
	[dreg:$0xe] =	wrdreg s23  }
0x14: {  	s29 =	sadd.s32 $0x200, s9;
	s26 =	sadd.s32 s10, s24;
	[dreg:$0xf] =	wrdreg s25  }
0x15: {  	s31 =	sadd.s32 s11, s29;
	[dreg:$0x10] =	wrdreg s26  }
0x16: {  	s16 =	sadd.s32 $0x280, s9;
	s15 =	sadd.s32 s10, s29;
	[dreg:$0x11] =	wrdreg s31  }
0x17: {  	s17 =	sadd.s32 s11, s16;
	[dreg:$0x12] =	wrdreg s15  }
0x18: {  	s18 =	sadd.s32 s10, s16;
	[dreg:$0x13] =	wrdreg s17;
	s19 =	sadd.s32 $0x300, s9  }
0x19: {  	[dreg:$0x14] =	wrdreg s18;
	s22 =	sadd.s32 $0x380, s9;
	s25 =	sadd.s32 $0x400, s9  }
0x1a: {  	s9 =	sadd.s32 $0x480, s9;
	s20 =	sadd.s32 s11, s19;
	s23 =	sadd.s32 s11, s22  }
0x1b: {  	s26 =	sadd.s32 s11, s25;
	s31 =	sadd.s32 s11, s9;
	s11 =	rddreg [dreg:$0x7]  }
0x1c: {  	s21 =	sadd.s32 s10, s19;
	[dreg:$0x15] =	wrdreg s20  }
0x1d: {  	[dreg:$0x16] =	wrdreg s21  }
0x1e: {  	s13 =	smul.u32 $0x13C000, s13;
	s24 =	sadd.s32 s10, s22;
	[dreg:$0x17] =	wrdreg s23  }
0x1f: {  	[dreg:$0x18] =	wrdreg s24  }
0x20: {  	s7 =	sadd.s32 s7, s13;
	s29 =	sadd.s32 s10, s25;
	[dreg:$0x19] =	wrdreg s26  }
0x21: {  	s7 =	sshrl.u32 s7, $0x3;
	[dreg:$0x1a] =	wrdreg s29  }
0x22: {  	s6 =	sadd.s32 s7, s6;
	s9 =	sadd.s32 s10, s9;
	[dreg:$0x1b] =	wrdreg s31  }
0x23: {  	s13 =	simm.s32 $0x80;
	s10 =	sadd.s32 $0x3D000, s6;
	[dreg:$0x1c] =	wrdreg s9  }
0x24: {  	s7 =	simm.s32 $0x3;
	s6 =	sadd.s32 $0x3D002, s6;
	[dreg:$0x1d] =	wrdreg s10  }
0x25: {  	s12 =	simm.s32 $0x10;
	s15 =	simm.s32 $0xF000;
	[dreg:$0x1e] =	wrdreg s6  }
0x26: {  	[tilespmem:s15], [sflag:$0x3] =	stream.strided.gather [hbm4b:s11+s12], $0x2780, s13, s12, $0x38;
	[tilespmem:$0x18E00] =	vst v63  }
0x27: {  	_ =	swait.ge [sflag:s7], $0x2780  }
0x28: {  	[sflag:s7] =	ssyncset.done $0x0  }
0x29: {  	s17 =	rddreg [dreg:$0x8];
	[sflag:s7] =	ssyncadd.s32 $0xFFFFD880  }
0x2a: {  	[spmem:s17] =	stream.linear.scatter [tilespmem:s15], [sflag:$0x3], $0x2780, $0x38;
	[tilespmem:$0x18E00] =	vst v63  }
0x2b: {  	_ =	swait.ge [sflag:s7], $0x2780  }
0x2c: {  	s18 =	sshrl.u32 s1, $0x3;
	[sflag:s7] =	ssyncset.done $0x0  }
0x2d: {  	s19 =	sadd.s32 s0, s18;
	[sflag:s7] =	ssyncadd.s32 $0xFFFFD880  }
0x2e: {  	[tilespmem:s15], [sflag:$0x3] =	stream.linear.gather [hbm4b:s19+s5], $0x2780, $0x38;
	[tilespmem:$0x18E00] =	vst v63  }
0x2f: {  	_ =	swait.ge [sflag:s7], $0x2780  }
0x30: {  	[sflag:s7] =	ssyncset.done $0x0  }
0x31: {  	s8 =	sadd.s32 s1, s3;
	[sflag:s7] =	ssyncadd.s32 $0xFFFFD880  }
0x32: {  	[spmem:s8] =	stream.linear.scatter [tilespmem:s15], [sflag:$0x3], $0x2780, $0x38;
	[tilespmem:$0x18E00] =	vst v63  }
0x33: {  	s16 =	simm.s32 $0x10;
	_ =	swait.ge [sflag:s7], $0x2780  }
0x34: {  	s22 =	simm.s32 $0x11780;
	s20 =	smul.u32 $0x4F00, s2;
	[sflag:s7] =	ssyncset.done $0x0  }
0x35: {  	s21 =	simm.s32 $0x8;
	[dreg:$0x1f] =	wrdreg s19;
	[sflag:s7] =	ssyncadd.s32 $0xFFFFD880  }
0x36: {  	[tilespmem:s22], [sflag:$0x3] =	stream.strided.gather [hbm4b:s19+s21], $0x13C0, s16, s21, $0x38;
	[tilespmem:$0x18E00] =	vst v63  }
0x37: {  	_ =	swait.ge [sflag:s7], $0x13C0  }
0x38: {  	s0 =	sshrl.u32 s20, $0x2;
	[sflag:s7] =	ssyncset.done $0x0  }
0x39: {  	s9 =	sadd.s32 s0, s4;
	[sflag:s7] =	ssyncadd.s32 $0xFFFFEC40  }
0x3a: {  	[spmem:s9] =	stream.linear.scatter [tilespmem:s22], [sflag:$0x3], $0x13C0, $0x38;
	[tilespmem:$0x18E00] =	vst v63  }
0x3b: {  	_ =	swait.ge [sflag:s7], $0x13C0  }
0x3c: {  	[sflag:s7] =	ssyncset.done $0x0  }
0x3d: {  	s13 =	simm.s32 $0xD000;
	s23 =	rddreg [dreg:$0x6];
	[sflag:s7] =	ssyncadd.s32 $0xFFFFEC40  }
0x3e: {  	[tilespmem:s13], [sflag:$0x3] =	stream.linear.gather [hbm4b:s23+s5], $0x2000, $0x38;
	[tilespmem:$0x18E00] =	vst v63  }
0x3f: {  	_ =	swait.ge [sflag:s7], $0x2000  }
0x40: {  	[sflag:s7] =	ssyncset.done $0x0  }
0x41: {  	s24 =	rddreg [dreg:$0x9];
	[sflag:s7] =	ssyncadd.s32 $0xFFFFE000  }
0x42: {  	[tilespmem:s5], [sflag:$0x3] =	stream.linear.gather [hbm4b:s24+s5], $0x400, $0x38;
	[tilespmem:$0x18E00] =	vst v63  }
0x43: {  	_ =	swait.ge [sflag:s7], $0x400  }
0x44: {  	[sflag:s7] =	ssyncset.done $0x0  }
0x45: {  	s18 =	simm.s32 $0x2800;
	s25 =	rddreg [dreg:$0xa];
	[sflag:s7] =	ssyncadd.s32 $0xFFFFFC00  }
0x46: {  	[tilespmem:s18], [sflag:$0x3] =	stream.linear.gather [hbm4b:s25+s5], $0x400, $0x38;
	[tilespmem:$0x18E00] =	vst v63  }
0x47: {  	_ =	swait.ge [sflag:s7], $0x400  }
0x48: {  	[sflag:s7] =	ssyncset.done $0x0  }
0x49: {  	s17 =	simm.s32 $0x400;
	s26 =	rddreg [dreg:$0xb];
	[sflag:s7] =	ssyncadd.s32 $0xFFFFFC00  }
0x4a: {  	[tilespmem:s17], [sflag:$0x3] =	stream.linear.gather [hbm4b:s26+s5], $0x400, $0x38;
	[tilespmem:$0x18E00] =	vst v63  }
0x4b: {  	_ =	swait.ge [sflag:s7], $0x400  }
0x4c: {  	[sflag:s7] =	ssyncset.done $0x0  }
0x4d: {  	s20 =	simm.s32 $0x2C00;
	s29 =	rddreg [dreg:$0xc];
	[sflag:s7] =	ssyncadd.s32 $0xFFFFFC00  }
0x4e: {  	[tilespmem:s20], [sflag:$0x3] =	stream.linear.gather [hbm4b:s29+s5], $0x400, $0x38;
	[tilespmem:$0x18E00] =	vst v63  }
0x4f: {  	_ =	swait.ge [sflag:s7], $0x400  }
0x50: {  	[sflag:s7] =	ssyncset.done $0x0  }
0x51: {  	s28 =	simm.s32 $0x800;
	s31 =	rddreg [dreg:$0xd];
	[sflag:s7] =	ssyncadd.s32 $0xFFFFFC00  }
0x52: {  	[tilespmem:s28], [sflag:$0x3] =	stream.linear.gather [hbm4b:s31+s5], $0x400, $0x38;
	[tilespmem:$0x18E00] =	vst v63  }
0x53: {  	_ =	swait.ge [sflag:s7], $0x400  }
0x54: {  	[sflag:s7] =	ssyncset.done $0x0  }
0x55: {  	s22 =	simm.s32 $0x3000;
	s1 =	rddreg [dreg:$0xe];
	[sflag:s7] =	ssyncadd.s32 $0xFFFFFC00  }
0x56: {  	[tilespmem:s22], [sflag:$0x3] =	stream.linear.gather [hbm4b:s1+s5], $0x400, $0x38;
	[tilespmem:$0x18E00] =	vst v63  }
0x57: {  	_ =	swait.ge [sflag:s7], $0x400  }
0x58: {  	[sflag:s7] =	ssyncset.done $0x0  }
0x59: {  	s24 =	simm.s32 $0xC00;
	s2 =	rddreg [dreg:$0xf];
	[sflag:s7] =	ssyncadd.s32 $0xFFFFFC00  }
0x5a: {  	[tilespmem:s24], [sflag:$0x3] =	stream.linear.gather [hbm4b:s2+s5], $0x400, $0x38;
	[tilespmem:$0x18E00] =	vst v63  }
0x5b: {  	_ =	swait.ge [sflag:s7], $0x400  }
0x5c: {  	[sflag:s7] =	ssyncset.done $0x0  }
0x5d: {  	s26 =	simm.s32 $0x3400;
	s6 =	rddreg [dreg:$0x10];
	[sflag:s7] =	ssyncadd.s32 $0xFFFFFC00  }
0x5e: {  	[tilespmem:s26], [sflag:$0x3] =	stream.linear.gather [hbm4b:s6+s5], $0x400, $0x38;
	[tilespmem:$0x18E00] =	vst v63  }
0x5f: {  	_ =	swait.ge [sflag:s7], $0x400  }
0x60: {  	[sflag:s7] =	ssyncset.done $0x0  }
0x61: {  	s29 =	simm.s32 $0x1000;
	s10 =	rddreg [dreg:$0x11];
	[sflag:s7] =	ssyncadd.s32 $0xFFFFFC00  }
0x62: {  	[tilespmem:s29], [sflag:$0x3] =	stream.linear.gather [hbm4b:s10+s5], $0x400, $0x38;
	[tilespmem:$0x18E00] =	vst v63  }
0x63: {  	_ =	swait.ge [sflag:s7], $0x400  }
0x64: {  	[sflag:s7] =	ssyncset.done $0x0  }
0x65: {  	s30 =	simm.s32 $0x3800;
	s11 =	rddreg [dreg:$0x12];
	[sflag:s7] =	ssyncadd.s32 $0xFFFFFC00  }
0x66: {  	[tilespmem:s30], [sflag:$0x3] =	stream.linear.gather [hbm4b:s11+s5], $0x400, $0x38;
	[tilespmem:$0x18E00] =	vst v63  }
0x67: {  	_ =	swait.ge [sflag:s7], $0x400  }
0x68: {  	[sflag:s7] =	ssyncset.done $0x0  }
0x69: {  	s31 =	simm.s32 $0x1400;
	s12 =	rddreg [dreg:$0x13];
	[sflag:s7] =	ssyncadd.s32 $0xFFFFFC00  }
0x6a: {  	[tilespmem:s31], [sflag:$0x3] =	stream.linear.gather [hbm4b:s12+s5], $0x400, $0x38;
	[tilespmem:$0x18E00] =	vst v63  }
0x6b: {  	_ =	swait.ge [sflag:s7], $0x400  }
0x6c: {  	[sflag:s7] =	ssyncset.done $0x0  }
0x6d: {  	s6 =	simm.s32 $0x3C00;
	s16 =	rddreg [dreg:$0x14];
	[sflag:s7] =	ssyncadd.s32 $0xFFFFFC00  }
0x6e: {  	[tilespmem:s6], [sflag:$0x3] =	stream.linear.gather [hbm4b:s16+s5], $0x400, $0x38;
	[tilespmem:$0x18E00] =	vst v63  }
0x6f: {  	_ =	swait.ge [sflag:s7], $0x400  }
0x70: {  	[sflag:s7] =	ssyncset.done $0x0  }
0x71: {  	s10 =	simm.s32 $0x1800;
	s19 =	rddreg [dreg:$0x15];
	[sflag:s7] =	ssyncadd.s32 $0xFFFFFC00  }
0x72: {  	[tilespmem:s10], [sflag:$0x3] =	stream.linear.gather [hbm4b:s19+s5], $0x400, $0x38;
	[tilespmem:$0x18E00] =	vst v63  }
0x73: {  	_ =	swait.ge [sflag:s7], $0x400  }
0x74: {  	[sflag:s7] =	ssyncset.done $0x0  }
0x75: {  	s11 =	simm.s32 $0x4000;
	s21 =	rddreg [dreg:$0x16];
	[sflag:s7] =	ssyncadd.s32 $0xFFFFFC00  }
0x76: {  	[tilespmem:s11], [sflag:$0x3] =	stream.linear.gather [hbm4b:s21+s5], $0x400, $0x38;
	[tilespmem:$0x18E00] =	vst v63  }
0x77: {  	_ =	swait.ge [sflag:s7], $0x400  }
0x78: {  	[sflag:s7] =	ssyncset.done $0x0  }
0x79: {  	s12 =	simm.s32 $0x1C00;
	s23 =	rddreg [dreg:$0x17];
	[sflag:s7] =	ssyncadd.s32 $0xFFFFFC00  }
0x7a: {  	[tilespmem:s12], [sflag:$0x3] =	stream.linear.gather [hbm4b:s23+s5], $0x400, $0x38;
	[tilespmem:$0x18E00] =	vst v63  }
0x7b: {  	_ =	swait.ge [sflag:s7], $0x400  }
0x7c: {  	[sflag:s7] =	ssyncset.done $0x0  }
0x7d: {  	s2 =	simm.s32 $0x4400;
	s25 =	rddreg [dreg:$0x18];
	[sflag:s7] =	ssyncadd.s32 $0xFFFFFC00  }
0x7e: {  	[tilespmem:s2], [sflag:$0x3] =	stream.linear.gather [hbm4b:s25+s5], $0x400, $0x38;
	[tilespmem:$0x18E00] =	vst v63  }
0x7f: {  	_ =	swait.ge [sflag:s7], $0x400  }
0x80: {  	[sflag:s7] =	ssyncset.done $0x0  }
0x81: {  	s16 =	simm.s32 $0x2000;
	s0 =	rddreg [dreg:$0x19];
	[sflag:s7] =	ssyncadd.s32 $0xFFFFFC00  }
0x82: {  	[tilespmem:s16], [sflag:$0x3] =	stream.linear.gather [hbm4b:s0+s5], $0x400, $0x38;
	[tilespmem:$0x18E00] =	vst v63  }
0x83: {  	_ =	swait.ge [sflag:s7], $0x400  }
0x84: {  	[sflag:s7] =	ssyncset.done $0x0  }
0x85: {  	s1 =	simm.s32 $0x4800;
	s19 =	rddreg [dreg:$0x1a];
	[sflag:s7] =	ssyncadd.s32 $0xFFFFFC00  }
0x86: {  	[tilespmem:s1], [sflag:$0x3] =	stream.linear.gather [hbm4b:s19+s5], $0x400, $0x38;
	[tilespmem:$0x18E00] =	vst v63  }
0x87: {  	_ =	swait.ge [sflag:s7], $0x400  }
0x88: {  	[sflag:s7] =	ssyncset.done $0x0  }
0x89: {  	s0 =	simm.s32 $0x2400;
	s19 =	rddreg [dreg:$0x1b];
	[sflag:s7] =	ssyncadd.s32 $0xFFFFFC00  }
0x8a: {  	[tilespmem:s0], [sflag:$0x3] =	stream.linear.gather [hbm4b:s19+s5], $0x400, $0x38;
	[tilespmem:$0x18E00] =	vst v63  }
0x8b: {  	_ =	swait.ge [sflag:s7], $0x400  }
0x8c: {  	[sflag:s7] =	ssyncset.done $0x0  }
0x8d: {  	s19 =	simm.s32 $0x4C00;
	s21 =	rddreg [dreg:$0x1c];
	[sflag:s7] =	ssyncadd.s32 $0xFFFFFC00  }
0x8e: {  	[tilespmem:s19], [sflag:$0x3] =	stream.linear.gather [hbm4b:s21+s5], $0x400, $0x38;
	[tilespmem:$0x18E00] =	vst v63  }
0x8f: {  	_ =	swait.ge [sflag:s7], $0x400  }
0x90: {  	[sflag:s7] =	ssyncset.done $0x0  }
0x91: {  	[sflag:s7] =	ssyncadd.s32 $0xFFFFFC00  }
0x92: {  	s21 =	simm.s32 $0x5000;
	[bflag:$0x0] =	sbarrier.arrive $0xFFFF  }
0x93: {  	[tilespmem:s21], [sflag:$0x1] =	stream.indirect.gather [spmem:s14], $0x10, s5, s17, $0xb8;
	[tilespmem:$0x18E00] =	vst v63  }
0x94: {  	s23 =	simm.s32 $0x9000;
	s25 =	simm.s32 $0x1  }
0x95: {  	[tilespmem:s23], [sflag:$0x2] =	stream.indirect.gather [spmem:s14], $0x10, s17, s17, $0xb8;
	[tilespmem:$0x18E00] =	vst v63  }
0x96: {  	_ =	swait.ge [sflag:s25], $0x4000  }
0x97: {  	[sflag:s25] =	ssyncset.done $0x0  }
0x98: {  	[sflag:s25] =	ssyncadd.s32 $0xFFFFC000  }
0x99: {  	[spmem:s3] =	stream.indirect.scatter.add.f32 [tilespmem:s21], [sflag:$0x3], $0x10, s18, s17, $0xb8;
	[tilespmem:$0x18E00] =	vst v63  }
0x9a: {  	_ =	swait.ge [sflag:s7], $0x4000  }
0x9b: {  	[sflag:s7] =	ssyncset.done $0x0  }
0x9c: {  	[sflag:s7] =	ssyncadd.s32 $0xFFFFC000  }
0x9d: {  	[spmem:s4] =	stream.indirect.scatter.add.f32 [tilespmem:s13], [sflag:$0x3], $0x8, s18, s17, $0xb8;
	[tilespmem:$0x18E00] =	vst v63  }
0x9e: {  	_ =	swait.ge [sflag:s7], $0x2000  }
0x9f: {  	[sflag:s7] =	ssyncset.done $0x0  }
0xa0: {  	[sflag:s7] =	ssyncadd.s32 $0xFFFFE000  }
0xa1: {  	[tilespmem:s21], [sflag:$0x1] =	stream.indirect.gather [spmem:s14], $0x10, s28, s17, $0xb8;
	[tilespmem:$0x18E00] =	vst v63  }
0xa2: {  	s28 =	simm.s32 $0x2  }
0xa3: {  	_ =	swait.ge [sflag:s28], $0x4000  }
0xa4: {  	[sflag:s28] =	ssyncset.done $0x0  }
0xa5: {  	[sflag:s28] =	ssyncadd.s32 $0xFFFFC000  }
0xa6: {  	[spmem:s3] =	stream.indirect.scatter.add.f32 [tilespmem:s23], [sflag:$0x3], $0x10, s20, s17, $0xb8;
	[tilespmem:$0x18E00] =	vst v63  }
0xa7: {  	_ =	swait.ge [sflag:s7], $0x4000  }
0xa8: {  	[sflag:s7] =	ssyncset.done $0x0  }
0xa9: {  	[sflag:s7] =	ssyncadd.s32 $0xFFFFC000  }
0xaa: {  	[spmem:s4] =	stream.indirect.scatter.add.f32 [tilespmem:s13], [sflag:$0x3], $0x8, s20, s17, $0xb8;
	[tilespmem:$0x18E00] =	vst v63  }
0xab: {  	_ =	swait.ge [sflag:s7], $0x2000  }
0xac: {  	[sflag:s7] =	ssyncset.done $0x0  }
0xad: {  	[sflag:s7] =	ssyncadd.s32 $0xFFFFE000  }
0xae: {  	[tilespmem:s23], [sflag:$0x2] =	stream.indirect.gather [spmem:s14], $0x10, s24, s17, $0xb8;
	[tilespmem:$0x18E00] =	vst v63  }
0xaf: {  	_ =	swait.ge [sflag:s25], $0x4000  }
0xb0: {  	[sflag:s25] =	ssyncset.done $0x0  }
0xb1: {  	[sflag:s25] =	ssyncadd.s32 $0xFFFFC000  }
0xb2: {  	[spmem:s3] =	stream.indirect.scatter.add.f32 [tilespmem:s21], [sflag:$0x3], $0x10, s22, s17, $0xb8;
	[tilespmem:$0x18E00] =	vst v63  }
0xb3: {  	_ =	swait.ge [sflag:s7], $0x4000  }
0xb4: {  	[sflag:s7] =	ssyncset.done $0x0  }
0xb5: {  	[sflag:s7] =	ssyncadd.s32 $0xFFFFC000  }
0xb6: {  	[spmem:s4] =	stream.indirect.scatter.add.f32 [tilespmem:s13], [sflag:$0x3], $0x8, s22, s17, $0xb8;
	[tilespmem:$0x18E00] =	vst v63  }
0xb7: {  	_ =	swait.ge [sflag:s7], $0x2000  }
0xb8: {  	[sflag:s7] =	ssyncset.done $0x0  }
0xb9: {  	[sflag:s7] =	ssyncadd.s32 $0xFFFFE000  }
0xba: {  	[tilespmem:s21], [sflag:$0x1] =	stream.indirect.gather [spmem:s14], $0x10, s29, s17, $0xb8;
	[tilespmem:$0x18E00] =	vst v63  }
0xbb: {  	_ =	swait.ge [sflag:s28], $0x4000  }
0xbc: {  	[sflag:s28] =	ssyncset.done $0x0  }
0xbd: {  	[sflag:s28] =	ssyncadd.s32 $0xFFFFC000  }
0xbe: {  	[spmem:s3] =	stream.indirect.scatter.add.f32 [tilespmem:s23], [sflag:$0x3], $0x10, s26, s17, $0xb8;
	[tilespmem:$0x18E00] =	vst v63  }
0xbf: {  	_ =	swait.ge [sflag:s7], $0x4000  }
0xc0: {  	[sflag:s7] =	ssyncset.done $0x0  }
0xc1: {  	[sflag:s7] =	ssyncadd.s32 $0xFFFFC000  }
0xc2: {  	[spmem:s4] =	stream.indirect.scatter.add.f32 [tilespmem:s13], [sflag:$0x3], $0x8, s26, s17, $0xb8;
	[tilespmem:$0x18E00] =	vst v63  }
0xc3: {  	_ =	swait.ge [sflag:s7], $0x2000  }
0xc4: {  	[sflag:s7] =	ssyncset.done $0x0  }
0xc5: {  	[sflag:s7] =	ssyncadd.s32 $0xFFFFE000  }
0xc6: {  	[tilespmem:s23], [sflag:$0x2] =	stream.indirect.gather [spmem:s14], $0x10, s31, s17, $0xb8;
	[tilespmem:$0x18E00] =	vst v63  }
0xc7: {  	_ =	swait.ge [sflag:s25], $0x4000  }
0xc8: {  	[sflag:s25] =	ssyncset.done $0x0  }
0xc9: {  	[sflag:s25] =	ssyncadd.s32 $0xFFFFC000  }
0xca: {  	[spmem:s3] =	stream.indirect.scatter.add.f32 [tilespmem:s21], [sflag:$0x3], $0x10, s30, s17, $0xb8;
	[tilespmem:$0x18E00] =	vst v63  }
0xcb: {  	_ =	swait.ge [sflag:s7], $0x4000  }
0xcc: {  	[sflag:s7] =	ssyncset.done $0x0  }
0xcd: {  	[sflag:s7] =	ssyncadd.s32 $0xFFFFC000  }
0xce: {  	[spmem:s4] =	stream.indirect.scatter.add.f32 [tilespmem:s13], [sflag:$0x3], $0x8, s30, s17, $0xb8;
	[tilespmem:$0x18E00] =	vst v63  }
0xcf: {  	_ =	swait.ge [sflag:s7], $0x2000  }
0xd0: {  	[sflag:s7] =	ssyncset.done $0x0  }
0xd1: {  	[sflag:s7] =	ssyncadd.s32 $0xFFFFE000  }
0xd2: {  	[tilespmem:s21], [sflag:$0x1] =	stream.indirect.gather [spmem:s14], $0x10, s10, s17, $0xb8;
	[tilespmem:$0x18E00] =	vst v63  }
0xd3: {  	_ =	swait.ge [sflag:s28], $0x4000  }
0xd4: {  	[sflag:s28] =	ssyncset.done $0x0  }
0xd5: {  	[sflag:s28] =	ssyncadd.s32 $0xFFFFC000  }
0xd6: {  	[spmem:s3] =	stream.indirect.scatter.add.f32 [tilespmem:s23], [sflag:$0x3], $0x10, s6, s17, $0xb8;
	[tilespmem:$0x18E00] =	vst v63  }
0xd7: {  	_ =	swait.ge [sflag:s7], $0x4000  }
0xd8: {  	[sflag:s7] =	ssyncset.done $0x0  }
0xd9: {  	[sflag:s7] =	ssyncadd.s32 $0xFFFFC000  }
0xda: {  	[spmem:s4] =	stream.indirect.scatter.add.f32 [tilespmem:s13], [sflag:$0x3], $0x8, s6, s17, $0xb8;
	[tilespmem:$0x18E00] =	vst v63  }
0xdb: {  	_ =	swait.ge [sflag:s7], $0x2000  }
0xdc: {  	[sflag:s7] =	ssyncset.done $0x0  }
0xdd: {  	[sflag:s7] =	ssyncadd.s32 $0xFFFFE000  }
0xde: {  	[tilespmem:s23], [sflag:$0x2] =	stream.indirect.gather [spmem:s14], $0x10, s12, s17, $0xb8;
	[tilespmem:$0x18E00] =	vst v63  }
0xdf: {  	_ =	swait.ge [sflag:s25], $0x4000  }
0xe0: {  	[sflag:s25] =	ssyncset.done $0x0  }
0xe1: {  	[sflag:s25] =	ssyncadd.s32 $0xFFFFC000  }
0xe2: {  	[spmem:s3] =	stream.indirect.scatter.add.f32 [tilespmem:s21], [sflag:$0x3], $0x10, s11, s17, $0xb8;
	[tilespmem:$0x18E00] =	vst v63  }
0xe3: {  	_ =	swait.ge [sflag:s7], $0x4000  }
0xe4: {  	[sflag:s7] =	ssyncset.done $0x0  }
0xe5: {  	[sflag:s7] =	ssyncadd.s32 $0xFFFFC000  }
0xe6: {  	[spmem:s4] =	stream.indirect.scatter.add.f32 [tilespmem:s13], [sflag:$0x3], $0x8, s11, s17, $0xb8;
	[tilespmem:$0x18E00] =	vst v63  }
0xe7: {  	_ =	swait.ge [sflag:s7], $0x2000  }
0xe8: {  	[sflag:s7] =	ssyncset.done $0x0  }
0xe9: {  	[sflag:s7] =	ssyncadd.s32 $0xFFFFE000  }
0xea: {  	[tilespmem:s21], [sflag:$0x1] =	stream.indirect.gather [spmem:s14], $0x10, s16, s17, $0xb8;
	[tilespmem:$0x18E00] =	vst v63  }
0xeb: {  	_ =	swait.ge [sflag:s28], $0x4000  }
0xec: {  	[sflag:s28] =	ssyncset.done $0x0  }
0xed: {  	[sflag:s28] =	ssyncadd.s32 $0xFFFFC000  }
0xee: {  	[spmem:s3] =	stream.indirect.scatter.add.f32 [tilespmem:s23], [sflag:$0x3], $0x10, s2, s17, $0xb8;
	[tilespmem:$0x18E00] =	vst v63  }
0xef: {  	_ =	swait.ge [sflag:s7], $0x4000  }
0xf0: {  	[sflag:s7] =	ssyncset.done $0x0  }
0xf1: {  	[sflag:s7] =	ssyncadd.s32 $0xFFFFC000  }
0xf2: {  	[spmem:s4] =	stream.indirect.scatter.add.f32 [tilespmem:s13], [sflag:$0x3], $0x8, s2, s17, $0xb8;
	[tilespmem:$0x18E00] =	vst v63  }
0xf3: {  	_ =	swait.ge [sflag:s7], $0x2000  }
0xf4: {  	[sflag:s7] =	ssyncset.done $0x0  }
0xf5: {  	[sflag:s7] =	ssyncadd.s32 $0xFFFFE000  }
0xf6: {  	[tilespmem:s23], [sflag:$0x2] =	stream.indirect.gather [spmem:s14], $0x10, s0, s17, $0xb8;
	[tilespmem:$0x18E00] =	vst v63  }
0xf7: {  	_ =	swait.ge [sflag:s25], $0x4000  }
0xf8: {  	[sflag:s25] =	ssyncset.done $0x0  }
0xf9: {  	[sflag:s25] =	ssyncadd.s32 $0xFFFFC000  }
0xfa: {  	[spmem:s3] =	stream.indirect.scatter.add.f32 [tilespmem:s21], [sflag:$0x3], $0x10, s1, s17, $0xb8;
	[tilespmem:$0x18E00] =	vst v63  }
0xfb: {  	_ =	swait.ge [sflag:s7], $0x4000  }
0xfc: {  	[sflag:s7] =	ssyncset.done $0x0  }
0xfd: {  	[sflag:s7] =	ssyncadd.s32 $0xFFFFC000  }
0xfe: {  	[spmem:s4] =	stream.indirect.scatter.add.f32 [tilespmem:s13], [sflag:$0x3], $0x8, s1, s17, $0xb8;
	[tilespmem:$0x18E00] =	vst v63  }
0xff: {  	_ =	swait.ge [sflag:s7], $0x2000  }
0x100: {  	[sflag:s7] =	ssyncset.done $0x0  }
0x101: {  	[sflag:s7] =	ssyncadd.s32 $0xFFFFE000  }
0x102: {  	_ =	swait.ge [sflag:s28], $0x4000  }
0x103: {  	[sflag:s28] =	ssyncset.done $0x0  }
0x104: {  	[sflag:s28] =	ssyncadd.s32 $0xFFFFC000  }
0x105: {  	[spmem:s3] =	stream.indirect.scatter.add.f32 [tilespmem:s23], [sflag:$0x3], $0x10, s19, s17, $0xb8;
	[tilespmem:$0x18E00] =	vst v63  }
0x106: {  	_ =	swait.ge [sflag:s7], $0x4000  }
0x107: {  	[sflag:s7] =	ssyncset.done $0x0  }
0x108: {  	[sflag:s7] =	ssyncadd.s32 $0xFFFFC000  }
0x109: {  	[spmem:s4] =	stream.indirect.scatter.add.f32 [tilespmem:s13], [sflag:$0x3], $0x8, s19, s17, $0xb8;
	[tilespmem:$0x18E00] =	vst v63  }
0x10a: {  	_ =	swait.ge [sflag:s7], $0x2000  }
0x10b: {  	[sflag:s7] =	ssyncset.done $0x0  }
0x10c: {  	[sflag:s7] =	ssyncadd.s32 $0xFFFFE000  }
0x10d: {  	[bflag:$0x0] =	sbarrier.arrive $0xFFFF  }
0x10e: {  	[smem:$0x7FB] =	sst s8  }
0x10f: {  	[tilespmem:s15], [sflag:$0x3] =	stream.linear.gather [spmem:s8], $0x2780, $0x38;
	[tilespmem:$0x18E00] =	vst v63  }
0x110: {  	_ =	swait.ge [sflag:s7], $0x2780  }
0x111: {  	[sflag:s7] =	ssyncset.done $0x0  }
0x112: {  	s20 =	simm.s32 $0x11780;
	[smem:$0x7FC] =	sst s9;
	[sflag:s7] =	ssyncadd.s32 $0xFFFFD880  }
0x113: {  	[tilespmem:s20], [sflag:$0x3] =	stream.linear.gather [spmem:s9], $0x13C0, $0x38;
	[tilespmem:$0x18E00] =	vst v63  }
0x114: {  	_ =	swait.ge [sflag:s7], $0x13C0  }
0x115: {  	s24 =	simm.s32 $0x10;
	[sflag:s7] =	ssyncset.done $0x0  }
0x116: {  	s22 =	simm.s32 $0x80;
	s30 =	rddreg [dreg:$0x1d];
	[sflag:s7] =	ssyncadd.s32 $0xFFFFEC40  }
0x117: {  	[hbm4b:s30+s24] =	stream.strided.scatter [tilespmem:s15], [sflag:$0x3], $0x2780, s22, s24, $0x38;
	[tilespmem:$0x18E00] =	vst v63  }
0x118: {  	_ =	swait.ge [sflag:s7], $0x2780  }
0x119: {  	s26 =	sld [smem:$0x7FD];
	_ =	sdelay $0x2  }
0x11a: {  	s0 =	ssub.s32 $0x2, s26  }
0x11b: {  	s30 =	sshrl.u32 s0, $0x1  }
0x11c: {  	s30 =	ssub.s32 s0, s30  }
0x11d: {  	s30 =	smax.u32 s30, $0x1  }
0x11e: {  	p0 =	sne.s32 s30, $0x1  }
.Ltmp0:
0x11f: {  	_ = 	snop;
	(pc) =	sbr.rel @!p0 .LBB2_3-.Ltmp0, $4  }
0x120: {  	[sflag:s7] =	ssyncset.done $0x0  }
0x121: {  	s31 =	simm.s32 $0x8;
	s29 =	rddreg [dreg:$0x1e];
	[sflag:s7] =	ssyncadd.s32 $0xFFFFD880  }
0x122: {  	[hbm4b:s29+s31] =	stream.strided.scatter [tilespmem:s20], [sflag:$0x3], $0x13C0, s22, s31, $0x38;
	[tilespmem:$0x18E00] =	vst v63  }
0x123: {  	_ =	swait.ge [sflag:s7], $0x13C0;
	s30 =	sadd.s32 $0xFFFFFFFF, s30  }
0x124: {  	s18 =	simm.s32 $0x2800  }
0x125: {  	s20 =	simm.s32 $0x2C00;
	s6 =	simm.s32 $0x800;
	s22 =	simm.s32 $0x3000  }
0x126: {  	s24 =	simm.s32 $0xC00;
	s26 =	simm.s32 $0x3400;
	s29 =	simm.s32 $0x1000  }
0x127: {  	s31 =	simm.s32 $0x3800;
	s19 =	simm.s32 $0x3C00;
	s10 =	simm.s32 $0x1800  }
0x128: {  	s11 =	simm.s32 $0x4000;
	s12 =	simm.s32 $0x1C00;
	s16 =	simm.s32 $0x4400  }
0x129: {  	s14 =	simm.s32 $0x2000;
	s9 =	simm.s32 $0x2400;
	s8 =	simm.s32 $0x4C00  }
.LBB2_2:
0x12a: {  	s0 =	rddreg [dreg:$0x7];
	[sflag:s7] =	ssyncset.done $0x0;
	s3 =	simm.s32 $0x10  }
0x12b: {  	s1 =	simm.s32 $0x80;
	s2 =	simm.s32 $0xF000;
	[sflag:s7] =	ssyncadd.s32 $0xFFFFEC40  }
0x12c: {  	[tilespmem:s2], [sflag:$0x3] =	stream.strided.gather [hbm4b:s0+s3], $0x2780, s1, s3, $0x38;
	[tilespmem:$0x18E00] =	vst v63  }
0x12d: {  	_ =	swait.ge [sflag:s7], $0x2780  }
0x12e: {  	[sflag:s7] =	ssyncset.done $0x0  }
0x12f: {  	s3 =	rddreg [dreg:$0x8];
	[sflag:s7] =	ssyncadd.s32 $0xFFFFD880  }
0x130: {  	[spmem:s3] =	stream.linear.scatter [tilespmem:s2], [sflag:$0x3], $0x2780, $0x38;
	[tilespmem:$0x18E00] =	vst v63  }
0x131: {  	_ =	swait.ge [sflag:s7], $0x2780  }
0x132: {  	[sflag:s7] =	ssyncset.done $0x0  }
0x133: {  	s0 =	rddreg [dreg:$0x1f];
	[sflag:s7] =	ssyncadd.s32 $0xFFFFD880  }
0x134: {  	[tilespmem:s2], [sflag:$0x3] =	stream.linear.gather [hbm4b:s0+s5], $0x2780, $0x38;
	[tilespmem:$0x18E00] =	vst v63  }
0x135: {  	_ =	swait.ge [sflag:s7], $0x2780  }
0x136: {  	s4 =	sld [smem:$0x7FB]  }
0x137: {  	[sflag:s7] =	ssyncset.done $0x0  }
0x138: {  	[sflag:s7] =	ssyncadd.s32 $0xFFFFD880  }
0x139: {  	[spmem:s4] =	stream.linear.scatter [tilespmem:s2], [sflag:$0x3], $0x2780, $0x38;
	[tilespmem:$0x18E00] =	vst v63  }
0x13a: {  	_ =	swait.ge [sflag:s7], $0x2780  }
0x13b: {  	s15 =	simm.s32 $0x8;
	[sflag:s7] =	ssyncset.done $0x0  }
0x13c: {  	s1 =	simm.s32 $0x10;
	s4 =	simm.s32 $0x11780;
	[sflag:s7] =	ssyncadd.s32 $0xFFFFD880  }
0x13d: {  	[tilespmem:s4], [sflag:$0x3] =	stream.strided.gather [hbm4b:s0+s15], $0x13C0, s1, s15, $0x38;
	[tilespmem:$0x18E00] =	vst v63  }
0x13e: {  	_ =	swait.ge [sflag:s7], $0x13C0  }
0x13f: {  	s3 =	sld [smem:$0x7FC]  }
0x140: {  	[sflag:s7] =	ssyncset.done $0x0  }
0x141: {  	[sflag:s7] =	ssyncadd.s32 $0xFFFFEC40  }
0x142: {  	[spmem:s3] =	stream.linear.scatter [tilespmem:s4], [sflag:$0x3], $0x13C0, $0x38;
	[tilespmem:$0x18E00] =	vst v63  }
0x143: {  	_ =	swait.ge [sflag:s7], $0x13C0  }
0x144: {  	[sflag:s7] =	ssyncset.done $0x0  }
0x145: {  	s4 =	rddreg [dreg:$0x6];
	[sflag:s7] =	ssyncadd.s32 $0xFFFFEC40  }
0x146: {  	[tilespmem:s13], [sflag:$0x3] =	stream.linear.gather [hbm4b:s4+s5], $0x2000, $0x38;
	[tilespmem:$0x18E00] =	vst v63  }
0x147: {  	_ =	swait.ge [sflag:s7], $0x2000  }
0x148: {  	[sflag:s7] =	ssyncset.done $0x0  }
0x149: {  	s15 =	rddreg [dreg:$0x9];
	[sflag:s7] =	ssyncadd.s32 $0xFFFFE000  }
0x14a: {  	[tilespmem:s5], [sflag:$0x3] =	stream.linear.gather [hbm4b:s15+s5], $0x400, $0x38;
	[tilespmem:$0x18E00] =	vst v63  }
0x14b: {  	_ =	swait.ge [sflag:s7], $0x400  }
0x14c: {  	[sflag:s7] =	ssyncset.done $0x0  }
0x14d: {  	s1 =	rddreg [dreg:$0xa];
	[sflag:s7] =	ssyncadd.s32 $0xFFFFFC00  }
0x14e: {  	[tilespmem:s18], [sflag:$0x3] =	stream.linear.gather [hbm4b:s1+s5], $0x400, $0x38;
	[tilespmem:$0x18E00] =	vst v63  }
0x14f: {  	_ =	swait.ge [sflag:s7], $0x400  }
0x150: {  	[sflag:s7] =	ssyncset.done $0x0  }
0x151: {  	s3 =	rddreg [dreg:$0xb];
	[sflag:s7] =	ssyncadd.s32 $0xFFFFFC00  }
0x152: {  	[tilespmem:s17], [sflag:$0x3] =	stream.linear.gather [hbm4b:s3+s5], $0x400, $0x38;
	[tilespmem:$0x18E00] =	vst v63  }
0x153: {  	_ =	swait.ge [sflag:s7], $0x400  }
0x154: {  	[sflag:s7] =	ssyncset.done $0x0  }
0x155: {  	s4 =	rddreg [dreg:$0xc];
	[sflag:s7] =	ssyncadd.s32 $0xFFFFFC00  }
0x156: {  	[tilespmem:s20], [sflag:$0x3] =	stream.linear.gather [hbm4b:s4+s5], $0x400, $0x38;
	[tilespmem:$0x18E00] =	vst v63  }
0x157: {  	_ =	swait.ge [sflag:s7], $0x400  }
0x158: {  	[sflag:s7] =	ssyncset.done $0x0  }
0x159: {  	s15 =	rddreg [dreg:$0xd];
	[sflag:s7] =	ssyncadd.s32 $0xFFFFFC00  }
0x15a: {  	[tilespmem:s6], [sflag:$0x3] =	stream.linear.gather [hbm4b:s15+s5], $0x400, $0x38;
	[tilespmem:$0x18E00] =	vst v63  }
0x15b: {  	_ =	swait.ge [sflag:s7], $0x400  }
0x15c: {  	[sflag:s7] =	ssyncset.done $0x0  }
0x15d: {  	s1 =	rddreg [dreg:$0xe];
	[sflag:s7] =	ssyncadd.s32 $0xFFFFFC00  }
0x15e: {  	[tilespmem:s22], [sflag:$0x3] =	stream.linear.gather [hbm4b:s1+s5], $0x400, $0x38;
	[tilespmem:$0x18E00] =	vst v63  }
0x15f: {  	_ =	swait.ge [sflag:s7], $0x400  }
0x160: {  	[sflag:s7] =	ssyncset.done $0x0  }
0x161: {  	s3 =	rddreg [dreg:$0xf];
	[sflag:s7] =	ssyncadd.s32 $0xFFFFFC00  }
0x162: {  	[tilespmem:s24], [sflag:$0x3] =	stream.linear.gather [hbm4b:s3+s5], $0x400, $0x38;
	[tilespmem:$0x18E00] =	vst v63  }
0x163: {  	_ =	swait.ge [sflag:s7], $0x400  }
0x164: {  	[sflag:s7] =	ssyncset.done $0x0  }
0x165: {  	s4 =	rddreg [dreg:$0x10];
	[sflag:s7] =	ssyncadd.s32 $0xFFFFFC00  }
0x166: {  	[tilespmem:s26], [sflag:$0x3] =	stream.linear.gather [hbm4b:s4+s5], $0x400, $0x38;
	[tilespmem:$0x18E00] =	vst v63  }
0x167: {  	_ =	swait.ge [sflag:s7], $0x400  }
0x168: {  	[sflag:s7] =	ssyncset.done $0x0  }
0x169: {  	s15 =	rddreg [dreg:$0x11];
	[sflag:s7] =	ssyncadd.s32 $0xFFFFFC00  }
0x16a: {  	[tilespmem:s29], [sflag:$0x3] =	stream.linear.gather [hbm4b:s15+s5], $0x400, $0x38;
	[tilespmem:$0x18E00] =	vst v63  }
0x16b: {  	_ =	swait.ge [sflag:s7], $0x400  }
0x16c: {  	[sflag:s7] =	ssyncset.done $0x0  }
0x16d: {  	s1 =	rddreg [dreg:$0x12];
	[sflag:s7] =	ssyncadd.s32 $0xFFFFFC00  }
0x16e: {  	[tilespmem:s31], [sflag:$0x3] =	stream.linear.gather [hbm4b:s1+s5], $0x400, $0x38;
	[tilespmem:$0x18E00] =	vst v63  }
0x16f: {  	_ =	swait.ge [sflag:s7], $0x400  }
0x170: {  	[sflag:s7] =	ssyncset.done $0x0  }
0x171: {  	s1 =	simm.s32 $0x1400;
	s3 =	rddreg [dreg:$0x13];
	[sflag:s7] =	ssyncadd.s32 $0xFFFFFC00  }
0x172: {  	[tilespmem:s1], [sflag:$0x3] =	stream.linear.gather [hbm4b:s3+s5], $0x400, $0x38;
	[tilespmem:$0x18E00] =	vst v63  }
0x173: {  	_ =	swait.ge [sflag:s7], $0x400  }
0x174: {  	[sflag:s7] =	ssyncset.done $0x0  }
0x175: {  	s4 =	rddreg [dreg:$0x14];
	[sflag:s7] =	ssyncadd.s32 $0xFFFFFC00  }
0x176: {  	[tilespmem:s19], [sflag:$0x3] =	stream.linear.gather [hbm4b:s4+s5], $0x400, $0x38;
	[tilespmem:$0x18E00] =	vst v63  }
0x177: {  	_ =	swait.ge [sflag:s7], $0x400  }
0x178: {  	[sflag:s7] =	ssyncset.done $0x0  }
0x179: {  	s15 =	rddreg [dreg:$0x15];
	[sflag:s7] =	ssyncadd.s32 $0xFFFFFC00  }
0x17a: {  	[tilespmem:s10], [sflag:$0x3] =	stream.linear.gather [hbm4b:s15+s5], $0x400, $0x38;
	[tilespmem:$0x18E00] =	vst v63  }
0x17b: {  	_ =	swait.ge [sflag:s7], $0x400  }
0x17c: {  	[sflag:s7] =	ssyncset.done $0x0  }
0x17d: {  	s3 =	rddreg [dreg:$0x16];
	[sflag:s7] =	ssyncadd.s32 $0xFFFFFC00  }
0x17e: {  	[tilespmem:s11], [sflag:$0x3] =	stream.linear.gather [hbm4b:s3+s5], $0x400, $0x38;
	[tilespmem:$0x18E00] =	vst v63  }
0x17f: {  	_ =	swait.ge [sflag:s7], $0x400  }
0x180: {  	[sflag:s7] =	ssyncset.done $0x0  }
0x181: {  	s4 =	rddreg [dreg:$0x17];
	[sflag:s7] =	ssyncadd.s32 $0xFFFFFC00  }
0x182: {  	[tilespmem:s12], [sflag:$0x3] =	stream.linear.gather [hbm4b:s4+s5], $0x400, $0x38;
	[tilespmem:$0x18E00] =	vst v63  }
0x183: {  	_ =	swait.ge [sflag:s7], $0x400  }
0x184: {  	[sflag:s7] =	ssyncset.done $0x0  }
0x185: {  	s15 =	rddreg [dreg:$0x18];
	[sflag:s7] =	ssyncadd.s32 $0xFFFFFC00  }
0x186: {  	[tilespmem:s16], [sflag:$0x3] =	stream.linear.gather [hbm4b:s15+s5], $0x400, $0x38;
	[tilespmem:$0x18E00] =	vst v63  }
0x187: {  	_ =	swait.ge [sflag:s7], $0x400  }
0x188: {  	[sflag:s7] =	ssyncset.done $0x0  }
0x189: {  	s3 =	rddreg [dreg:$0x19];
	[sflag:s7] =	ssyncadd.s32 $0xFFFFFC00  }
0x18a: {  	[tilespmem:s14], [sflag:$0x3] =	stream.linear.gather [hbm4b:s3+s5], $0x400, $0x38;
	[tilespmem:$0x18E00] =	vst v63  }
0x18b: {  	_ =	swait.ge [sflag:s7], $0x400  }
0x18c: {  	[sflag:s7] =	ssyncset.done $0x0  }
0x18d: {  	s3 =	simm.s32 $0x4800;
	s4 =	rddreg [dreg:$0x1a];
	[sflag:s7] =	ssyncadd.s32 $0xFFFFFC00  }
0x18e: {  	[tilespmem:s3], [sflag:$0x3] =	stream.linear.gather [hbm4b:s4+s5], $0x400, $0x38;
	[tilespmem:$0x18E00] =	vst v63  }
0x18f: {  	_ =	swait.ge [sflag:s7], $0x400  }
0x190: {  	[sflag:s7] =	ssyncset.done $0x0  }
0x191: {  	s15 =	rddreg [dreg:$0x1b];
	[sflag:s7] =	ssyncadd.s32 $0xFFFFFC00  }
0x192: {  	[tilespmem:s9], [sflag:$0x3] =	stream.linear.gather [hbm4b:s15+s5], $0x400, $0x38;
	[tilespmem:$0x18E00] =	vst v63  }
0x193: {  	_ =	swait.ge [sflag:s7], $0x400  }
0x194: {  	[sflag:s7] =	ssyncset.done $0x0  }
0x195: {  	s4 =	rddreg [dreg:$0x1c];
	[sflag:s7] =	ssyncadd.s32 $0xFFFFFC00  }
0x196: {  	[tilespmem:s8], [sflag:$0x3] =	stream.linear.gather [hbm4b:s4+s5], $0x400, $0x38;
	[tilespmem:$0x18E00] =	vst v63  }
0x197: {  	_ =	swait.ge [sflag:s7], $0x400  }
0x198: {  	[sflag:s7] =	ssyncset.done $0x0  }
0x199: {  	[sflag:s7] =	ssyncadd.s32 $0xFFFFFC00  }
0x19a: {  	[bflag:$0x0] =	sbarrier.arrive $0xFFFF  }
0x19b: {  	s0 =	rddreg [dreg:$0x2]  }
0x19c: {  	[tilespmem:s21], [sflag:$0x1] =	stream.indirect.gather [spmem:s0], $0x10, s5, s17, $0xb8;
	[tilespmem:$0x18E00] =	vst v63  }
0x19d: {  	_ = 	snop  }
0x19e: {  	[tilespmem:s23], [sflag:$0x2] =	stream.indirect.gather [spmem:s0], $0x10, s17, s17, $0xb8;
	[tilespmem:$0x18E00] =	vst v63  }
0x19f: {  	_ =	swait.ge [sflag:s25], $0x4000  }
0x1a0: {  	[sflag:s25] =	ssyncset.done $0x0  }
0x1a1: {  	[sflag:s25] =	ssyncadd.s32 $0xFFFFC000  }
0x1a2: {  	s4 =	rddreg [dreg:$0x3]  }
0x1a3: {  	[spmem:s4] =	stream.indirect.scatter.add.f32 [tilespmem:s21], [sflag:$0x3], $0x10, s18, s17, $0xb8;
	[tilespmem:$0x18E00] =	vst v63  }
0x1a4: {  	_ =	swait.ge [sflag:s7], $0x4000  }
0x1a5: {  	[sflag:s7] =	ssyncset.done $0x0  }
0x1a6: {  	[sflag:s7] =	ssyncadd.s32 $0xFFFFC000  }
0x1a7: {  	s15 =	rddreg [dreg:$0x4]  }
0x1a8: {  	[spmem:s15] =	stream.indirect.scatter.add.f32 [tilespmem:s13], [sflag:$0x3], $0x8, s18, s17, $0xb8;
	[tilespmem:$0x18E00] =	vst v63  }
0x1a9: {  	_ =	swait.ge [sflag:s7], $0x2000  }
0x1aa: {  	[sflag:s7] =	ssyncset.done $0x0  }
0x1ab: {  	[sflag:s7] =	ssyncadd.s32 $0xFFFFE000  }
0x1ac: {  	[tilespmem:s21], [sflag:$0x1] =	stream.indirect.gather [spmem:s0], $0x10, s6, s17, $0xb8;
	[tilespmem:$0x18E00] =	vst v63  }
0x1ad: {  	_ =	swait.ge [sflag:s28], $0x4000  }
0x1ae: {  	[sflag:s28] =	ssyncset.done $0x0  }
0x1af: {  	[sflag:s28] =	ssyncadd.s32 $0xFFFFC000  }
0x1b0: {  	[spmem:s4] =	stream.indirect.scatter.add.f32 [tilespmem:s23], [sflag:$0x3], $0x10, s20, s17, $0xb8;
	[tilespmem:$0x18E00] =	vst v63  }
0x1b1: {  	_ =	swait.ge [sflag:s7], $0x4000  }
0x1b2: {  	[sflag:s7] =	ssyncset.done $0x0  }
0x1b3: {  	[sflag:s7] =	ssyncadd.s32 $0xFFFFC000  }
0x1b4: {  	[spmem:s15] =	stream.indirect.scatter.add.f32 [tilespmem:s13], [sflag:$0x3], $0x8, s20, s17, $0xb8;
	[tilespmem:$0x18E00] =	vst v63  }
0x1b5: {  	_ =	swait.ge [sflag:s7], $0x2000  }
0x1b6: {  	[sflag:s7] =	ssyncset.done $0x0  }
0x1b7: {  	[sflag:s7] =	ssyncadd.s32 $0xFFFFE000  }
0x1b8: {  	[tilespmem:s23], [sflag:$0x2] =	stream.indirect.gather [spmem:s0], $0x10, s24, s17, $0xb8;
	[tilespmem:$0x18E00] =	vst v63  }
0x1b9: {  	_ =	swait.ge [sflag:s25], $0x4000  }
0x1ba: {  	[sflag:s25] =	ssyncset.done $0x0  }
0x1bb: {  	[sflag:s25] =	ssyncadd.s32 $0xFFFFC000  }
0x1bc: {  	[spmem:s4] =	stream.indirect.scatter.add.f32 [tilespmem:s21], [sflag:$0x3], $0x10, s22, s17, $0xb8;
	[tilespmem:$0x18E00] =	vst v63  }
0x1bd: {  	_ =	swait.ge [sflag:s7], $0x4000  }
0x1be: {  	[sflag:s7] =	ssyncset.done $0x0  }
0x1bf: {  	[sflag:s7] =	ssyncadd.s32 $0xFFFFC000  }
0x1c0: {  	[spmem:s15] =	stream.indirect.scatter.add.f32 [tilespmem:s13], [sflag:$0x3], $0x8, s22, s17, $0xb8;
	[tilespmem:$0x18E00] =	vst v63  }
0x1c1: {  	_ =	swait.ge [sflag:s7], $0x2000  }
0x1c2: {  	[sflag:s7] =	ssyncset.done $0x0  }
0x1c3: {  	[sflag:s7] =	ssyncadd.s32 $0xFFFFE000  }
0x1c4: {  	[tilespmem:s21], [sflag:$0x1] =	stream.indirect.gather [spmem:s0], $0x10, s29, s17, $0xb8;
	[tilespmem:$0x18E00] =	vst v63  }
0x1c5: {  	_ =	swait.ge [sflag:s28], $0x4000  }
0x1c6: {  	[sflag:s28] =	ssyncset.done $0x0  }
0x1c7: {  	[sflag:s28] =	ssyncadd.s32 $0xFFFFC000  }
0x1c8: {  	[spmem:s4] =	stream.indirect.scatter.add.f32 [tilespmem:s23], [sflag:$0x3], $0x10, s26, s17, $0xb8;
	[tilespmem:$0x18E00] =	vst v63  }
0x1c9: {  	_ =	swait.ge [sflag:s7], $0x4000  }
0x1ca: {  	[sflag:s7] =	ssyncset.done $0x0  }
0x1cb: {  	[sflag:s7] =	ssyncadd.s32 $0xFFFFC000  }
0x1cc: {  	[spmem:s15] =	stream.indirect.scatter.add.f32 [tilespmem:s13], [sflag:$0x3], $0x8, s26, s17, $0xb8;
	[tilespmem:$0x18E00] =	vst v63  }
0x1cd: {  	_ =	swait.ge [sflag:s7], $0x2000  }
0x1ce: {  	[sflag:s7] =	ssyncset.done $0x0  }
0x1cf: {  	[sflag:s7] =	ssyncadd.s32 $0xFFFFE000  }
0x1d0: {  	[tilespmem:s23], [sflag:$0x2] =	stream.indirect.gather [spmem:s0], $0x10, s1, s17, $0xb8;
	[tilespmem:$0x18E00] =	vst v63  }
0x1d1: {  	_ =	swait.ge [sflag:s25], $0x4000  }
0x1d2: {  	[sflag:s25] =	ssyncset.done $0x0  }
0x1d3: {  	[sflag:s25] =	ssyncadd.s32 $0xFFFFC000  }
0x1d4: {  	[spmem:s4] =	stream.indirect.scatter.add.f32 [tilespmem:s21], [sflag:$0x3], $0x10, s31, s17, $0xb8;
	[tilespmem:$0x18E00] =	vst v63  }
0x1d5: {  	_ =	swait.ge [sflag:s7], $0x4000  }
0x1d6: {  	[sflag:s7] =	ssyncset.done $0x0  }
0x1d7: {  	[sflag:s7] =	ssyncadd.s32 $0xFFFFC000  }
0x1d8: {  	[spmem:s15] =	stream.indirect.scatter.add.f32 [tilespmem:s13], [sflag:$0x3], $0x8, s31, s17, $0xb8;
	[tilespmem:$0x18E00] =	vst v63  }
0x1d9: {  	_ =	swait.ge [sflag:s7], $0x2000  }
0x1da: {  	[sflag:s7] =	ssyncset.done $0x0  }
0x1db: {  	[sflag:s7] =	ssyncadd.s32 $0xFFFFE000  }
0x1dc: {  	[tilespmem:s21], [sflag:$0x1] =	stream.indirect.gather [spmem:s0], $0x10, s10, s17, $0xb8;
	[tilespmem:$0x18E00] =	vst v63  }
0x1dd: {  	_ =	swait.ge [sflag:s28], $0x4000  }
0x1de: {  	[sflag:s28] =	ssyncset.done $0x0  }
0x1df: {  	[sflag:s28] =	ssyncadd.s32 $0xFFFFC000  }
0x1e0: {  	[spmem:s4] =	stream.indirect.scatter.add.f32 [tilespmem:s23], [sflag:$0x3], $0x10, s19, s17, $0xb8;
	[tilespmem:$0x18E00] =	vst v63  }
0x1e1: {  	_ =	swait.ge [sflag:s7], $0x4000  }
0x1e2: {  	[sflag:s7] =	ssyncset.done $0x0  }
0x1e3: {  	[sflag:s7] =	ssyncadd.s32 $0xFFFFC000  }
0x1e4: {  	[spmem:s15] =	stream.indirect.scatter.add.f32 [tilespmem:s13], [sflag:$0x3], $0x8, s19, s17, $0xb8;
	[tilespmem:$0x18E00] =	vst v63  }
0x1e5: {  	_ =	swait.ge [sflag:s7], $0x2000  }
0x1e6: {  	[sflag:s7] =	ssyncset.done $0x0  }
0x1e7: {  	[sflag:s7] =	ssyncadd.s32 $0xFFFFE000  }
0x1e8: {  	[tilespmem:s23], [sflag:$0x2] =	stream.indirect.gather [spmem:s0], $0x10, s12, s17, $0xb8;
	[tilespmem:$0x18E00] =	vst v63  }
0x1e9: {  	_ =	swait.ge [sflag:s25], $0x4000  }
0x1ea: {  	[sflag:s25] =	ssyncset.done $0x0  }
0x1eb: {  	[sflag:s25] =	ssyncadd.s32 $0xFFFFC000  }
0x1ec: {  	[spmem:s4] =	stream.indirect.scatter.add.f32 [tilespmem:s21], [sflag:$0x3], $0x10, s11, s17, $0xb8;
	[tilespmem:$0x18E00] =	vst v63  }
0x1ed: {  	_ =	swait.ge [sflag:s7], $0x4000  }
0x1ee: {  	[sflag:s7] =	ssyncset.done $0x0  }
0x1ef: {  	[sflag:s7] =	ssyncadd.s32 $0xFFFFC000  }
0x1f0: {  	[spmem:s15] =	stream.indirect.scatter.add.f32 [tilespmem:s13], [sflag:$0x3], $0x8, s11, s17, $0xb8;
	[tilespmem:$0x18E00] =	vst v63  }
0x1f1: {  	_ =	swait.ge [sflag:s7], $0x2000  }
0x1f2: {  	[sflag:s7] =	ssyncset.done $0x0  }
0x1f3: {  	[sflag:s7] =	ssyncadd.s32 $0xFFFFE000  }
0x1f4: {  	[tilespmem:s21], [sflag:$0x1] =	stream.indirect.gather [spmem:s0], $0x10, s14, s17, $0xb8;
	[tilespmem:$0x18E00] =	vst v63  }
0x1f5: {  	_ =	swait.ge [sflag:s28], $0x4000  }
0x1f6: {  	[sflag:s28] =	ssyncset.done $0x0  }
0x1f7: {  	[sflag:s28] =	ssyncadd.s32 $0xFFFFC000  }
0x1f8: {  	[spmem:s4] =	stream.indirect.scatter.add.f32 [tilespmem:s23], [sflag:$0x3], $0x10, s16, s17, $0xb8;
	[tilespmem:$0x18E00] =	vst v63  }
0x1f9: {  	_ =	swait.ge [sflag:s7], $0x4000  }
0x1fa: {  	[sflag:s7] =	ssyncset.done $0x0  }
0x1fb: {  	[sflag:s7] =	ssyncadd.s32 $0xFFFFC000  }
0x1fc: {  	[spmem:s15] =	stream.indirect.scatter.add.f32 [tilespmem:s13], [sflag:$0x3], $0x8, s16, s17, $0xb8;
	[tilespmem:$0x18E00] =	vst v63  }
0x1fd: {  	_ =	swait.ge [sflag:s7], $0x2000  }
0x1fe: {  	[sflag:s7] =	ssyncset.done $0x0  }
0x1ff: {  	[sflag:s7] =	ssyncadd.s32 $0xFFFFE000  }
0x200: {  	[tilespmem:s23], [sflag:$0x2] =	stream.indirect.gather [spmem:s0], $0x10, s9, s17, $0xb8;
	[tilespmem:$0x18E00] =	vst v63  }
0x201: {  	_ =	swait.ge [sflag:s25], $0x4000  }
0x202: {  	[sflag:s25] =	ssyncset.done $0x0  }
0x203: {  	[sflag:s25] =	ssyncadd.s32 $0xFFFFC000  }
0x204: {  	[spmem:s4] =	stream.indirect.scatter.add.f32 [tilespmem:s21], [sflag:$0x3], $0x10, s3, s17, $0xb8;
	[tilespmem:$0x18E00] =	vst v63  }
0x205: {  	_ =	swait.ge [sflag:s7], $0x4000  }
0x206: {  	[sflag:s7] =	ssyncset.done $0x0  }
0x207: {  	[sflag:s7] =	ssyncadd.s32 $0xFFFFC000  }
0x208: {  	[spmem:s15] =	stream.indirect.scatter.add.f32 [tilespmem:s13], [sflag:$0x3], $0x8, s3, s17, $0xb8;
	[tilespmem:$0x18E00] =	vst v63  }
0x209: {  	_ =	swait.ge [sflag:s7], $0x2000  }
0x20a: {  	[sflag:s7] =	ssyncset.done $0x0  }
0x20b: {  	[sflag:s7] =	ssyncadd.s32 $0xFFFFE000  }
0x20c: {  	_ =	swait.ge [sflag:s28], $0x4000  }
0x20d: {  	[sflag:s28] =	ssyncset.done $0x0  }
0x20e: {  	[sflag:s28] =	ssyncadd.s32 $0xFFFFC000  }
0x20f: {  	[spmem:s4] =	stream.indirect.scatter.add.f32 [tilespmem:s23], [sflag:$0x3], $0x10, s8, s17, $0xb8;
	[tilespmem:$0x18E00] =	vst v63  }
0x210: {  	_ =	swait.ge [sflag:s7], $0x4000  }
0x211: {  	[sflag:s7] =	ssyncset.done $0x0  }
0x212: {  	[sflag:s7] =	ssyncadd.s32 $0xFFFFC000  }
0x213: {  	[spmem:s15] =	stream.indirect.scatter.add.f32 [tilespmem:s13], [sflag:$0x3], $0x8, s8, s17, $0xb8;
	[tilespmem:$0x18E00] =	vst v63  }
0x214: {  	_ =	swait.ge [sflag:s7], $0x2000  }
0x215: {  	[sflag:s7] =	ssyncset.done $0x0  }
0x216: {  	[sflag:s7] =	ssyncadd.s32 $0xFFFFE000  }
0x217: {  	[bflag:$0x0] =	sbarrier.arrive $0xFFFF  }
0x218: {  	s15 =	sld [smem:$0x7FB];
	_ =	sdelay $0x2  }
0x219: {  	[tilespmem:s2], [sflag:$0x3] =	stream.linear.gather [spmem:s15], $0x2780, $0x38;
	[tilespmem:$0x18E00] =	vst v63  }
0x21a: {  	_ =	swait.ge [sflag:s7], $0x2780  }
0x21b: {  	s1 =	sld [smem:$0x7FC]  }
0x21c: {  	[sflag:s7] =	ssyncset.done $0x0  }
0x21d: {  	s3 =	simm.s32 $0x11780;
	[sflag:s7] =	ssyncadd.s32 $0xFFFFD880  }
0x21e: {  	[tilespmem:s3], [sflag:$0x3] =	stream.linear.gather [spmem:s1], $0x13C0, $0x38;
	[tilespmem:$0x18E00] =	vst v63  }
0x21f: {  	_ =	swait.ge [sflag:s7], $0x13C0  }
0x220: {  	p0 =	sne.s32 s30, $0x1;
	s15 =	simm.s32 $0x10;
	[sflag:s7] =	ssyncset.done $0x0  }
0x221: {  	s1 =	simm.s32 $0x80;
	s4 =	rddreg [dreg:$0x1d];
	[sflag:s7] =	ssyncadd.s32 $0xFFFFEC40  }
0x222: {  	[hbm4b:s4+s15] =	stream.strided.scatter [tilespmem:s2], [sflag:$0x3], $0x2780, s1, s15, $0x38;
	[tilespmem:$0x18E00] =	vst v63  }
.Ltmp1:
0x223: {  	_ =	swait.ge [sflag:s7], $0x2780;
	(pc) =	sbr.rel @p0 .LBB2_2-.Ltmp1, $4  }
0x224: {  	[sflag:s7] =	ssyncset.done $0x0  }
0x225: {  	s15 =	simm.s32 $0x8;
	s4 =	rddreg [dreg:$0x1e];
	[sflag:s7] =	ssyncadd.s32 $0xFFFFD880  }
0x226: {  	[hbm4b:s4+s15] =	stream.strided.scatter [tilespmem:s3], [sflag:$0x3], $0x13C0, s1, s15, $0x38;
	[tilespmem:$0x18E00] =	vst v63  }
0x227: {  	s30 =	sadd.s32 $0xFFFFFFFF, s30;
	_ =	swait.ge [sflag:s7], $0x13C0  }
.LBB2_3:
0x228: {  	[sflag:s7] =	ssyncset.done $0x0  }
0x229: {  	[sflag:s7] =	ssyncadd.s32 $0xFFFFEC40  }
0x22a: {  	_ =	sfence.sel $0x180000  }
0x22b: {  	[bflag:$0x0] =	sbarrier.arrive $0xFFFF  }
0x22c: {  	_ =	strace $0x90000047  }
0x22d: {  	s0 =	stileid.u32;
	[bflag:$0x2] =	sbarrier.arrive $0xFFFF  }
0x22e: {  	p0 =	sne.s32 s0, $0x0;
	s0 =	rddreg [dreg:$0x5]  }
0x22f: {  	s0 =	sadd.s32 @!p0 $0x100000, s0  }
0x230: {  	[sflag:s0] =	ssyncadd.tile.s32 @!p0 $0x1;
	_ =	shalt  }
.Lfunc_end2:
_tile_overlayer_lowered:
.L_overlay_start_2:
0x231: {  	(tag) =	ssettag $0x2  }
0x232: {  	s0 =	rddreg [dreg:$0x0];
	s2 =	stileid.u32  }
0x233: {  	s1 =	rddreg [dreg:$0x1];
	p0 =	sne.s32 s2, $0x0  }
0x234: {  	s3 =	rddreg [dreg:$0x2];
	[bflag:$0x3] =	sbarrier.arrive $0xFFFF;
	s2 =	simm.s32 @!p0 $0x1C03  }
0x235: {  	[timem:s3], [sflag:s2] =	dma.local @!p0 [hbm:s0], s1  }
0x236: {  	s0 =	simm.s32 @!p0 $0x3  }
0x237: {  	_ =	swait.ge @!p0 [sflag:s0], s1  }
0x238: {  	s1 =	ssub.s32 @!p0 $0x0, s1;
	[sflag:s0] =	ssyncset.done @!p0 $0x0  }
0x239: {  	[sflag:s0] =	ssyncadd.s32 @!p0 s1  }
0x23a: {  	[bflag:$0x3] =	sbarrier.arrive $0xFFFF  }
0x23b: {  	_ =	shalt  }

</sc_bundles>
